<compile_context>
chip_gen: v7x
topology: tpu7x:2x2x1
jax: 0.10.2.dev20260603
libtpu: 0.0.44.dev20260713+nightly
codegen_flags: <defaults>
</compile_context>

<pallas_src>
import functools

import jax
import jax.numpy as jnp
import numpy as np
from jax import lax
from jax.experimental import pallas as pl
from jax.experimental.pallas import tpu as pltpu
from jax.experimental.pallas import tpu_sc as plsc

_CUTOFF = 5.0
_MAX_RADIAL = 8
_MAX_ANGULAR = 3


def _np_jn(l, x):
    x = np.asarray(x, dtype=np.float64)
    j0 = np.sin(x) / x
    if l == 0:
        return j0
    j1 = np.sin(x) / x**2 - np.cos(x) / x
    if l == 1:
        return j1
    jm, jc = j0, j1
    for ll in range(1, l):
        jm, jc = jc, (2 * ll + 1) / x * jc - jm
    return jc


def _np_bessel_zeros(l, z_max):
    xs = np.arange(0.5, z_max + 1.0, 0.005)
    vals = _np_jn(l, xs)
    idx = np.where(np.sign(vals[:-1]) * np.sign(vals[1:]) < 0)[0]
    zeros = []
    for k in idx:
        a, b = xs[k], xs[k + 1]
        fa = _np_jn(l, a)
        for _ in range(60):
            m = 0.5 * (a + b)
            fm = _np_jn(l, m)
            if fa * fm <= 0:
                b = m
            else:
                a, fa = m, fm
        z = 0.5 * (a + b)
        if z <= z_max:
            zeros.append(z)
    return np.asarray(zeros, dtype=np.float64)


_ZMAX = _MAX_RADIAL * np.pi + 1e-6
_ZEROS = [_np_bessel_zeros(l, _ZMAX) for l in range(_MAX_ANGULAR + 1)]
_N_PER_L = [int(z.shape[0]) for z in _ZEROS]
_M_PER_L = [2 * l + 1 for l in range(_MAX_ANGULAR + 1)]
_NORMS = [
    np.sqrt(2.0 / _CUTOFF**3) / np.abs(_np_jn(l + 1, _ZEROS[l]))
    for l in range(_MAX_ANGULAR + 1)
]
_NRAD = sum(_N_PER_L)
_NANG = sum(_M_PER_L)
_K = sum(m * n for m, n in zip(_M_PER_L, _N_PER_L))

_Z_ROW = np.concatenate(_ZEROS).astype(np.float32)[None, :]
_NRM_ROW = np.concatenate(_NORMS).astype(np.float32)[None, :]
_L_ROW = np.concatenate(
    [np.full(n, l, np.float32) for l, n in enumerate(_N_PER_L)]
)[None, :]

_KOFF_L = np.cumsum([0] + [m * n for m, n in zip(_M_PER_L, _N_PER_L)])
_ROFF_L = np.cumsum([0] + _N_PER_L)
_AOFF_L = np.cumsum([0] + _M_PER_L)

_REP_R = np.zeros((_NRAD, _K), np.float32)
_REP_A = np.zeros((_NANG, _K), np.float32)
for _l in range(_MAX_ANGULAR + 1):
    _m, _n = _M_PER_L[_l], _N_PER_L[_l]
    for _mm in range(_m):
        for _nn in range(_n):
            _k = _KOFF_L[_l] + _mm * _n + _nn
            _REP_R[_ROFF_L[_l] + _nn, _k] = 1.0
            _REP_A[_AOFF_L[_l] + _mm, _k] = 1.0

_KP = 128

_PK = 4
_RW = _NRAD * _PK
_OW = _KP * _PK

_Z28 = np.concatenate(_ZEROS).astype(np.float64)
_L28 = np.concatenate([np.full(n, l) for l, n in enumerate(_N_PER_L)])
_NRM28 = np.concatenate(_NORMS).astype(np.float64)

_S12 = np.zeros((12, _PK), np.float32)
for _i in range(_PK):
    _S12[3 * _i:3 * _i + 3, _i] = 1.0

_CB = np.zeros((_PK, _RW), np.float32)
for _i in range(_PK):
    _CB[_i, 28 * _i:28 * _i + 28] = 1.0
_ZROW112 = np.tile((_Z28 / _CUTOFF).astype(np.float32), _PK)[None, :]

_WLR = np.zeros((4, _RW), np.float32)
for _L in range(4):
    _row = np.where(_L28 == _L, _NRM28, 0.0).astype(np.float32)
    for _i in range(_PK):
        _WLR[_L, 28 * _i:28 * _i + 28] = _row

_CT3 = np.zeros((3, _RW), np.float32)
_DT3 = np.zeros((3, _RW), np.float32)
for _t in range(3):
    _ge = (_L28 >= _t + 1).astype(np.float32)
    _CT3[_t, :] = np.tile(_ge, _PK)
    _DT3[_t, :] = np.tile(1.0 - _ge, _PK)

_REP_R4 = np.zeros((_RW, _OW), np.float32)
for _i in range(_PK):
    _REP_R4[28 * _i:28 * _i + 28, 128 * _i:128 * _i + _K] = _REP_R

def _poly_tables():
    def mono(e, c=1.0):
        return {e: c}

    def padd(a, b):
        out = dict(a)
        for k, v in b.items():
            out[k] = out.get(k, 0.0) + v
        return out

    def pmul(a, b):
        out = {}
        for ka, va in a.items():
            for kb, vb in b.items():
                k = tuple(x + y for x, y in zip(ka, kb))
                out[k] = out.get(k, 0.0) + va * vb
        return out

    def pscale(a, s):
        return {k: v * s for k, v in a.items()}

    X, Y, Z = mono((1, 0, 0)), mono((0, 1, 0)), mono((0, 0, 1))
    RR = padd(padd(pmul(X, X), pmul(Y, Y)), pmul(Z, Z))
    c1 = 0.4886025119029199
    c2a = 1.0925484305920792
    sh = [
        {(0, 0, 0): 0.28209479177387814},
        pscale(Y, c1), pscale(Z, c1), pscale(X, c1),
        pscale(pmul(X, Y), c2a),
        pscale(pmul(Y, Z), c2a),
        pscale(padd(pscale(pmul(Z, Z), 3.0), pscale(RR, -1.0)),
               0.31539156525252005),
        pscale(pmul(X, Z), c2a),
        pscale(padd(pmul(X, X), pscale(pmul(Y, Y), -1.0)), 0.5462742152960396),
        pscale(pmul(Y, padd(pscale(pmul(X, X), 3.0),
                            pscale(pmul(Y, Y), -1.0))), 0.5900435899266435),
        pscale(pmul(pmul(X, Y), Z), 2.890611442640554),
        pscale(pmul(Y, padd(pscale(pmul(Z, Z), 5.0), pscale(RR, -1.0))),
               0.4570457994644658),
        pscale(pmul(Z, padd(pscale(pmul(Z, Z), 5.0), pscale(RR, -3.0))),
               0.3731763325901154),
        pscale(pmul(X, padd(pscale(pmul(Z, Z), 5.0), pscale(RR, -1.0))),
               0.4570457994644658),
        pscale(pmul(Z, padd(pmul(X, X), pscale(pmul(Y, Y), -1.0))),
               1.445305721320277),
        pscale(pmul(X, padd(pmul(X, X), pscale(pmul(Y, Y), -3.0))),
               0.5900435899266435),
    ]
    return sh


_SH_POLY = _poly_tables()
_MONO3 = [(3, 0, 0), (2, 1, 0), (2, 0, 1), (1, 2, 0), (1, 1, 1),
          (1, 0, 2), (0, 3, 0), (0, 2, 1), (0, 1, 2), (0, 0, 3)]
_MONO2_IDX = {(2, 0, 0): 0, (1, 1, 0): 1, (1, 0, 1): 2,
              (0, 2, 0): 4, (0, 1, 1): 5, (0, 0, 2): 8}
_M3_SEL2 = [0, 0, 0, 4, 1, 8, 4, 4, 8, 8]
_M3_SEL1 = [0, 1, 2, 0, 2, 0, 1, 2, 1, 2]

_EA = np.zeros((12, 9 * _PK), np.float32)
_EB = np.zeros((12, 9 * _PK), np.float32)
for _i in range(_PK):
    for _a in range(3):
        for _b in range(3):
            _t = 3 * _a + _b
            _EA[3 * _i + _a, 9 * _i + _t] = 1.0
            _EB[3 * _i + _b, 9 * _i + _t] = 1.0

_FA = np.zeros((9 * _PK, 10 * _PK), np.float32)
_FB = np.zeros((12, 10 * _PK), np.float32)
for _i in range(_PK):
    for _t in range(10):
        _FA[9 * _i + _M3_SEL2[_t], 10 * _i + _t] = 1.0
        _FB[3 * _i + _M3_SEL1[_t], 10 * _i + _t] = 1.0

_ANG_OF_K = np.argmax(_REP_A, axis=0)
_C0ROW = np.zeros((1, _OW), np.float32)
_W1B = np.zeros((12, _OW), np.float32)
_W2B = np.zeros((9 * _PK, _OW), np.float32)
_W3B = np.zeros((10 * _PK, _OW), np.float32)
for _i in range(_PK):
    for _k in range(_K):
        _p = _SH_POLY[int(_ANG_OF_K[_k])]
        _col = 128 * _i + _k
        for _e, _cf in _p.items():
            _d = sum(_e)
            if _d == 0:
                _C0ROW[0, _col] += _cf
            elif _d == 1:
                _W1B[3 * _i + _e.index(1), _col] += _cf
            elif _d == 2:
                _W2B[9 * _i + _MONO2_IDX[_e], _col] += _cf
            else:
                _t3 = _MONO3.index(_e)
                _W3B[10 * _i + _t3, _col] += _cf

_G512 = np.zeros((4, _OW), np.float32)
for _c in range(4):
    _G512[_c, 128 * _c:128 * _c + 128] = 1.0


def _bf_split_np(m):
    hi = m.astype(np.float32).astype(jnp.bfloat16).astype(np.float32)
    return hi, (m - hi).astype(np.float32)


_W1B_H, _W1B_L = _bf_split_np(_W1B)
_W2B_H, _W2B_L = _bf_split_np(_W2B)
_W3B_H, _W3B_L = _bf_split_np(_W3B)

_P64 = np.float64(np.pi / 2)
_SC_P1 = np.float32(np.round(_P64 * 4096) / 4096)
_SC_P2 = np.float32(np.round((_P64 - np.float64(_SC_P1)) * 4096 ** 3)
                    / 4096 ** 3)
_SC_P3 = np.float32(_P64 - np.float64(_SC_P1) - np.float64(_SC_P2))
_TWO_OVER_PI = np.float32(2.0 / np.pi)

_EDGE_BLOCK = 1280
_N_EDGES = 160000
_N_NODES = 10000
_ACC_ROWS = 10240
_STRIPE = _ACC_ROWS // 16
_EPT = _N_EDGES // 16
_CHUNK = 128
_NFULL = _EPT // _CHUNK
_TAIL = _EPT - _NFULL * _CHUNK


def _dot(a, b):
    return jnp.dot(a, b, preferred_element_type=jnp.float32)


def _bsplit(a):
    hi = a.astype(jnp.bfloat16).astype(jnp.float32)
    return hi, a - hi


def _pick(ah, al, m):
    return _dot(ah, m) + _dot(al, m)


def _coef(ah, al, mh, ml):
    return _dot(ah, mh) + _dot(al, mh) + _dot(ah, ml)


def _sincos(xr):
    k = jnp.round(xr * _TWO_OVER_PI)
    ki = k.astype(jnp.int32)
    y = ((xr - k * _SC_P1) - k * _SC_P2) - k * _SC_P3
    y2 = y * y
    sp = y * (1.0 + y2 * (np.float32(-1 / 6) + y2 * (np.float32(1 / 120)
              + y2 * (np.float32(-1 / 5040) + y2 * np.float32(1 / 362880)))))
    cp = 1.0 + y2 * (np.float32(-0.5) + y2 * (np.float32(1 / 24)
              + y2 * (np.float32(-1 / 720) + y2 * np.float32(1 / 40320))))
    swap = (ki & 1) == 1
    s_sgn = jnp.where((ki & 2) == 2, -1.0, 1.0)
    c_sgn = jnp.where(((ki + 1) & 2) == 2, -1.0, 1.0)
    return s_sgn * jnp.where(swap, cp, sp), c_sgn * jnp.where(swap, sp, cp)


def _edge_kernel(r12_ref, spec_ref, s12_ref, cb_ref, zrow_ref, wlr_ref,
                 ct3_ref, dt3_ref, repr4_ref, ea_ref, eb_ref, fa_ref, fb_ref,
                 c0_ref, w1bh_ref, w1bl_ref, w2bh_ref, w2bl_ref, w3bh_ref,
                 w3bl_ref, g512_ref, e0_ref, e1_ref, e2_ref, e3_ref):
    B = e0_ref.shape[0]
    R12 = r12_ref[...]
    Rh, Rl = _bsplit(R12)
    sqh, sql = _bsplit(R12 * R12)
    r2 = _pick(sqh, sql, s12_ref[...])
    r = jnp.sqrt(r2)
    rinv = 1.0 / jnp.maximum(r, 1e-9)
    cb = cb_ref[...]

    rh, rl = _bsplit(r)
    r_ext = _pick(rh, rl, cb)
    xr = jnp.maximum(r_ext * zrow_ref[...], 1e-2)
    s, c = _sincos(xr)
    inv = 1.0 / xr
    j0 = s * inv
    j1 = s * inv * inv - c * inv
    j2 = 3.0 * inv * j1 - j0
    j3 = 5.0 * inv * j2 - j1
    wlr = wlr_ref[...]
    rad = (j0 * wlr[0:1, :] + j1 * wlr[1:2, :]
           + j2 * wlr[2:3, :] + j3 * wlr[3:4, :])
    rih, ril = _bsplit(rinv)
    ri_ext = _pick(rih, ril, cb)
    ct3 = ct3_ref[...]
    dt3 = dt3_ref[...]
    f = ((ri_ext * ct3[0:1, :] + dt3[0:1, :])
         * (ri_ext * ct3[1:2, :] + dt3[1:2, :])
         * (ri_ext * ct3[2:3, :] + dt3[2:3, :]))
    radh, radl_ = _bsplit(rad * f)
    rad_ext = _pick(radh, radl_, repr4_ref[...])

    m2 = _pick(Rh, Rl, ea_ref[...]) * _pick(Rh, Rl, eb_ref[...])
    m2h, m2l = _bsplit(m2)
    m3 = _pick(m2h, m2l, fa_ref[...]) * _pick(Rh, Rl, fb_ref[...])
    m3h, m3l = _bsplit(m3)
    ang = (c0_ref[...]
           + _coef(Rh, Rl, w1bh_ref[...], w1bl_ref[...])
           + _coef(m2h, m2l, w2bh_ref[...], w2bl_ref[...])
           + _coef(m3h, m3l, w3bh_ref[...], w3bl_ref[...]))

    u = jnp.reshape(rad_ext * ang, (B, _KP))
    spec4 = spec_ref[...][:, 0:4]
    sph, spl = _bsplit(spec4)
    sb = _pick(sph, spl, g512_ref[...])
    e0_ref[...] = u * sb[:, 0:128]
    e1_ref[...] = u * sb[:, 128:256]
    e2_ref[...] = u * sb[:, 256:384]
    e3_ref[...] = u * sb[:, 384:512]


def _const_spec(shape):
    return pl.BlockSpec(shape, lambda b: (0,) * len(shape))


def _edge_features(R_ij, spec_e):
    P = R_ij.shape[0]
    B = _EDGE_BLOCK
    B4 = B // _PK
    grid = (P // B,)
    R12 = R_ij.reshape(P // _PK, 3 * _PK)
    out_spec = pl.BlockSpec((B, _KP), lambda b: (b, 0))
    e_shape = jax.ShapeDtypeStruct((P, _KP), jnp.float32)

    return pl.pallas_call(
        _edge_kernel,
        grid=grid,
        in_specs=[
            pl.BlockSpec((B4, 12), lambda b: (b, 0)),
            pl.BlockSpec((B, 128), lambda b: (b, 0)),
            _const_spec((12, _PK)),
            _const_spec((_PK, _RW)),
            _const_spec((1, _RW)),
            _const_spec((4, _RW)),
            _const_spec((3, _RW)),
            _const_spec((3, _RW)),
            _const_spec((_RW, _OW)),
            _const_spec((12, 9 * _PK)),
            _const_spec((12, 9 * _PK)),
            _const_spec((9 * _PK, 10 * _PK)),
            _const_spec((12, 10 * _PK)),
            _const_spec((1, _OW)),
            _const_spec((12, _OW)),
            _const_spec((12, _OW)),
            _const_spec((9 * _PK, _OW)),
            _const_spec((9 * _PK, _OW)),
            _const_spec((10 * _PK, _OW)),
            _const_spec((10 * _PK, _OW)),
            _const_spec((4, _OW)),
        ],
        out_specs=[out_spec] * 4,
        out_shape=[e_shape] * 4,
    )(
        R12,
        spec_e,
        jnp.asarray(_S12),
        jnp.asarray(_CB),
        jnp.asarray(_ZROW112),
        jnp.asarray(_WLR),
        jnp.asarray(_CT3),
        jnp.asarray(_DT3),
        jnp.asarray(_REP_R4),
        jnp.asarray(_EA),
        jnp.asarray(_EB),
        jnp.asarray(_FA),
        jnp.asarray(_FB),
        jnp.asarray(_C0ROW),
        jnp.asarray(_W1B_H),
        jnp.asarray(_W1B_L),
        jnp.asarray(_W2B_H),
        jnp.asarray(_W2B_L),
        jnp.asarray(_W3B_H),
        jnp.asarray(_W3B_L),
        jnp.asarray(_G512),
    )


_GW = 32
_GEPT = _N_EDGES // _GW
_GCHUNK = 128
_GNFULL = _GEPT // _GCHUNK
_GTAIL = _GEPT - _GNFULL * _GCHUNK


def _sc_gather_body(tbl_hbm, idx_hbm, out_hbm, idx_v, rows_v, idx_t, rows_t,
                    sem):
    cid = lax.axis_index("c")
    sid = lax.axis_index("s")
    wid = sid * 2 + cid
    base = wid * _GEPT

    def body(g, _):
        off = base + g * _GCHUNK
        pltpu.sync_copy(idx_hbm.at[pl.ds(off, _GCHUNK)], idx_v)
        pltpu.async_copy(tbl_hbm.at[idx_v], rows_v, sem).wait()
        pltpu.sync_copy(rows_v, out_hbm.at[pl.ds(off, _GCHUNK)])
        return _

    lax.fori_loop(0, _GNFULL, body, 0)
    toff = base + _GNFULL * _GCHUNK
    pltpu.sync_copy(idx_hbm.at[pl.ds(toff, _GTAIL)], idx_t)
    pltpu.async_copy(tbl_hbm.at[idx_t], rows_t, sem).wait()
    pltpu.sync_copy(rows_t, out_hbm.at[pl.ds(toff, _GTAIL)])


def _sc_gather(T16, j):
    mesh = plsc.VectorSubcoreMesh(core_axis_name="c", subcore_axis_name="s")
    f = pl.kernel(
        _sc_gather_body,
        mesh=mesh,
        out_type=jax.ShapeDtypeStruct((_N_EDGES, 128), jnp.float32),
        scratch_types=[
            pltpu.VMEM((_GCHUNK,), jnp.int32),
            pltpu.VMEM((_GCHUNK, 128), jnp.float32),
            pltpu.VMEM((_GTAIL,), jnp.int32),
            pltpu.VMEM((_GTAIL, 128), jnp.float32),
            pltpu.SemaphoreType.DMA,
        ],
    )
    return f(T16, j)


def _sc_scatter_body(e0, e1, e2, e3, idx_hbm, zeros_hbm,
                     out0, out1, out2, out3,
                     idx_v, rows_v, idx_v2, rows_v2, idx_t, rows_t, acc_sh,
                     sem_i0, sem_r0, sem_i1, sem_r1):
    cid = lax.axis_index("c")
    sid = lax.axis_index("s")
    e_refs = (e0, e1, e2, e3)
    out_refs = (out0, out1, out2, out3)
    base_t = sid * _EPT

    for pass_k in range(2):
        pltpu.sync_copy(zeros_hbm, acc_sh.at[pl.ds(sid * _STRIPE, _STRIPE)])
        plsc.subcore_barrier()

        for which in range(2):
            ch = 2 * pass_k + which
            e_ref = e_refs[ch]

            @pl.when(cid == which)
            def _scatter(e_ref=e_ref):
                bufs = ((idx_v, rows_v, sem_i0, sem_r0),
                        (idx_v2, rows_v2, sem_i1, sem_r1))

                def start(g, b):
                    off = base_t + g * _CHUNK
                    pltpu.async_copy(idx_hbm.at[pl.ds(off, _CHUNK)], b[0], b[2])
                    pltpu.async_copy(e_ref.at[pl.ds(off, _CHUNK)], b[1], b[3])

                def finish(g, b):
                    off = base_t + g * _CHUNK
                    pltpu.make_async_copy(
                        idx_hbm.at[pl.ds(off, _CHUNK)], b[0], b[2]).wait()
                    pltpu.make_async_copy(
                        e_ref.at[pl.ds(off, _CHUNK)], b[1], b[3]).wait()

                start(0, bufs[0])
                start(1, bufs[1])

                def body(g2, _):
                    g = 2 * g2
                    for half in range(2):
                        b = bufs[half]
                        finish(g + half, b)
                        pltpu.sync_copy(b[1], acc_sh.at[b[0]], add=True)

                        @pl.when(g2 < _NFULL // 2 - 1)
                        def _next(b=b, g=g, half=half):
                            start(g + 2 + half, b)

                    return _

                lax.fori_loop(0, _NFULL // 2, body, 0)
                toff = base_t + _NFULL * _CHUNK
                pltpu.sync_copy(idx_hbm.at[pl.ds(toff, _TAIL)], idx_t)
                pltpu.sync_copy(e_ref.at[pl.ds(toff, _TAIL)], rows_t)
                pltpu.sync_copy(rows_t, acc_sh.at[idx_t], add=True)

        plsc.subcore_barrier()

        for which in range(2):
            ch = 2 * pass_k + which
            out_ref = out_refs[ch]

            @pl.when(cid == which)
            def _flush(out_ref=out_ref):
                s = pl.ds(sid * _STRIPE, _STRIPE)
                pltpu.sync_copy(acc_sh.at[s], out_ref.at[s])

        plsc.subcore_barrier()


def _sc_scatter(e0, e1, e2, e3, i):
    zeros = jnp.zeros((_STRIPE, _KP), jnp.float32)
    acc_ty = jax.ShapeDtypeStruct((_ACC_ROWS, _KP), jnp.float32)
    mesh = plsc.VectorSubcoreMesh(core_axis_name="c", subcore_axis_name="s")
    f = pl.kernel(
        _sc_scatter_body,
        mesh=mesh,
        out_type=[acc_ty] * 4,
        scratch_types=[
            pltpu.VMEM((_CHUNK,), jnp.int32),
            pltpu.VMEM((_CHUNK, _KP), jnp.float32),
            pltpu.VMEM((_CHUNK,), jnp.int32),
            pltpu.VMEM((_CHUNK, _KP), jnp.float32),
            pltpu.VMEM((_TAIL,), jnp.int32),
            pltpu.VMEM((_TAIL, _KP), jnp.float32),
            pltpu.VMEM_SHARED((_ACC_ROWS, _KP), jnp.float32),
            pltpu.SemaphoreType.DMA,
            pltpu.SemaphoreType.DMA,
            pltpu.SemaphoreType.DMA,
            pltpu.SemaphoreType.DMA,
        ],
    )
    return f(e0, e1, e2, e3, i, zeros)


@functools.partial(jax.jit)
def kernel(R_ij, i, j, species, species_embedding):
    onehot = (species[:, None] == jnp.arange(8, dtype=species.dtype)[None, :])
    T = jnp.dot(onehot.astype(jnp.float32), species_embedding)
    T128 = jnp.concatenate([T, jnp.zeros((T.shape[0], 124), jnp.float32)], axis=1)
    spec128 = _sc_gather(T128, j)
    e0, e1, e2, e3 = _edge_features(R_ij, spec128)
    acc = _sc_scatter(e0, e1, e2, e3, i)

    N = species.shape[0]
    leaves = []
    for l in range(_MAX_ANGULAR + 1):
        m, n = _M_PER_L[l], _N_PER_L[l]
        off = int(_KOFF_L[l])
        sl = [a[:N, off:off + m * n] for a in acc]
        leaf = jnp.stack(sl, axis=-1).reshape(N, m, n, 4)
        leaves.append(leaf)
    return tuple(leaves)

# --- scband reference (transcript-rebuilt; emitter-appended) ---
"""Pipeline reference for scband-spherical-expansion-31731218382983 (READ-ONLY COPY).

The authoritative reference and input builder live on the scoring server;
editing this copy changes nothing except your own understanding.
"""

import jax, jax.numpy as jnp
import numpy as np

CUTOFF = 5.0
MAX_RADIAL = 8
MAX_ANGULAR = 3
N_NODES = 10000
N_EDGES = 160000
N_SPECIES = 8
PSEUDO_SPECIES = 4


def _np_sph_jn(l, x):
    x = np.asarray(x, dtype=np.float64)
    j0 = np.sin(x) / x
    if l == 0:
        return j0
    j1 = np.sin(x) / x**2 - np.cos(x) / x
    if l == 1:
        return j1
    jm, jc = j0, j1
    for ll in range(1, l):
        jm, jc = jc, (2 * ll + 1) / x * jc - jm
    return jc


def _bessel_zeros(l, z_max):
    xs = np.arange(0.5, z_max + 1.0, 0.005)
    vals = _np_sph_jn(l, xs)
    idx = np.where(np.sign(vals[:-1]) * np.sign(vals[1:]) < 0)[0]
    zeros = []
    for k in idx:
        a, b = xs[k], xs[k + 1]
        fa = _np_sph_jn(l, a)
        for _ in range(60):
            m = 0.5 * (a + b)
            fm = _np_sph_jn(l, m)
            if fa * fm <= 0:
                b = m
            else:
                a, fa = m, fm
        z = 0.5 * (a + b)
        if z <= z_max:
            zeros.append(z)
    return np.asarray(zeros, dtype=np.float64)


_Z_THR = MAX_RADIAL * np.pi + 1e-6
ZEROS = [_bessel_zeros(l, _Z_THR) for l in range(MAX_ANGULAR + 1)]
N_PER_L = [int(z.shape[0]) for z in ZEROS]
M_PER_L = [2 * l + 1 for l in range(MAX_ANGULAR + 1)]
NORMS = [np.sqrt(2.0 / CUTOFF**3) / np.abs(_np_sph_jn(l + 1, ZEROS[l])) for l in range(MAX_ANGULAR + 1)]


def _jnp_sph_jn(l, x):
    x = jnp.maximum(x, 1e-2)
    j0 = jnp.sin(x) / x
    if l == 0:
        return j0
    j1 = jnp.sin(x) / x**2 - jnp.cos(x) / x
    if l == 1:
        return j1
    jm, jc = j0, j1
    for ll in range(1, l):
        jm, jc = jc, (2 * ll + 1) / x * jc - jm
    return jc


def _radial_basis(r):
    feats = []
    for l in range(MAX_ANGULAR + 1):
        z = jnp.asarray(ZEROS[l], dtype=r.dtype)
        nrm = jnp.asarray(NORMS[l], dtype=r.dtype)
        x = r[:, None] * (z[None, :] / CUTOFF)
        feats.append(_jnp_sph_jn(l, x) * nrm[None, :])
    return jnp.concatenate(feats, axis=-1)


def _spherical_harmonics(R):
    r = jnp.sqrt((R**2).sum(axis=-1, keepdims=True))
    n = R / jnp.maximum(r, 1e-9)
    x, y, z = n[:, 0], n[:, 1], n[:, 2]
    sh0 = [0.28209479177387814 * jnp.ones_like(x)]
    sh1 = [0.4886025119029199 * y, 0.4886025119029199 * z, 0.4886025119029199 * x]
    sh2 = [1.0925484305920792 * x * y, 1.0925484305920792 * y * z, 0.31539156525252005 * (3.0 * z * z - 1.0), 1.0925484305920792 * x * z, 0.5462742152960396 * (x * x - y * y)]
    sh3 = [0.5900435899266435 * y * (3.0 * x * x - y * y), 2.890611442640554 * x * y * z, 0.4570457994644658 * y * (5.0 * z * z - 1.0), 0.3731763325901154 * z * (5.0 * z * z - 3.0), 0.4570457994644658 * x * (5.0 * z * z - 1.0), 1.445305721320277 * z * (x * x - y * y), 0.5900435899266435 * x * (x * x - 3.0 * y * y)]
    return jnp.stack(sh0 + sh1 + sh2 + sh3, axis=-1)


def _split(a, sizes):
    out = []
    off = 0
    for s in sizes:
        out.append(a[:, off:off + s])
        off += s
    return out


def setup_inputs(seed: int = 0):
    key = jax.random.key(seed)
    k1, k2, k3, k4, k5 = jax.random.split(key, 5)
    R_ij = jax.random.normal(k1, (N_EDGES, 3), dtype=jnp.float32)
    i = jax.random.randint(k2, (N_EDGES,), 0, N_NODES, dtype=jnp.int32)
    j = jax.random.randint(k3, (N_EDGES,), 0, N_NODES, dtype=jnp.int32)
    species = jax.random.randint(k4, (N_NODES,), 0, N_SPECIES, dtype=jnp.int32)
    species_embedding = jax.random.normal(k5, (N_SPECIES, PSEUDO_SPECIES), dtype=jnp.float32)
    return {"R_ij": R_ij, "i": i, "j": j, "species": species, "species_embedding": species_embedding}


def reference(R_ij, i, j, species, species_embedding):
    r_ij = jnp.sqrt((R_ij**2).sum(axis=-1))
    Z_j = species[j]
    radial_ij = _radial_basis(r_ij)
    angular_ij = _spherical_harmonics(R_ij)
    species_ij = jnp.take(species_embedding, Z_j, axis=0)
    rad_l = _split(radial_ij, N_PER_L)
    ang_l = _split(angular_ij, M_PER_L)
    radial_and_angular_ij = [jnp.einsum('pn,pm->pmn', r, s) for r, s in zip(rad_l, ang_l)]
    full_expansion_ij = [jnp.einsum('pln,pc->plnc', ra, species_ij) for ra in radial_and_angular_ij]
    full_expansion = [jnp.zeros((species.shape[0], e.shape[1], e.shape[2], e.shape[3]), dtype=e.dtype).at[i].add(e) for e in full_expansion_ij]
    return tuple(full_expansion)

if __name__ == "__main__":
    import jax
    _d = setup_inputs()
    print(jax.jit(kernel)(*tuple(_d.values())))

</pallas_src>

<mosaic_0001>
#map = affine_map<(d0, d1) -> (0, 0)>
#map1 = affine_map<(d0, d1) -> (0)>
module attributes {stable_mosaic.version = 14 : i64} {
  func.func @_sc_gather_body(%arg0: i32, %arg1: i32, %arg2: memref<10000x128xf32, #tpu.memory_space<hbm>>, %arg3: memref<160000xi32, #tpu.memory_space<hbm>>, %arg4: memref<160000x128xf32, #tpu.memory_space<hbm>>, %arg5: memref<128xi32, #tpu.memory_space<vmem>>, %arg6: memref<128x128xf32, #tpu.memory_space<vmem>>, %arg7: memref<8xi32, #tpu.memory_space<vmem>>, %arg8: memref<8x128xf32, #tpu.memory_space<vmem>>, %arg9: memref<!tpu.dma_semaphore, #tpu.memory_space<semaphore_mem>>) attributes {dimension_semantics = [#tpu.dimension_semantics<core_parallel>, #tpu.dimension_semantics<subcore_parallel>], iteration_bounds = array<i64: 2, 16>, scalar_prefetch = 0 : i64, scratch_operands = 5 : i64, tpu.core_type = #tpu.core_type<sc_vector_subcore>, window_params = [{transform_indices = #map}, {transform_indices = #map1}, {transform_indices = #map}]} {
    %mul3A = arith.constant 2 : i32
    %mul3A_0 = arith.muli %arg1, %mul3A : i32
    %add3A = arith.addi %mul3A_0, %arg0 : i32
    %mul3A_1 = arith.constant 5000 : i32
    %mul3A_2 = arith.muli %add3A, %mul3A_1 : i32
    %scan3A = arith.constant 0 : i32
    %scan3A_3 = arith.constant 0 : i32
    %scan3A_4 = arith.constant 39 : i32
    %scan3A_5 = arith.addi %scan3A_3, %scan3A_4 : i32
    %scan3A_6 = arith.constant 1 : i32
    scf.for %scan3A_14 = %scan3A_3 to %scan3A_5 step %scan3A_6  : i32 {
      %mul3A_15 = arith.constant 128 : i32
      %mul3A_16 = arith.muli %scan3A_14, %mul3A_15 : i32
      %add3A_17 = arith.addi %mul3A_2, %mul3A_16 : i32
      "tpu.region"() ({
        %run_scoped3A = tpu.sem_alloc : memref<!tpu.dma_semaphore, #tpu.memory_space<semaphore_mem>>
        %dma_start3A_24 = tpu.memref_slice %arg3[%add3A_17] : memref<160000xi32, #tpu.memory_space<hbm>> -> memref<128xi32, #tpu.memory_space<hbm>>
        %dma_start3A_25 = tpu.memref_slice %arg3[%add3A_17] : memref<160000xi32, #tpu.memory_space<hbm>> -> memref<128xi32, #tpu.memory_space<hbm>>
        tpu.enqueue_dma source(%dma_start3A_25 : memref<128xi32, #tpu.memory_space<hbm>>) target(%arg5 : memref<128xi32, #tpu.memory_space<vmem>>) target_semaphore(%run_scoped3A : memref<!tpu.dma_semaphore, #tpu.memory_space<semaphore_mem>>)
        %dma_wait3A_26 = tpu.memref_slice %arg3[%add3A_17] : memref<160000xi32, #tpu.memory_space<hbm>> -> memref<128xi32, #tpu.memory_space<hbm>>
        %dma_wait3A_27 = tpu.memref_slice %arg3[%add3A_17] : memref<160000xi32, #tpu.memory_space<hbm>> -> memref<128xi32, #tpu.memory_space<hbm>>
        tpu.wait_dma2 semaphore(%run_scoped3A : memref<!tpu.dma_semaphore, #tpu.memory_space<semaphore_mem>>) src(%dma_wait3A_27 : memref<128xi32, #tpu.memory_space<hbm>>) dst(%arg5 : memref<128xi32, #tpu.memory_space<vmem>>)
        tpu.yield
      }) : () -> ()
      %dma_start3A_18 = arith.constant 0 : i32
      %dma_start3A_19 = arith.constant 0 : i32
      %dma_start3A_20 = tpu.memref_slice %arg2[%dma_start3A_18, %dma_start3A_19] : memref<10000x128xf32, #tpu.memory_space<hbm>> -> memref<10000x128xf32, #tpu.memory_space<hbm>>
      tpu.enqueue_indirect_dma source(%dma_start3A_20 : memref<10000x128xf32, #tpu.memory_space<hbm>>) target(%arg6 : memref<128x128xf32, #tpu.memory_space<vmem>>) offsets(%arg5 : memref<128xi32, #tpu.memory_space<vmem>>) semaphore(%arg9 : memref<!tpu.dma_semaphore, #tpu.memory_space<semaphore_mem>>)
      %dma_wait3A_21 = arith.constant 0 : i32
      %dma_wait3A_22 = arith.constant 0 : i32
      %dma_wait3A_23 = tpu.memref_slice %arg2[%dma_wait3A_21, %dma_wait3A_22] : memref<10000x128xf32, #tpu.memory_space<hbm>> -> memref<10000x128xf32, #tpu.memory_space<hbm>>
      tpu.wait_indirect_dma semaphore(%arg9 : memref<!tpu.dma_semaphore, #tpu.memory_space<semaphore_mem>>) src(%dma_wait3A_23 : memref<10000x128xf32, #tpu.memory_space<hbm>>) dst(%arg6 : memref<128x128xf32, #tpu.memory_space<vmem>>)
      "tpu.region"() ({
        %run_scoped3A = tpu.sem_alloc : memref<!tpu.dma_semaphore, #tpu.memory_space<semaphore_mem>>
        %dma_start3A_24 = arith.constant 0 : i32
        %dma_start3A_25 = tpu.memref_slice %arg4[%add3A_17, %dma_start3A_24] : memref<160000x128xf32, #tpu.memory_space<hbm>> -> memref<128x128xf32, #tpu.memory_space<hbm>>
        %dma_start3A_26 = arith.constant 0 : i32
        %dma_start3A_27 = tpu.memref_slice %arg4[%add3A_17, %dma_start3A_26] : memref<160000x128xf32, #tpu.memory_space<hbm>> -> memref<128x128xf32, #tpu.memory_space<hbm>>
        tpu.enqueue_dma source(%arg6 : memref<128x128xf32, #tpu.memory_space<vmem>>) target(%dma_start3A_27 : memref<128x128xf32, #tpu.memory_space<hbm>>) target_semaphore(%run_scoped3A : memref<!tpu.dma_semaphore, #tpu.memory_space<semaphore_mem>>)
        %dma_wait3A_28 = arith.constant 0 : i32
        %dma_wait3A_29 = tpu.memref_slice %arg4[%add3A_17, %dma_wait3A_28] : memref<160000x128xf32, #tpu.memory_space<hbm>> -> memref<128x128xf32, #tpu.memory_space<hbm>>
        %dma_wait3A_30 = arith.constant 0 : i32
        %dma_wait3A_31 = tpu.memref_slice %arg4[%add3A_17, %dma_wait3A_30] : memref<160000x128xf32, #tpu.memory_space<hbm>> -> memref<128x128xf32, #tpu.memory_space<hbm>>
        tpu.wait_dma2 semaphore(%run_scoped3A : memref<!tpu.dma_semaphore, #tpu.memory_space<semaphore_mem>>) src(%arg6 : memref<128x128xf32, #tpu.memory_space<vmem>>) dst(%dma_wait3A_31 : memref<128x128xf32, #tpu.memory_space<hbm>>)
        tpu.yield
      }) : () -> ()
    }
    %scan3A_7 = arith.constant 39 : i32
    %add3A_8 = arith.constant 4992 : i32
    %add3A_9 = arith.addi %mul3A_2, %add3A_8 : i32
    "tpu.region"() ({
      %run_scoped3A = tpu.sem_alloc : memref<!tpu.dma_semaphore, #tpu.memory_space<semaphore_mem>>
      %dma_start3A_14 = tpu.memref_slice %arg3[%add3A_9] : memref<160000xi32, #tpu.memory_space<hbm>> -> memref<8xi32, #tpu.memory_space<hbm>>
      %dma_start3A_15 = tpu.memref_slice %arg3[%add3A_9] : memref<160000xi32, #tpu.memory_space<hbm>> -> memref<8xi32, #tpu.memory_space<hbm>>
      tpu.enqueue_dma source(%dma_start3A_15 : memref<8xi32, #tpu.memory_space<hbm>>) target(%arg7 : memref<8xi32, #tpu.memory_space<vmem>>) target_semaphore(%run_scoped3A : memref<!tpu.dma_semaphore, #tpu.memory_space<semaphore_mem>>)
      %dma_wait3A_16 = tpu.memref_slice %arg3[%add3A_9] : memref<160000xi32, #tpu.memory_space<hbm>> -> memref<8xi32, #tpu.memory_space<hbm>>
      %dma_wait3A_17 = tpu.memref_slice %arg3[%add3A_9] : memref<160000xi32, #tpu.memory_space<hbm>> -> memref<8xi32, #tpu.memory_space<hbm>>
      tpu.wait_dma2 semaphore(%run_scoped3A : memref<!tpu.dma_semaphore, #tpu.memory_space<semaphore_mem>>) src(%dma_wait3A_17 : memref<8xi32, #tpu.memory_space<hbm>>) dst(%arg7 : memref<8xi32, #tpu.memory_space<vmem>>)
      tpu.yield
    }) : () -> ()
    %dma_start3A = arith.constant 0 : i32
    %dma_start3A_10 = arith.constant 0 : i32
    %dma_start3A_11 = tpu.memref_slice %arg2[%dma_start3A, %dma_start3A_10] : memref<10000x128xf32, #tpu.memory_space<hbm>> -> memref<10000x128xf32, #tpu.memory_space<hbm>>
    tpu.enqueue_indirect_dma source(%dma_start3A_11 : memref<10000x128xf32, #tpu.memory_space<hbm>>) target(%arg8 : memref<8x128xf32, #tpu.memory_space<vmem>>) offsets(%arg7 : memref<8xi32, #tpu.memory_space<vmem>>) semaphore(%arg9 : memref<!tpu.dma_semaphore, #tpu.memory_space<semaphore_mem>>)
    %dma_wait3A = arith.constant 0 : i32
    %dma_wait3A_12 = arith.constant 0 : i32
    %dma_wait3A_13 = tpu.memref_slice %arg2[%dma_wait3A, %dma_wait3A_12] : memref<10000x128xf32, #tpu.memory_space<hbm>> -> memref<10000x128xf32, #tpu.memory_space<hbm>>
    tpu.wait_indirect_dma semaphore(%arg9 : memref<!tpu.dma_semaphore, #tpu.memory_space<semaphore_mem>>) src(%dma_wait3A_13 : memref<10000x128xf32, #tpu.memory_space<hbm>>) dst(%arg8 : memref<8x128xf32, #tpu.memory_space<vmem>>)
    "tpu.region"() ({
      %run_scoped3A = tpu.sem_alloc : memref<!tpu.dma_semaphore, #tpu.memory_space<semaphore_mem>>
      %dma_start3A_14 = arith.constant 0 : i32
      %dma_start3A_15 = tpu.memref_slice %arg4[%add3A_9, %dma_start3A_14] : memref<160000x128xf32, #tpu.memory_space<hbm>> -> memref<8x128xf32, #tpu.memory_space<hbm>>
      %dma_start3A_16 = arith.constant 0 : i32
      %dma_start3A_17 = tpu.memref_slice %arg4[%add3A_9, %dma_start3A_16] : memref<160000x128xf32, #tpu.memory_space<hbm>> -> memref<8x128xf32, #tpu.memory_space<hbm>>
      tpu.enqueue_dma source(%arg8 : memref<8x128xf32, #tpu.memory_space<vmem>>) target(%dma_start3A_17 : memref<8x128xf32, #tpu.memory_space<hbm>>) target_semaphore(%run_scoped3A : memref<!tpu.dma_semaphore, #tpu.memory_space<semaphore_mem>>)
      %dma_wait3A_18 = arith.constant 0 : i32
      %dma_wait3A_19 = tpu.memref_slice %arg4[%add3A_9, %dma_wait3A_18] : memref<160000x128xf32, #tpu.memory_space<hbm>> -> memref<8x128xf32, #tpu.memory_space<hbm>>
      %dma_wait3A_20 = arith.constant 0 : i32
      %dma_wait3A_21 = tpu.memref_slice %arg4[%add3A_9, %dma_wait3A_20] : memref<160000x128xf32, #tpu.memory_space<hbm>> -> memref<8x128xf32, #tpu.memory_space<hbm>>
      tpu.wait_dma2 semaphore(%run_scoped3A : memref<!tpu.dma_semaphore, #tpu.memory_space<semaphore_mem>>) src(%arg8 : memref<8x128xf32, #tpu.memory_space<vmem>>) dst(%dma_wait3A_21 : memref<8x128xf32, #tpu.memory_space<hbm>>)
      tpu.yield
    }) : () -> ()
    return
  }
}

#map = affine_map<(d0, d1) -> (0, 0)>
#map1 = affine_map<(d0, d1) -> (0)>
module attributes {stable_mosaic.version = 14 : i64} {
  func.func @_sc_scatter_body(%arg0: i32, %arg1: i32, %arg2: memref<160000x128xf32, #tpu.memory_space<hbm>>, %arg3: memref<160000x128xf32, #tpu.memory_space<hbm>>, %arg4: memref<160000x128xf32, #tpu.memory_space<hbm>>, %arg5: memref<160000x128xf32, #tpu.memory_space<hbm>>, %arg6: memref<160000xi32, #tpu.memory_space<hbm>>, %arg7: memref<640x128xf32, #tpu.memory_space<hbm>>, %arg8: memref<10240x128xf32, #tpu.memory_space<hbm>>, %arg9: memref<10240x128xf32, #tpu.memory_space<hbm>>, %arg10: memref<10240x128xf32, #tpu.memory_space<hbm>>, %arg11: memref<10240x128xf32, #tpu.memory_space<hbm>>, %arg12: memref<128xi32, #tpu.memory_space<vmem>>, %arg13: memref<128x128xf32, #tpu.memory_space<vmem>>, %arg14: memref<128xi32, #tpu.memory_space<vmem>>, %arg15: memref<128x128xf32, #tpu.memory_space<vmem>>, %arg16: memref<16xi32, #tpu.memory_space<vmem>>, %arg17: memref<16x128xf32, #tpu.memory_space<vmem>>, %arg18: memref<10240x128xf32, #tpu.memory_space<vmem_shared>>, %arg19: memref<!tpu.dma_semaphore, #tpu.memory_space<semaphore_mem>>, %arg20: memref<!tpu.dma_semaphore, #tpu.memory_space<semaphore_mem>>, %arg21: memref<!tpu.dma_semaphore, #tpu.memory_space<semaphore_mem>>, %arg22: memref<!tpu.dma_semaphore, #tpu.memory_space<semaphore_mem>>) attributes {dimension_semantics = [#tpu.dimension_semantics<core_parallel>, #tpu.dimension_semantics<subcore_parallel>], iteration_bounds = array<i64: 2, 16>, scalar_prefetch = 0 : i64, scratch_operands = 11 : i64, tpu.core_type = #tpu.core_type<sc_vector_subcore>, window_params = [{transform_indices = #map}, {transform_indices = #map}, {transform_indices = #map}, {transform_indices = #map}, {transform_indices = #map1}, {transform_indices = #map}, {transform_indices = #map}, {transform_indices = #map}, {transform_indices = #map}, {transform_indices = #map}]} {
    %mul3A = arith.constant 10000 : i32
    %mul3A_0 = arith.muli %arg1, %mul3A : i32
    %mul3A_1 = arith.constant 640 : i32
    %mul3A_2 = arith.muli %arg1, %mul3A_1 : i32
    "tpu.region"() ({
      %run_scoped3A = tpu.sem_alloc : memref<!tpu.dma_semaphore, #tpu.memory_space<semaphore_mem>>
      %dma_start3A = arith.constant 0 : i32
      %dma_start3A_47 = tpu.memref_slice %arg18[%mul3A_2, %dma_start3A] : memref<10240x128xf32, #tpu.memory_space<vmem_shared>> -> memref<640x128xf32, #tpu.memory_space<vmem_shared>>
      tpu.enqueue_dma source(%arg7 : memref<640x128xf32, #tpu.memory_space<hbm>>) target(%dma_start3A_47 : memref<640x128xf32, #tpu.memory_space<vmem_shared>>) target_semaphore(%run_scoped3A : memref<!tpu.dma_semaphore, #tpu.memory_space<semaphore_mem>>)
      %dma_wait3A = arith.constant 0 : i32
      %dma_wait3A_48 = tpu.memref_slice %arg18[%mul3A_2, %dma_wait3A] : memref<10240x128xf32, #tpu.memory_space<vmem_shared>> -> memref<640x128xf32, #tpu.memory_space<vmem_shared>>
      tpu.wait_dma2 semaphore(%run_scoped3A : memref<!tpu.dma_semaphore, #tpu.memory_space<semaphore_mem>>) src(%arg7 : memref<640x128xf32, #tpu.memory_space<hbm>>) dst(%dma_wait3A_48 : memref<640x128xf32, #tpu.memory_space<vmem_shared>>)
      tpu.yield
    }) : () -> ()
    %barrier3A = arith.constant 0 : index
    tpu.barrier barrier_id(%barrier3A)
    %eq3A = arith.constant 0 : i32
    %eq3A_3 = arith.cmpi eq, %arg0, %eq3A : i32
    %convert_element_type3A = arith.extui %eq3A_3 : i1 to i32
    %cond3A = arith.constant 0 : i32
    %cond3A_4 = arith.cmpi ne, %convert_element_type3A, %cond3A : i32
    scf.if %cond3A_4 {
      %add3A = arith.constant 0 : i32
      %add3A_47 = arith.addi %mul3A_0, %add3A : i32
      %dma_start3A = tpu.memref_slice %arg6[%add3A_47] : memref<160000xi32, #tpu.memory_space<hbm>> -> memref<128xi32, #tpu.memory_space<hbm>>
      %dma_start3A_48 = tpu.memref_slice %arg6[%add3A_47] : memref<160000xi32, #tpu.memory_space<hbm>> -> memref<128xi32, #tpu.memory_space<hbm>>
      tpu.enqueue_dma source(%dma_start3A_48 : memref<128xi32, #tpu.memory_space<hbm>>) target(%arg12 : memref<128xi32, #tpu.memory_space<vmem>>) target_semaphore(%arg19 : memref<!tpu.dma_semaphore, #tpu.memory_space<semaphore_mem>>)
      %dma_start3A_49 = arith.constant 0 : i32
      %dma_start3A_50 = tpu.memref_slice %arg2[%add3A_47, %dma_start3A_49] : memref<160000x128xf32, #tpu.memory_space<hbm>> -> memref<128x128xf32, #tpu.memory_space<hbm>>
      %dma_start3A_51 = arith.constant 0 : i32
      %dma_start3A_52 = tpu.memref_slice %arg2[%add3A_47, %dma_start3A_51] : memref<160000x128xf32, #tpu.memory_space<hbm>> -> memref<128x128xf32, #tpu.memory_space<hbm>>
      tpu.enqueue_dma source(%dma_start3A_52 : memref<128x128xf32, #tpu.memory_space<hbm>>) target(%arg13 : memref<128x128xf32, #tpu.memory_space<vmem>>) target_semaphore(%arg20 : memref<!tpu.dma_semaphore, #tpu.memory_space<semaphore_mem>>)
      %add3A_53 = arith.constant 128 : i32
      %add3A_54 = arith.addi %mul3A_0, %add3A_53 : i32
      %dma_start3A_55 = tpu.memref_slice %arg6[%add3A_54] : memref<160000xi32, #tpu.memory_space<hbm>> -> memref<128xi32, #tpu.memory_space<hbm>>
      %dma_start3A_56 = tpu.memref_slice %arg6[%add3A_54] : memref<160000xi32, #tpu.memory_space<hbm>> -> memref<128xi32, #tpu.memory_space<hbm>>
      tpu.enqueue_dma source(%dma_start3A_56 : memref<128xi32, #tpu.memory_space<hbm>>) target(%arg14 : memref<128xi32, #tpu.memory_space<vmem>>) target_semaphore(%arg21 : memref<!tpu.dma_semaphore, #tpu.memory_space<semaphore_mem>>)
      %dma_start3A_57 = arith.constant 0 : i32
      %dma_start3A_58 = tpu.memref_slice %arg2[%add3A_54, %dma_start3A_57] : memref<160000x128xf32, #tpu.memory_space<hbm>> -> memref<128x128xf32, #tpu.memory_space<hbm>>
      %dma_start3A_59 = arith.constant 0 : i32
      %dma_start3A_60 = tpu.memref_slice %arg2[%add3A_54, %dma_start3A_59] : memref<160000x128xf32, #tpu.memory_space<hbm>> -> memref<128x128xf32, #tpu.memory_space<hbm>>
      tpu.enqueue_dma source(%dma_start3A_60 : memref<128x128xf32, #tpu.memory_space<hbm>>) target(%arg15 : memref<128x128xf32, #tpu.memory_space<vmem>>) target_semaphore(%arg22 : memref<!tpu.dma_semaphore, #tpu.memory_space<semaphore_mem>>)
      %scan3A = arith.constant 0 : i32
      %scan3A_61 = arith.constant 0 : i32
      %scan3A_62 = arith.constant 39 : i32
      %scan3A_63 = arith.addi %scan3A_61, %scan3A_62 : i32
      %scan3A_64 = arith.constant 1 : i32
      scf.for %scan3A_68 = %scan3A_61 to %scan3A_63 step %scan3A_64  : i32 {
        %mul3A_69 = arith.constant 2 : i32
        %mul3A_70 = arith.muli %mul3A_69, %scan3A_68 : i32
        %add3A_71 = arith.constant 0 : i32
        %add3A_72 = arith.addi %mul3A_70, %add3A_71 : i32
        %mul3A_73 = arith.constant 128 : i32
        %mul3A_74 = arith.muli %add3A_72, %mul3A_73 : i32
        %add3A_75 = arith.addi %mul3A_0, %mul3A_74 : i32
        %dma_wait3A = tpu.memref_slice %arg6[%add3A_75] : memref<160000xi32, #tpu.memory_space<hbm>> -> memref<128xi32, #tpu.memory_space<hbm>>
        %dma_wait3A_76 = tpu.memref_slice %arg6[%add3A_75] : memref<160000xi32, #tpu.memory_space<hbm>> -> memref<128xi32, #tpu.memory_space<hbm>>
        tpu.wait_dma2 semaphore(%arg19 : memref<!tpu.dma_semaphore, #tpu.memory_space<semaphore_mem>>) src(%dma_wait3A_76 : memref<128xi32, #tpu.memory_space<hbm>>) dst(%arg12 : memref<128xi32, #tpu.memory_space<vmem>>)
        %dma_wait3A_77 = arith.constant 0 : i32
        %dma_wait3A_78 = tpu.memref_slice %arg2[%add3A_75, %dma_wait3A_77] : memref<160000x128xf32, #tpu.memory_space<hbm>> -> memref<128x128xf32, #tpu.memory_space<hbm>>
        %dma_wait3A_79 = arith.constant 0 : i32
        %dma_wait3A_80 = tpu.memref_slice %arg2[%add3A_75, %dma_wait3A_79] : memref<160000x128xf32, #tpu.memory_space<hbm>> -> memref<128x128xf32, #tpu.memory_space<hbm>>
        tpu.wait_dma2 semaphore(%arg20 : memref<!tpu.dma_semaphore, #tpu.memory_space<semaphore_mem>>) src(%dma_wait3A_80 : memref<128x128xf32, #tpu.memory_space<hbm>>) dst(%arg13 : memref<128x128xf32, #tpu.memory_space<vmem>>)
        "tpu.region"() ({
          %run_scoped3A = tpu.sem_alloc : memref<!tpu.dma_semaphore, #tpu.memory_space<semaphore_mem>>
          %dma_start3A_101 = arith.constant 0 : i32
          %dma_start3A_102 = arith.constant 0 : i32
          %dma_start3A_103 = tpu.memref_slice %arg18[%dma_start3A_101, %dma_start3A_102] : memref<10240x128xf32, #tpu.memory_space<vmem_shared>> -> memref<10240x128xf32, #tpu.memory_space<vmem_shared>>
          tpu.enqueue_indirect_dma source(%arg13 : memref<128x128xf32, #tpu.memory_space<vmem>>) target(%dma_start3A_103 : memref<10240x128xf32, #tpu.memory_space<vmem_shared>>) offsets(%arg12 : memref<128xi32, #tpu.memory_space<vmem>>) semaphore(%run_scoped3A : memref<!tpu.dma_semaphore, #tpu.memory_space<semaphore_mem>>) {add = true}
          %dma_wait3A_104 = arith.constant 0 : i32
          %dma_wait3A_105 = arith.constant 0 : i32
          %dma_wait3A_106 = tpu.memref_slice %arg18[%dma_wait3A_104, %dma_wait3A_105] : memref<10240x128xf32, #tpu.memory_space<vmem_shared>> -> memref<10240x128xf32, #tpu.memory_space<vmem_shared>>
          tpu.wait_indirect_dma semaphore(%run_scoped3A : memref<!tpu.dma_semaphore, #tpu.memory_space<semaphore_mem>>) src(%arg13 : memref<128x128xf32, #tpu.memory_space<vmem>>) dst(%dma_wait3A_106 : memref<10240x128xf32, #tpu.memory_space<vmem_shared>>)
          tpu.yield
        }) : () -> ()
        %lt3A = arith.constant 38 : i32
        %lt3A_81 = arith.cmpi slt, %scan3A_68, %lt3A : i32
        %convert_element_type3A_82 = arith.extui %lt3A_81 : i1 to i32
        %cond3A_83 = arith.constant 0 : i32
        %cond3A_84 = arith.cmpi ne, %convert_element_type3A_82, %cond3A_83 : i32
        scf.if %cond3A_84 {
          %add3A_101 = arith.constant 2 : i32
          %add3A_102 = arith.addi %mul3A_70, %add3A_101 : i32
          %add3A_103 = arith.constant 0 : i32
          %add3A_104 = arith.addi %add3A_102, %add3A_103 : i32
          %mul3A_105 = arith.constant 128 : i32
          %mul3A_106 = arith.muli %add3A_104, %mul3A_105 : i32
          %add3A_107 = arith.addi %mul3A_0, %mul3A_106 : i32
          %dma_start3A_108 = tpu.memref_slice %arg6[%add3A_107] : memref<160000xi32, #tpu.memory_space<hbm>> -> memref<128xi32, #tpu.memory_space<hbm>>
          %dma_start3A_109 = tpu.memref_slice %arg6[%add3A_107] : memref<160000xi32, #tpu.memory_space<hbm>> -> memref<128xi32, #tpu.memory_space<hbm>>
          tpu.enqueue_dma source(%dma_start3A_109 : memref<128xi32, #tpu.memory_space<hbm>>) target(%arg12 : memref<128xi32, #tpu.memory_space<vmem>>) target_semaphore(%arg19 : memref<!tpu.dma_semaphore, #tpu.memory_space<semaphore_mem>>)
          %dma_start3A_110 = arith.constant 0 : i32
          %dma_start3A_111 = tpu.memref_slice %arg2[%add3A_107, %dma_start3A_110] : memref<160000x128xf32, #tpu.memory_space<hbm>> -> memref<128x128xf32, #tpu.memory_space<hbm>>
          %dma_start3A_112 = arith.constant 0 : i32
          %dma_start3A_113 = tpu.memref_slice %arg2[%add3A_107, %dma_start3A_112] : memref<160000x128xf32, #tpu.memory_space<hbm>> -> memref<128x128xf32, #tpu.memory_space<hbm>>
          tpu.enqueue_dma source(%dma_start3A_113 : memref<128x128xf32, #tpu.memory_space<hbm>>) target(%arg13 : memref<128x128xf32, #tpu.memory_space<vmem>>) target_semaphore(%arg20 : memref<!tpu.dma_semaphore, #tpu.memory_space<semaphore_mem>>)
        } else {
        }
        %add3A_85 = arith.constant 1 : i32
        %add3A_86 = arith.addi %mul3A_70, %add3A_85 : i32
        %mul3A_87 = arith.constant 128 : i32
        %mul3A_88 = arith.muli %add3A_86, %mul3A_87 : i32
        %add3A_89 = arith.addi %mul3A_0, %mul3A_88 : i32
        %dma_wait3A_90 = tpu.memref_slice %arg6[%add3A_89] : memref<160000xi32, #tpu.memory_space<hbm>> -> memref<128xi32, #tpu.memory_space<hbm>>
        %dma_wait3A_91 = tpu.memref_slice %arg6[%add3A_89] : memref<160000xi32, #tpu.memory_space<hbm>> -> memref<128xi32, #tpu.memory_space<hbm>>
        tpu.wait_dma2 semaphore(%arg21 : memref<!tpu.dma_semaphore, #tpu.memory_space<semaphore_mem>>) src(%dma_wait3A_91 : memref<128xi32, #tpu.memory_space<hbm>>) dst(%arg14 : memref<128xi32, #tpu.memory_space<vmem>>)
        %dma_wait3A_92 = arith.constant 0 : i32
        %dma_wait3A_93 = tpu.memref_slice %arg2[%add3A_89, %dma_wait3A_92] : memref<160000x128xf32, #tpu.memory_space<hbm>> -> memref<128x128xf32, #tpu.memory_space<hbm>>
        %dma_wait3A_94 = arith.constant 0 : i32
        %dma_wait3A_95 = tpu.memref_slice %arg2[%add3A_89, %dma_wait3A_94] : memref<160000x128xf32, #tpu.memory_space<hbm>> -> memref<128x128xf32, #tpu.memory_space<hbm>>
        tpu.wait_dma2 semaphore(%arg22 : memref<!tpu.dma_semaphore, #tpu.memory_space<semaphore_mem>>) src(%dma_wait3A_95 : memref<128x128xf32, #tpu.memory_space<hbm>>) dst(%arg15 : memref<128x128xf32, #tpu.memory_space<vmem>>)
        "tpu.region"() ({
          %run_scoped3A = tpu.sem_alloc : memref<!tpu.dma_semaphore, #tpu.memory_space<semaphore_mem>>
          %dma_start3A_101 = arith.constant 0 : i32
          %dma_start3A_102 = arith.constant 0 : i32
          %dma_start3A_103 = tpu.memref_slice %arg18[%dma_start3A_101, %dma_start3A_102] : memref<10240x128xf32, #tpu.memory_space<vmem_shared>> -> memref<10240x128xf32, #tpu.memory_space<vmem_shared>>
          tpu.enqueue_indirect_dma source(%arg15 : memref<128x128xf32, #tpu.memory_space<vmem>>) target(%dma_start3A_103 : memref<10240x128xf32, #tpu.memory_space<vmem_shared>>) offsets(%arg14 : memref<128xi32, #tpu.memory_space<vmem>>) semaphore(%run_scoped3A : memref<!tpu.dma_semaphore, #tpu.memory_space<semaphore_mem>>) {add = true}
          %dma_wait3A_104 = arith.constant 0 : i32
          %dma_wait3A_105 = arith.constant 0 : i32
          %dma_wait3A_106 = tpu.memref_slice %arg18[%dma_wait3A_104, %dma_wait3A_105] : memref<10240x128xf32, #tpu.memory_space<vmem_shared>> -> memref<10240x128xf32, #tpu.memory_space<vmem_shared>>
          tpu.wait_indirect_dma semaphore(%run_scoped3A : memref<!tpu.dma_semaphore, #tpu.memory_space<semaphore_mem>>) src(%arg15 : memref<128x128xf32, #tpu.memory_space<vmem>>) dst(%dma_wait3A_106 : memref<10240x128xf32, #tpu.memory_space<vmem_shared>>)
          tpu.yield
        }) : () -> ()
        %lt3A_96 = arith.constant 38 : i32
        %lt3A_97 = arith.cmpi slt, %scan3A_68, %lt3A_96 : i32
        %convert_element_type3A_98 = arith.extui %lt3A_97 : i1 to i32
        %cond3A_99 = arith.constant 0 : i32
        %cond3A_100 = arith.cmpi ne, %convert_element_type3A_98, %cond3A_99 : i32
        scf.if %cond3A_100 {
          %add3A_101 = arith.constant 2 : i32
          %add3A_102 = arith.addi %mul3A_70, %add3A_101 : i32
          %add3A_103 = arith.constant 1 : i32
          %add3A_104 = arith.addi %add3A_102, %add3A_103 : i32
          %mul3A_105 = arith.constant 128 : i32
          %mul3A_106 = arith.muli %add3A_104, %mul3A_105 : i32
          %add3A_107 = arith.addi %mul3A_0, %mul3A_106 : i32
          %dma_start3A_108 = tpu.memref_slice %arg6[%add3A_107] : memref<160000xi32, #tpu.memory_space<hbm>> -> memref<128xi32, #tpu.memory_space<hbm>>
          %dma_start3A_109 = tpu.memref_slice %arg6[%add3A_107] : memref<160000xi32, #tpu.memory_space<hbm>> -> memref<128xi32, #tpu.memory_space<hbm>>
          tpu.enqueue_dma source(%dma_start3A_109 : memref<128xi32, #tpu.memory_space<hbm>>) target(%arg14 : memref<128xi32, #tpu.memory_space<vmem>>) target_semaphore(%arg21 : memref<!tpu.dma_semaphore, #tpu.memory_space<semaphore_mem>>)
          %dma_start3A_110 = arith.constant 0 : i32
          %dma_start3A_111 = tpu.memref_slice %arg2[%add3A_107, %dma_start3A_110] : memref<160000x128xf32, #tpu.memory_space<hbm>> -> memref<128x128xf32, #tpu.memory_space<hbm>>
          %dma_start3A_112 = arith.constant 0 : i32
          %dma_start3A_113 = tpu.memref_slice %arg2[%add3A_107, %dma_start3A_112] : memref<160000x128xf32, #tpu.memory_space<hbm>> -> memref<128x128xf32, #tpu.memory_space<hbm>>
          tpu.enqueue_dma source(%dma_start3A_113 : memref<128x128xf32, #tpu.memory_space<hbm>>) target(%arg15 : memref<128x128xf32, #tpu.memory_space<vmem>>) target_semaphore(%arg22 : memref<!tpu.dma_semaphore, #tpu.memory_space<semaphore_mem>>)
        } else {
        }
      }
      %scan3A_65 = arith.constant 39 : i32
      %add3A_66 = arith.constant 9984 : i32
      %add3A_67 = arith.addi %mul3A_0, %add3A_66 : i32
      "tpu.region"() ({
        %run_scoped3A = tpu.sem_alloc : memref<!tpu.dma_semaphore, #tpu.memory_space<semaphore_mem>>
        %dma_start3A_68 = tpu.memref_slice %arg6[%add3A_67] : memref<160000xi32, #tpu.memory_space<hbm>> -> memref<16xi32, #tpu.memory_space<hbm>>
        %dma_start3A_69 = tpu.memref_slice %arg6[%add3A_67] : memref<160000xi32, #tpu.memory_space<hbm>> -> memref<16xi32, #tpu.memory_space<hbm>>
        tpu.enqueue_dma source(%dma_start3A_69 : memref<16xi32, #tpu.memory_space<hbm>>) target(%arg16 : memref<16xi32, #tpu.memory_space<vmem>>) target_semaphore(%run_scoped3A : memref<!tpu.dma_semaphore, #tpu.memory_space<semaphore_mem>>)
        %dma_wait3A = tpu.memref_slice %arg6[%add3A_67] : memref<160000xi32, #tpu.memory_space<hbm>> -> memref<16xi32, #tpu.memory_space<hbm>>
        %dma_wait3A_70 = tpu.memref_slice %arg6[%add3A_67] : memref<160000xi32, #tpu.memory_space<hbm>> -> memref<16xi32, #tpu.memory_space<hbm>>
        tpu.wait_dma2 semaphore(%run_scoped3A : memref<!tpu.dma_semaphore, #tpu.memory_space<semaphore_mem>>) src(%dma_wait3A_70 : memref<16xi32, #tpu.memory_space<hbm>>) dst(%arg16 : memref<16xi32, #tpu.memory_space<vmem>>)
        tpu.yield
      }) : () -> ()
      "tpu.region"() ({
        %run_scoped3A = tpu.sem_alloc : memref<!tpu.dma_semaphore, #tpu.memory_space<semaphore_mem>>
        %dma_start3A_68 = arith.constant 0 : i32
        %dma_start3A_69 = tpu.memref_slice %arg2[%add3A_67, %dma_start3A_68] : memref<160000x128xf32, #tpu.memory_space<hbm>> -> memref<16x128xf32, #tpu.memory_space<hbm>>
        %dma_start3A_70 = arith.constant 0 : i32
        %dma_start3A_71 = tpu.memref_slice %arg2[%add3A_67, %dma_start3A_70] : memref<160000x128xf32, #tpu.memory_space<hbm>> -> memref<16x128xf32, #tpu.memory_space<hbm>>
        tpu.enqueue_dma source(%dma_start3A_71 : memref<16x128xf32, #tpu.memory_space<hbm>>) target(%arg17 : memref<16x128xf32, #tpu.memory_space<vmem>>) target_semaphore(%run_scoped3A : memref<!tpu.dma_semaphore, #tpu.memory_space<semaphore_mem>>)
        %dma_wait3A = arith.constant 0 : i32
        %dma_wait3A_72 = tpu.memref_slice %arg2[%add3A_67, %dma_wait3A] : memref<160000x128xf32, #tpu.memory_space<hbm>> -> memref<16x128xf32, #tpu.memory_space<hbm>>
        %dma_wait3A_73 = arith.constant 0 : i32
        %dma_wait3A_74 = tpu.memref_slice %arg2[%add3A_67, %dma_wait3A_73] : memref<160000x128xf32, #tpu.memory_space<hbm>> -> memref<16x128xf32, #tpu.memory_space<hbm>>
        tpu.wait_dma2 semaphore(%run_scoped3A : memref<!tpu.dma_semaphore, #tpu.memory_space<semaphore_mem>>) src(%dma_wait3A_74 : memref<16x128xf32, #tpu.memory_space<hbm>>) dst(%arg17 : memref<16x128xf32, #tpu.memory_space<vmem>>)
        tpu.yield
      }) : () -> ()
      "tpu.region"() ({
        %run_scoped3A = tpu.sem_alloc : memref<!tpu.dma_semaphore, #tpu.memory_space<semaphore_mem>>
        %dma_start3A_68 = arith.constant 0 : i32
        %dma_start3A_69 = arith.constant 0 : i32
        %dma_start3A_70 = tpu.memref_slice %arg18[%dma_start3A_68, %dma_start3A_69] : memref<10240x128xf32, #tpu.memory_space<vmem_shared>> -> memref<10240x128xf32, #tpu.memory_space<vmem_shared>>
        tpu.enqueue_indirect_dma source(%arg17 : memref<16x128xf32, #tpu.memory_space<vmem>>) target(%dma_start3A_70 : memref<10240x128xf32, #tpu.memory_space<vmem_shared>>) offsets(%arg16 : memref<16xi32, #tpu.memory_space<vmem>>) semaphore(%run_scoped3A : memref<!tpu.dma_semaphore, #tpu.memory_space<semaphore_mem>>) {add = true}
        %dma_wait3A = arith.constant 0 : i32
        %dma_wait3A_71 = arith.constant 0 : i32
        %dma_wait3A_72 = tpu.memref_slice %arg18[%dma_wait3A, %dma_wait3A_71] : memref<10240x128xf32, #tpu.memory_space<vmem_shared>> -> memref<10240x128xf32, #tpu.memory_space<vmem_shared>>
        tpu.wait_indirect_dma semaphore(%run_scoped3A : memref<!tpu.dma_semaphore, #tpu.memory_space<semaphore_mem>>) src(%arg17 : memref<16x128xf32, #tpu.memory_space<vmem>>) dst(%dma_wait3A_72 : memref<10240x128xf32, #tpu.memory_space<vmem_shared>>)
        tpu.yield
      }) : () -> ()
    } else {
    }
    %eq3A_5 = arith.constant 1 : i32
    %eq3A_6 = arith.cmpi eq, %arg0, %eq3A_5 : i32
    %convert_element_type3A_7 = arith.extui %eq3A_6 : i1 to i32
    %cond3A_8 = arith.constant 0 : i32
    %cond3A_9 = arith.cmpi ne, %convert_element_type3A_7, %cond3A_8 : i32
    scf.if %cond3A_9 {
      %add3A = arith.constant 0 : i32
      %add3A_47 = arith.addi %mul3A_0, %add3A : i32
      %dma_start3A = tpu.memref_slice %arg6[%add3A_47] : memref<160000xi32, #tpu.memory_space<hbm>> -> memref<128xi32, #tpu.memory_space<hbm>>
      %dma_start3A_48 = tpu.memref_slice %arg6[%add3A_47] : memref<160000xi32, #tpu.memory_space<hbm>> -> memref<128xi32, #tpu.memory_space<hbm>>
      tpu.enqueue_dma source(%dma_start3A_48 : memref<128xi32, #tpu.memory_space<hbm>>) target(%arg12 : memref<128xi32, #tpu.memory_space<vmem>>) target_semaphore(%arg19 : memref<!tpu.dma_semaphore, #tpu.memory_space<semaphore_mem>>)
      %dma_start3A_49 = arith.constant 0 : i32
      %dma_start3A_50 = tpu.memref_slice %arg3[%add3A_47, %dma_start3A_49] : memref<160000x128xf32, #tpu.memory_space<hbm>> -> memref<128x128xf32, #tpu.memory_space<hbm>>
      %dma_start3A_51 = arith.constant 0 : i32
      %dma_start3A_52 = tpu.memref_slice %arg3[%add3A_47, %dma_start3A_51] : memref<160000x128xf32, #tpu.memory_space<hbm>> -> memref<128x128xf32, #tpu.memory_space<hbm>>
      tpu.enqueue_dma source(%dma_start3A_52 : memref<128x128xf32, #tpu.memory_space<hbm>>) target(%arg13 : memref<128x128xf32, #tpu.memory_space<vmem>>) target_semaphore(%arg20 : memref<!tpu.dma_semaphore, #tpu.memory_space<semaphore_mem>>)
      %add3A_53 = arith.constant 128 : i32
      %add3A_54 = arith.addi %mul3A_0, %add3A_53 : i32
      %dma_start3A_55 = tpu.memref_slice %arg6[%add3A_54] : memref<160000xi32, #tpu.memory_space<hbm>> -> memref<128xi32, #tpu.memory_space<hbm>>
      %dma_start3A_56 = tpu.memref_slice %arg6[%add3A_54] : memref<160000xi32, #tpu.memory_space<hbm>> -> memref<128xi32, #tpu.memory_space<hbm>>
      tpu.enqueue_dma source(%dma_start3A_56 : memref<128xi32, #tpu.memory_space<hbm>>) target(%arg14 : memref<128xi32, #tpu.memory_space<vmem>>) target_semaphore(%arg21 : memref<!tpu.dma_semaphore, #tpu.memory_space<semaphore_mem>>)
      %dma_start3A_57 = arith.constant 0 : i32
      %dma_start3A_58 = tpu.memref_slice %arg3[%add3A_54, %dma_start3A_57] : memref<160000x128xf32, #tpu.memory_space<hbm>> -> memref<128x128xf32, #tpu.memory_space<hbm>>
      %dma_start3A_59 = arith.constant 0 : i32
      %dma_start3A_60 = tpu.memref_slice %arg3[%add3A_54, %dma_start3A_59] : memref<160000x128xf32, #tpu.memory_space<hbm>> -> memref<128x128xf32, #tpu.memory_space<hbm>>
      tpu.enqueue_dma source(%dma_start3A_60 : memref<128x128xf32, #tpu.memory_space<hbm>>) target(%arg15 : memref<128x128xf32, #tpu.memory_space<vmem>>) target_semaphore(%arg22 : memref<!tpu.dma_semaphore, #tpu.memory_space<semaphore_mem>>)
      %scan3A = arith.constant 0 : i32
      %scan3A_61 = arith.constant 0 : i32
      %scan3A_62 = arith.constant 39 : i32
      %scan3A_63 = arith.addi %scan3A_61, %scan3A_62 : i32
      %scan3A_64 = arith.constant 1 : i32
      scf.for %scan3A_68 = %scan3A_61 to %scan3A_63 step %scan3A_64  : i32 {
        %mul3A_69 = arith.constant 2 : i32
        %mul3A_70 = arith.muli %mul3A_69, %scan3A_68 : i32
        %add3A_71 = arith.constant 0 : i32
        %add3A_72 = arith.addi %mul3A_70, %add3A_71 : i32
        %mul3A_73 = arith.constant 128 : i32
        %mul3A_74 = arith.muli %add3A_72, %mul3A_73 : i32
        %add3A_75 = arith.addi %mul3A_0, %mul3A_74 : i32
        %dma_wait3A = tpu.memref_slice %arg6[%add3A_75] : memref<160000xi32, #tpu.memory_space<hbm>> -> memref<128xi32, #tpu.memory_space<hbm>>
        %dma_wait3A_76 = tpu.memref_slice %arg6[%add3A_75] : memref<160000xi32, #tpu.memory_space<hbm>> -> memref<128xi32, #tpu.memory_space<hbm>>
        tpu.wait_dma2 semaphore(%arg19 : memref<!tpu.dma_semaphore, #tpu.memory_space<semaphore_mem>>) src(%dma_wait3A_76 : memref<128xi32, #tpu.memory_space<hbm>>) dst(%arg12 : memref<128xi32, #tpu.memory_space<vmem>>)
        %dma_wait3A_77 = arith.constant 0 : i32
        %dma_wait3A_78 = tpu.memref_slice %arg3[%add3A_75, %dma_wait3A_77] : memref<160000x128xf32, #tpu.memory_space<hbm>> -> memref<128x128xf32, #tpu.memory_space<hbm>>
        %dma_wait3A_79 = arith.constant 0 : i32
        %dma_wait3A_80 = tpu.memref_slice %arg3[%add3A_75, %dma_wait3A_79] : memref<160000x128xf32, #tpu.memory_space<hbm>> -> memref<128x128xf32, #tpu.memory_space<hbm>>
        tpu.wait_dma2 semaphore(%arg20 : memref<!tpu.dma_semaphore, #tpu.memory_space<semaphore_mem>>) src(%dma_wait3A_80 : memref<128x128xf32, #tpu.memory_space<hbm>>) dst(%arg13 : memref<128x128xf32, #tpu.memory_space<vmem>>)
        "tpu.region"() ({
          %run_scoped3A = tpu.sem_alloc : memref<!tpu.dma_semaphore, #tpu.memory_space<semaphore_mem>>
          %dma_start3A_101 = arith.constant 0 : i32
          %dma_start3A_102 = arith.constant 0 : i32
          %dma_start3A_103 = tpu.memref_slice %arg18[%dma_start3A_101, %dma_start3A_102] : memref<10240x128xf32, #tpu.memory_space<vmem_shared>> -> memref<10240x128xf32, #tpu.memory_space<vmem_shared>>
          tpu.enqueue_indirect_dma source(%arg13 : memref<128x128xf32, #tpu.memory_space<vmem>>) target(%dma_start3A_103 : memref<10240x128xf32, #tpu.memory_space<vmem_shared>>) offsets(%arg12 : memref<128xi32, #tpu.memory_space<vmem>>) semaphore(%run_scoped3A : memref<!tpu.dma_semaphore, #tpu.memory_space<semaphore_mem>>) {add = true}
          %dma_wait3A_104 = arith.constant 0 : i32
          %dma_wait3A_105 = arith.constant 0 : i32
          %dma_wait3A_106 = tpu.memref_slice %arg18[%dma_wait3A_104, %dma_wait3A_105] : memref<10240x128xf32, #tpu.memory_space<vmem_shared>> -> memref<10240x128xf32, #tpu.memory_space<vmem_shared>>
          tpu.wait_indirect_dma semaphore(%run_scoped3A : memref<!tpu.dma_semaphore, #tpu.memory_space<semaphore_mem>>) src(%arg13 : memref<128x128xf32, #tpu.memory_space<vmem>>) dst(%dma_wait3A_106 : memref<10240x128xf32, #tpu.memory_space<vmem_shared>>)
          tpu.yield
        }) : () -> ()
        %lt3A = arith.constant 38 : i32
        %lt3A_81 = arith.cmpi slt, %scan3A_68, %lt3A : i32
        %convert_element_type3A_82 = arith.extui %lt3A_81 : i1 to i32
        %cond3A_83 = arith.constant 0 : i32
        %cond3A_84 = arith.cmpi ne, %convert_element_type3A_82, %cond3A_83 : i32
        scf.if %cond3A_84 {
          %add3A_101 = arith.constant 2 : i32
          %add3A_102 = arith.addi %mul3A_70, %add3A_101 : i32
          %add3A_103 = arith.constant 0 : i32
          %add3A_104 = arith.addi %add3A_102, %add3A_103 : i32
          %mul3A_105 = arith.constant 128 : i32
          %mul3A_106 = arith.muli %add3A_104, %mul3A_105 : i32
          %add3A_107 = arith.addi %mul3A_0, %mul3A_106 : i32
          %dma_start3A_108 = tpu.memref_slice %arg6[%add3A_107] : memref<160000xi32, #tpu.memory_space<hbm>> -> memref<128xi32, #tpu.memory_space<hbm>>
          %dma_start3A_109 = tpu.memref_slice %arg6[%add3A_107] : memref<160000xi32, #tpu.memory_space<hbm>> -> memref<128xi32, #tpu.memory_space<hbm>>
          tpu.enqueue_dma source(%dma_start3A_109 : memref<128xi32, #tpu.memory_space<hbm>>) target(%arg12 : memref<128xi32, #tpu.memory_space<vmem>>) target_semaphore(%arg19 : memref<!tpu.dma_semaphore, #tpu.memory_space<semaphore_mem>>)
          %dma_start3A_110 = arith.constant 0 : i32
          %dma_start3A_111 = tpu.memref_slice %arg3[%add3A_107, %dma_start3A_110] : memref<160000x128xf32, #tpu.memory_space<hbm>> -> memref<128x128xf32, #tpu.memory_space<hbm>>
          %dma_start3A_112 = arith.constant 0 : i32
          %dma_start3A_113 = tpu.memref_slice %arg3[%add3A_107, %dma_start3A_112] : memref<160000x128xf32, #tpu.memory_space<hbm>> -> memref<128x128xf32, #tpu.memory_space<hbm>>
          tpu.enqueue_dma source(%dma_start3A_113 : memref<128x128xf32, #tpu.memory_space<hbm>>) target(%arg13 : memref<128x128xf32, #tpu.memory_space<vmem>>) target_semaphore(%arg20 : memref<!tpu.dma_semaphore, #tpu.memory_space<semaphore_mem>>)
        } else {
        }
        %add3A_85 = arith.constant 1 : i32
        %add3A_86 = arith.addi %mul3A_70, %add3A_85 : i32
        %mul3A_87 = arith.constant 128 : i32
        %mul3A_88 = arith.muli %add3A_86, %mul3A_87 : i32
        %add3A_89 = arith.addi %mul3A_0, %mul3A_88 : i32
        %dma_wait3A_90 = tpu.memref_slice %arg6[%add3A_89] : memref<160000xi32, #tpu.memory_space<hbm>> -> memref<128xi32, #tpu.memory_space<hbm>>
        %dma_wait3A_91 = tpu.memref_slice %arg6[%add3A_89] : memref<160000xi32, #tpu.memory_space<hbm>> -> memref<128xi32, #tpu.memory_space<hbm>>
        tpu.wait_dma2 semaphore(%arg21 : memref<!tpu.dma_semaphore, #tpu.memory_space<semaphore_mem>>) src(%dma_wait3A_91 : memref<128xi32, #tpu.memory_space<hbm>>) dst(%arg14 : memref<128xi32, #tpu.memory_space<vmem>>)
        %dma_wait3A_92 = arith.constant 0 : i32
        %dma_wait3A_93 = tpu.memref_slice %arg3[%add3A_89, %dma_wait3A_92] : memref<160000x128xf32, #tpu.memory_space<hbm>> -> memref<128x128xf32, #tpu.memory_space<hbm>>
        %dma_wait3A_94 = arith.constant 0 : i32
        %dma_wait3A_95 = tpu.memref_slice %arg3[%add3A_89, %dma_wait3A_94] : memref<160000x128xf32, #tpu.memory_space<hbm>> -> memref<128x128xf32, #tpu.memory_space<hbm>>
        tpu.wait_dma2 semaphore(%arg22 : memref<!tpu.dma_semaphore, #tpu.memory_space<semaphore_mem>>) src(%dma_wait3A_95 : memref<128x128xf32, #tpu.memory_space<hbm>>) dst(%arg15 : memref<128x128xf32, #tpu.memory_space<vmem>>)
        "tpu.region"() ({
          %run_scoped3A = tpu.sem_alloc : memref<!tpu.dma_semaphore, #tpu.memory_space<semaphore_mem>>
          %dma_start3A_101 = arith.constant 0 : i32
          %dma_start3A_102 = arith.constant 0 : i32
          %dma_start3A_103 = tpu.memref_slice %arg18[%dma_start3A_101, %dma_start3A_102] : memref<10240x128xf32, #tpu.memory_space<vmem_shared>> -> memref<10240x128xf32, #tpu.memory_space<vmem_shared>>
          tpu.enqueue_indirect_dma source(%arg15 : memref<128x128xf32, #tpu.memory_space<vmem>>) target(%dma_start3A_103 : memref<10240x128xf32, #tpu.memory_space<vmem_shared>>) offsets(%arg14 : memref<128xi32, #tpu.memory_space<vmem>>) semaphore(%run_scoped3A : memref<!tpu.dma_semaphore, #tpu.memory_space<semaphore_mem>>) {add = true}
          %dma_wait3A_104 = arith.constant 0 : i32
          %dma_wait3A_105 = arith.constant 0 : i32
          %dma_wait3A_106 = tpu.memref_slice %arg18[%dma_wait3A_104, %dma_wait3A_105] : memref<10240x128xf32, #tpu.memory_space<vmem_shared>> -> memref<10240x128xf32, #tpu.memory_space<vmem_shared>>
          tpu.wait_indirect_dma semaphore(%run_scoped3A : memref<!tpu.dma_semaphore, #tpu.memory_space<semaphore_mem>>) src(%arg15 : memref<128x128xf32, #tpu.memory_space<vmem>>) dst(%dma_wait3A_106 : memref<10240x128xf32, #tpu.memory_space<vmem_shared>>)
          tpu.yield
        }) : () -> ()
        %lt3A_96 = arith.constant 38 : i32
        %lt3A_97 = arith.cmpi slt, %scan3A_68, %lt3A_96 : i32
        %convert_element_type3A_98 = arith.extui %lt3A_97 : i1 to i32
        %cond3A_99 = arith.constant 0 : i32
        %cond3A_100 = arith.cmpi ne, %convert_element_type3A_98, %cond3A_99 : i32
        scf.if %cond3A_100 {
          %add3A_101 = arith.constant 2 : i32
          %add3A_102 = arith.addi %mul3A_70, %add3A_101 : i32
          %add3A_103 = arith.constant 1 : i32
          %add3A_104 = arith.addi %add3A_102, %add3A_103 : i32
          %mul3A_105 = arith.constant 128 : i32
          %mul3A_106 = arith.muli %add3A_104, %mul3A_105 : i32
          %add3A_107 = arith.addi %mul3A_0, %mul3A_106 : i32
          %dma_start3A_108 = tpu.memref_slice %arg6[%add3A_107] : memref<160000xi32, #tpu.memory_space<hbm>> -> memref<128xi32, #tpu.memory_space<hbm>>
          %dma_start3A_109 = tpu.memref_slice %arg6[%add3A_107] : memref<160000xi32, #tpu.memory_space<hbm>> -> memref<128xi32, #tpu.memory_space<hbm>>
          tpu.enqueue_dma source(%dma_start3A_109 : memref<128xi32, #tpu.memory_space<hbm>>) target(%arg14 : memref<128xi32, #tpu.memory_space<vmem>>) target_semaphore(%arg21 : memref<!tpu.dma_semaphore, #tpu.memory_space<semaphore_mem>>)
          %dma_start3A_110 = arith.constant 0 : i32
          %dma_start3A_111 = tpu.memref_slice %arg3[%add3A_107, %dma_start3A_110] : memref<160000x128xf32, #tpu.memory_space<hbm>> -> memref<128x128xf32, #tpu.memory_space<hbm>>
          %dma_start3A_112 = arith.constant 0 : i32
          %dma_start3A_113 = tpu.memref_slice %arg3[%add3A_107, %dma_start3A_112] : memref<160000x128xf32, #tpu.memory_space<hbm>> -> memref<128x128xf32, #tpu.memory_space<hbm>>
          tpu.enqueue_dma source(%dma_start3A_113 : memref<128x128xf32, #tpu.memory_space<hbm>>) target(%arg15 : memref<128x128xf32, #tpu.memory_space<vmem>>) target_semaphore(%arg22 : memref<!tpu.dma_semaphore, #tpu.memory_space<semaphore_mem>>)
        } else {
        }
      }
      %scan3A_65 = arith.constant 39 : i32
      %add3A_66 = arith.constant 9984 : i32
      %add3A_67 = arith.addi %mul3A_0, %add3A_66 : i32
      "tpu.region"() ({
        %run_scoped3A = tpu.sem_alloc : memref<!tpu.dma_semaphore, #tpu.memory_space<semaphore_mem>>
        %dma_start3A_68 = tpu.memref_slice %arg6[%add3A_67] : memref<160000xi32, #tpu.memory_space<hbm>> -> memref<16xi32, #tpu.memory_space<hbm>>
        %dma_start3A_69 = tpu.memref_slice %arg6[%add3A_67] : memref<160000xi32, #tpu.memory_space<hbm>> -> memref<16xi32, #tpu.memory_space<hbm>>
        tpu.enqueue_dma source(%dma_start3A_69 : memref<16xi32, #tpu.memory_space<hbm>>) target(%arg16 : memref<16xi32, #tpu.memory_space<vmem>>) target_semaphore(%run_scoped3A : memref<!tpu.dma_semaphore, #tpu.memory_space<semaphore_mem>>)
        %dma_wait3A = tpu.memref_slice %arg6[%add3A_67] : memref<160000xi32, #tpu.memory_space<hbm>> -> memref<16xi32, #tpu.memory_space<hbm>>
        %dma_wait3A_70 = tpu.memref_slice %arg6[%add3A_67] : memref<160000xi32, #tpu.memory_space<hbm>> -> memref<16xi32, #tpu.memory_space<hbm>>
        tpu.wait_dma2 semaphore(%run_scoped3A : memref<!tpu.dma_semaphore, #tpu.memory_space<semaphore_mem>>) src(%dma_wait3A_70 : memref<16xi32, #tpu.memory_space<hbm>>) dst(%arg16 : memref<16xi32, #tpu.memory_space<vmem>>)
        tpu.yield
      }) : () -> ()
      "tpu.region"() ({
        %run_scoped3A = tpu.sem_alloc : memref<!tpu.dma_semaphore, #tpu.memory_space<semaphore_mem>>
        %dma_start3A_68 = arith.constant 0 : i32
        %dma_start3A_69 = tpu.memref_slice %arg3[%add3A_67, %dma_start3A_68] : memref<160000x128xf32, #tpu.memory_space<hbm>> -> memref<16x128xf32, #tpu.memory_space<hbm>>
        %dma_start3A_70 = arith.constant 0 : i32
        %dma_start3A_71 = tpu.memref_slice %arg3[%add3A_67, %dma_start3A_70] : memref<160000x128xf32, #tpu.memory_space<hbm>> -> memref<16x128xf32, #tpu.memory_space<hbm>>
        tpu.enqueue_dma source(%dma_start3A_71 : memref<16x128xf32, #tpu.memory_space<hbm>>) target(%arg17 : memref<16x128xf32, #tpu.memory_space<vmem>>) target_semaphore(%run_scoped3A : memref<!tpu.dma_semaphore, #tpu.memory_space<semaphore_mem>>)
        %dma_wait3A = arith.constant 0 : i32
        %dma_wait3A_72 = tpu.memref_slice %arg3[%add3A_67, %dma_wait3A] : memref<160000x128xf32, #tpu.memory_space<hbm>> -> memref<16x128xf32, #tpu.memory_space<hbm>>
        %dma_wait3A_73 = arith.constant 0 : i32
        %dma_wait3A_74 = tpu.memref_slice %arg3[%add3A_67, %dma_wait3A_73] : memref<160000x128xf32, #tpu.memory_space<hbm>> -> memref<16x128xf32, #tpu.memory_space<hbm>>
        tpu.wait_dma2 semaphore(%run_scoped3A : memref<!tpu.dma_semaphore, #tpu.memory_space<semaphore_mem>>) src(%dma_wait3A_74 : memref<16x128xf32, #tpu.memory_space<hbm>>) dst(%arg17 : memref<16x128xf32, #tpu.memory_space<vmem>>)
        tpu.yield
      }) : () -> ()
      "tpu.region"() ({
        %run_scoped3A = tpu.sem_alloc : memref<!tpu.dma_semaphore, #tpu.memory_space<semaphore_mem>>
        %dma_start3A_68 = arith.constant 0 : i32
        %dma_start3A_69 = arith.constant 0 : i32
        %dma_start3A_70 = tpu.memref_slice %arg18[%dma_start3A_68, %dma_start3A_69] : memref<10240x128xf32, #tpu.memory_space<vmem_shared>> -> memref<10240x128xf32, #tpu.memory_space<vmem_shared>>
        tpu.enqueue_indirect_dma source(%arg17 : memref<16x128xf32, #tpu.memory_space<vmem>>) target(%dma_start3A_70 : memref<10240x128xf32, #tpu.memory_space<vmem_shared>>) offsets(%arg16 : memref<16xi32, #tpu.memory_space<vmem>>) semaphore(%run_scoped3A : memref<!tpu.dma_semaphore, #tpu.memory_space<semaphore_mem>>) {add = true}
        %dma_wait3A = arith.constant 0 : i32
        %dma_wait3A_71 = arith.constant 0 : i32
        %dma_wait3A_72 = tpu.memref_slice %arg18[%dma_wait3A, %dma_wait3A_71] : memref<10240x128xf32, #tpu.memory_space<vmem_shared>> -> memref<10240x128xf32, #tpu.memory_space<vmem_shared>>
        tpu.wait_indirect_dma semaphore(%run_scoped3A : memref<!tpu.dma_semaphore, #tpu.memory_space<semaphore_mem>>) src(%arg17 : memref<16x128xf32, #tpu.memory_space<vmem>>) dst(%dma_wait3A_72 : memref<10240x128xf32, #tpu.memory_space<vmem_shared>>)
        tpu.yield
      }) : () -> ()
    } else {
    }
    %barrier3A_10 = arith.constant 0 : index
    tpu.barrier barrier_id(%barrier3A_10)
    %eq3A_11 = arith.constant 0 : i32
    %eq3A_12 = arith.cmpi eq, %arg0, %eq3A_11 : i32
    %convert_element_type3A_13 = arith.extui %eq3A_12 : i1 to i32
    %cond3A_14 = arith.constant 0 : i32
    %cond3A_15 = arith.cmpi ne, %convert_element_type3A_13, %cond3A_14 : i32
    scf.if %cond3A_15 {
      %mul3A_47 = arith.constant 640 : i32
      %mul3A_48 = arith.muli %arg1, %mul3A_47 : i32
      "tpu.region"() ({
        %run_scoped3A = tpu.sem_alloc : memref<!tpu.dma_semaphore, #tpu.memory_space<semaphore_mem>>
        %dma_start3A = arith.constant 0 : i32
        %dma_start3A_49 = tpu.memref_slice %arg8[%mul3A_48, %dma_start3A] : memref<10240x128xf32, #tpu.memory_space<hbm>> -> memref<640x128xf32, #tpu.memory_space<hbm>>
        %dma_start3A_50 = arith.constant 0 : i32
        %dma_start3A_51 = tpu.memref_slice %arg18[%mul3A_48, %dma_start3A_50] : memref<10240x128xf32, #tpu.memory_space<vmem_shared>> -> memref<640x128xf32, #tpu.memory_space<vmem_shared>>
        tpu.enqueue_dma source(%dma_start3A_51 : memref<640x128xf32, #tpu.memory_space<vmem_shared>>) target(%dma_start3A_49 : memref<640x128xf32, #tpu.memory_space<hbm>>) target_semaphore(%run_scoped3A : memref<!tpu.dma_semaphore, #tpu.memory_space<semaphore_mem>>)
        %dma_wait3A = arith.constant 0 : i32
        %dma_wait3A_52 = tpu.memref_slice %arg8[%mul3A_48, %dma_wait3A] : memref<10240x128xf32, #tpu.memory_space<hbm>> -> memref<640x128xf32, #tpu.memory_space<hbm>>
        %dma_wait3A_53 = arith.constant 0 : i32
        %dma_wait3A_54 = tpu.memref_slice %arg18[%mul3A_48, %dma_wait3A_53] : memref<10240x128xf32, #tpu.memory_space<vmem_shared>> -> memref<640x128xf32, #tpu.memory_space<vmem_shared>>
        tpu.wait_dma2 semaphore(%run_scoped3A : memref<!tpu.dma_semaphore, #tpu.memory_space<semaphore_mem>>) src(%dma_wait3A_54 : memref<640x128xf32, #tpu.memory_space<vmem_shared>>) dst(%dma_wait3A_52 : memref<640x128xf32, #tpu.memory_space<hbm>>)
        tpu.yield
      }) : () -> ()
    } else {
    }
    %eq3A_16 = arith.constant 1 : i32
    %eq3A_17 = arith.cmpi eq, %arg0, %eq3A_16 : i32
    %convert_element_type3A_18 = arith.extui %eq3A_17 : i1 to i32
    %cond3A_19 = arith.constant 0 : i32
    %cond3A_20 = arith.cmpi ne, %convert_element_type3A_18, %cond3A_19 : i32
    scf.if %cond3A_20 {
      %mul3A_47 = arith.constant 640 : i32
      %mul3A_48 = arith.muli %arg1, %mul3A_47 : i32
      "tpu.region"() ({
        %run_scoped3A = tpu.sem_alloc : memref<!tpu.dma_semaphore, #tpu.memory_space<semaphore_mem>>
        %dma_start3A = arith.constant 0 : i32
        %dma_start3A_49 = tpu.memref_slice %arg9[%mul3A_48, %dma_start3A] : memref<10240x128xf32, #tpu.memory_space<hbm>> -> memref<640x128xf32, #tpu.memory_space<hbm>>
        %dma_start3A_50 = arith.constant 0 : i32
        %dma_start3A_51 = tpu.memref_slice %arg18[%mul3A_48, %dma_start3A_50] : memref<10240x128xf32, #tpu.memory_space<vmem_shared>> -> memref<640x128xf32, #tpu.memory_space<vmem_shared>>
        tpu.enqueue_dma source(%dma_start3A_51 : memref<640x128xf32, #tpu.memory_space<vmem_shared>>) target(%dma_start3A_49 : memref<640x128xf32, #tpu.memory_space<hbm>>) target_semaphore(%run_scoped3A : memref<!tpu.dma_semaphore, #tpu.memory_space<semaphore_mem>>)
        %dma_wait3A = arith.constant 0 : i32
        %dma_wait3A_52 = tpu.memref_slice %arg9[%mul3A_48, %dma_wait3A] : memref<10240x128xf32, #tpu.memory_space<hbm>> -> memref<640x128xf32, #tpu.memory_space<hbm>>
        %dma_wait3A_53 = arith.constant 0 : i32
        %dma_wait3A_54 = tpu.memref_slice %arg18[%mul3A_48, %dma_wait3A_53] : memref<10240x128xf32, #tpu.memory_space<vmem_shared>> -> memref<640x128xf32, #tpu.memory_space<vmem_shared>>
        tpu.wait_dma2 semaphore(%run_scoped3A : memref<!tpu.dma_semaphore, #tpu.memory_space<semaphore_mem>>) src(%dma_wait3A_54 : memref<640x128xf32, #tpu.memory_space<vmem_shared>>) dst(%dma_wait3A_52 : memref<640x128xf32, #tpu.memory_space<hbm>>)
        tpu.yield
      }) : () -> ()
    } else {
    }
    %barrier3A_21 = arith.constant 0 : index
    tpu.barrier barrier_id(%barrier3A_21)
    %mul3A_22 = arith.constant 640 : i32
    %mul3A_23 = arith.muli %arg1, %mul3A_22 : i32
    "tpu.region"() ({
      %run_scoped3A = tpu.sem_alloc : memref<!tpu.dma_semaphore, #tpu.memory_space<semaphore_mem>>
      %dma_start3A = arith.constant 0 : i32
      %dma_start3A_47 = tpu.memref_slice %arg18[%mul3A_23, %dma_start3A] : memref<10240x128xf32, #tpu.memory_space<vmem_shared>> -> memref<640x128xf32, #tpu.memory_space<vmem_shared>>
      tpu.enqueue_dma source(%arg7 : memref<640x128xf32, #tpu.memory_space<hbm>>) target(%dma_start3A_47 : memref<640x128xf32, #tpu.memory_space<vmem_shared>>) target_semaphore(%run_scoped3A : memref<!tpu.dma_semaphore, #tpu.memory_space<semaphore_mem>>)
      %dma_wait3A = arith.constant 0 : i32
      %dma_wait3A_48 = tpu.memref_slice %arg18[%mul3A_23, %dma_wait3A] : memref<10240x128xf32, #tpu.memory_space<vmem_shared>> -> memref<640x128xf32, #tpu.memory_space<vmem_shared>>
      tpu.wait_dma2 semaphore(%run_scoped3A : memref<!tpu.dma_semaphore, #tpu.memory_space<semaphore_mem>>) src(%arg7 : memref<640x128xf32, #tpu.memory_space<hbm>>) dst(%dma_wait3A_48 : memref<640x128xf32, #tpu.memory_space<vmem_shared>>)
      tpu.yield
    }) : () -> ()
    %barrier3A_24 = arith.constant 0 : index
    tpu.barrier barrier_id(%barrier3A_24)
    %eq3A_25 = arith.constant 0 : i32
    %eq3A_26 = arith.cmpi eq, %arg0, %eq3A_25 : i32
    %convert_element_type3A_27 = arith.extui %eq3A_26 : i1 to i32
    %cond3A_28 = arith.constant 0 : i32
    %cond3A_29 = arith.cmpi ne, %convert_element_type3A_27, %cond3A_28 : i32
    scf.if %cond3A_29 {
      %add3A = arith.constant 0 : i32
      %add3A_47 = arith.addi %mul3A_0, %add3A : i32
      %dma_start3A = tpu.memref_slice %arg6[%add3A_47] : memref<160000xi32, #tpu.memory_space<hbm>> -> memref<128xi32, #tpu.memory_space<hbm>>
      %dma_start3A_48 = tpu.memref_slice %arg6[%add3A_47] : memref<160000xi32, #tpu.memory_space<hbm>> -> memref<128xi32, #tpu.memory_space<hbm>>
      tpu.enqueue_dma source(%dma_start3A_48 : memref<128xi32, #tpu.memory_space<hbm>>) target(%arg12 : memref<128xi32, #tpu.memory_space<vmem>>) target_semaphore(%arg19 : memref<!tpu.dma_semaphore, #tpu.memory_space<semaphore_mem>>)
      %dma_start3A_49 = arith.constant 0 : i32
      %dma_start3A_50 = tpu.memref_slice %arg4[%add3A_47, %dma_start3A_49] : memref<160000x128xf32, #tpu.memory_space<hbm>> -> memref<128x128xf32, #tpu.memory_space<hbm>>
      %dma_start3A_51 = arith.constant 0 : i32
      %dma_start3A_52 = tpu.memref_slice %arg4[%add3A_47, %dma_start3A_51] : memref<160000x128xf32, #tpu.memory_space<hbm>> -> memref<128x128xf32, #tpu.memory_space<hbm>>
      tpu.enqueue_dma source(%dma_start3A_52 : memref<128x128xf32, #tpu.memory_space<hbm>>) target(%arg13 : memref<128x128xf32, #tpu.memory_space<vmem>>) target_semaphore(%arg20 : memref<!tpu.dma_semaphore, #tpu.memory_space<semaphore_mem>>)
      %add3A_53 = arith.constant 128 : i32
      %add3A_54 = arith.addi %mul3A_0, %add3A_53 : i32
      %dma_start3A_55 = tpu.memref_slice %arg6[%add3A_54] : memref<160000xi32, #tpu.memory_space<hbm>> -> memref<128xi32, #tpu.memory_space<hbm>>
      %dma_start3A_56 = tpu.memref_slice %arg6[%add3A_54] : memref<160000xi32, #tpu.memory_space<hbm>> -> memref<128xi32, #tpu.memory_space<hbm>>
      tpu.enqueue_dma source(%dma_start3A_56 : memref<128xi32, #tpu.memory_space<hbm>>) target(%arg14 : memref<128xi32, #tpu.memory_space<vmem>>) target_semaphore(%arg21 : memref<!tpu.dma_semaphore, #tpu.memory_space<semaphore_mem>>)
      %dma_start3A_57 = arith.constant 0 : i32
      %dma_start3A_58 = tpu.memref_slice %arg4[%add3A_54, %dma_start3A_57] : memref<160000x128xf32, #tpu.memory_space<hbm>> -> memref<128x128xf32, #tpu.memory_space<hbm>>
      %dma_start3A_59 = arith.constant 0 : i32
      %dma_start3A_60 = tpu.memref_slice %arg4[%add3A_54, %dma_start3A_59] : memref<160000x128xf32, #tpu.memory_space<hbm>> -> memref<128x128xf32, #tpu.memory_space<hbm>>
      tpu.enqueue_dma source(%dma_start3A_60 : memref<128x128xf32, #tpu.memory_space<hbm>>) target(%arg15 : memref<128x128xf32, #tpu.memory_space<vmem>>) target_semaphore(%arg22 : memref<!tpu.dma_semaphore, #tpu.memory_space<semaphore_mem>>)
      %scan3A = arith.constant 0 : i32
      %scan3A_61 = arith.constant 0 : i32
      %scan3A_62 = arith.constant 39 : i32
      %scan3A_63 = arith.addi %scan3A_61, %scan3A_62 : i32
      %scan3A_64 = arith.constant 1 : i32
      scf.for %scan3A_68 = %scan3A_61 to %scan3A_63 step %scan3A_64  : i32 {
        %mul3A_69 = arith.constant 2 : i32
        %mul3A_70 = arith.muli %mul3A_69, %scan3A_68 : i32
        %add3A_71 = arith.constant 0 : i32
        %add3A_72 = arith.addi %mul3A_70, %add3A_71 : i32
        %mul3A_73 = arith.constant 128 : i32
        %mul3A_74 = arith.muli %add3A_72, %mul3A_73 : i32
        %add3A_75 = arith.addi %mul3A_0, %mul3A_74 : i32
        %dma_wait3A = tpu.memref_slice %arg6[%add3A_75] : memref<160000xi32, #tpu.memory_space<hbm>> -> memref<128xi32, #tpu.memory_space<hbm>>
        %dma_wait3A_76 = tpu.memref_slice %arg6[%add3A_75] : memref<160000xi32, #tpu.memory_space<hbm>> -> memref<128xi32, #tpu.memory_space<hbm>>
        tpu.wait_dma2 semaphore(%arg19 : memref<!tpu.dma_semaphore, #tpu.memory_space<semaphore_mem>>) src(%dma_wait3A_76 : memref<128xi32, #tpu.memory_space<hbm>>) dst(%arg12 : memref<128xi32, #tpu.memory_space<vmem>>)
        %dma_wait3A_77 = arith.constant 0 : i32
        %dma_wait3A_78 = tpu.memref_slice %arg4[%add3A_75, %dma_wait3A_77] : memref<160000x128xf32, #tpu.memory_space<hbm>> -> memref<128x128xf32, #tpu.memory_space<hbm>>
        %dma_wait3A_79 = arith.constant 0 : i32
        %dma_wait3A_80 = tpu.memref_slice %arg4[%add3A_75, %dma_wait3A_79] : memref<160000x128xf32, #tpu.memory_space<hbm>> -> memref<128x128xf32, #tpu.memory_space<hbm>>
        tpu.wait_dma2 semaphore(%arg20 : memref<!tpu.dma_semaphore, #tpu.memory_space<semaphore_mem>>) src(%dma_wait3A_80 : memref<128x128xf32, #tpu.memory_space<hbm>>) dst(%arg13 : memref<128x128xf32, #tpu.memory_space<vmem>>)
        "tpu.region"() ({
          %run_scoped3A = tpu.sem_alloc : memref<!tpu.dma_semaphore, #tpu.memory_space<semaphore_mem>>
          %dma_start3A_101 = arith.constant 0 : i32
          %dma_start3A_102 = arith.constant 0 : i32
          %dma_start3A_103 = tpu.memref_slice %arg18[%dma_start3A_101, %dma_start3A_102] : memref<10240x128xf32, #tpu.memory_space<vmem_shared>> -> memref<10240x128xf32, #tpu.memory_space<vmem_shared>>
          tpu.enqueue_indirect_dma source(%arg13 : memref<128x128xf32, #tpu.memory_space<vmem>>) target(%dma_start3A_103 : memref<10240x128xf32, #tpu.memory_space<vmem_shared>>) offsets(%arg12 : memref<128xi32, #tpu.memory_space<vmem>>) semaphore(%run_scoped3A : memref<!tpu.dma_semaphore, #tpu.memory_space<semaphore_mem>>) {add = true}
          %dma_wait3A_104 = arith.constant 0 : i32
          %dma_wait3A_105 = arith.constant 0 : i32
          %dma_wait3A_106 = tpu.memref_slice %arg18[%dma_wait3A_104, %dma_wait3A_105] : memref<10240x128xf32, #tpu.memory_space<vmem_shared>> -> memref<10240x128xf32, #tpu.memory_space<vmem_shared>>
          tpu.wait_indirect_dma semaphore(%run_scoped3A : memref<!tpu.dma_semaphore, #tpu.memory_space<semaphore_mem>>) src(%arg13 : memref<128x128xf32, #tpu.memory_space<vmem>>) dst(%dma_wait3A_106 : memref<10240x128xf32, #tpu.memory_space<vmem_shared>>)
          tpu.yield
        }) : () -> ()
        %lt3A = arith.constant 38 : i32
        %lt3A_81 = arith.cmpi slt, %scan3A_68, %lt3A : i32
        %convert_element_type3A_82 = arith.extui %lt3A_81 : i1 to i32
        %cond3A_83 = arith.constant 0 : i32
        %cond3A_84 = arith.cmpi ne, %convert_element_type3A_82, %cond3A_83 : i32
        scf.if %cond3A_84 {
          %add3A_101 = arith.constant 2 : i32
          %add3A_102 = arith.addi %mul3A_70, %add3A_101 : i32
          %add3A_103 = arith.constant 0 : i32
          %add3A_104 = arith.addi %add3A_102, %add3A_103 : i32
          %mul3A_105 = arith.constant 128 : i32
          %mul3A_106 = arith.muli %add3A_104, %mul3A_105 : i32
          %add3A_107 = arith.addi %mul3A_0, %mul3A_106 : i32
          %dma_start3A_108 = tpu.memref_slice %arg6[%add3A_107] : memref<160000xi32, #tpu.memory_space<hbm>> -> memref<128xi32, #tpu.memory_space<hbm>>
          %dma_start3A_109 = tpu.memref_slice %arg6[%add3A_107] : memref<160000xi32, #tpu.memory_space<hbm>> -> memref<128xi32, #tpu.memory_space<hbm>>
          tpu.enqueue_dma source(%dma_start3A_109 : memref<128xi32, #tpu.memory_space<hbm>>) target(%arg12 : memref<128xi32, #tpu.memory_space<vmem>>) target_semaphore(%arg19 : memref<!tpu.dma_semaphore, #tpu.memory_space<semaphore_mem>>)
          %dma_start3A_110 = arith.constant 0 : i32
          %dma_start3A_111 = tpu.memref_slice %arg4[%add3A_107, %dma_start3A_110] : memref<160000x128xf32, #tpu.memory_space<hbm>> -> memref<128x128xf32, #tpu.memory_space<hbm>>
          %dma_start3A_112 = arith.constant 0 : i32
          %dma_start3A_113 = tpu.memref_slice %arg4[%add3A_107, %dma_start3A_112] : memref<160000x128xf32, #tpu.memory_space<hbm>> -> memref<128x128xf32, #tpu.memory_space<hbm>>
          tpu.enqueue_dma source(%dma_start3A_113 : memref<128x128xf32, #tpu.memory_space<hbm>>) target(%arg13 : memref<128x128xf32, #tpu.memory_space<vmem>>) target_semaphore(%arg20 : memref<!tpu.dma_semaphore, #tpu.memory_space<semaphore_mem>>)
        } else {
        }
        %add3A_85 = arith.constant 1 : i32
        %add3A_86 = arith.addi %mul3A_70, %add3A_85 : i32
        %mul3A_87 = arith.constant 128 : i32
        %mul3A_88 = arith.muli %add3A_86, %mul3A_87 : i32
        %add3A_89 = arith.addi %mul3A_0, %mul3A_88 : i32
        %dma_wait3A_90 = tpu.memref_slice %arg6[%add3A_89] : memref<160000xi32, #tpu.memory_space<hbm>> -> memref<128xi32, #tpu.memory_space<hbm>>
        %dma_wait3A_91 = tpu.memref_slice %arg6[%add3A_89] : memref<160000xi32, #tpu.memory_space<hbm>> -> memref<128xi32, #tpu.memory_space<hbm>>
        tpu.wait_dma2 semaphore(%arg21 : memref<!tpu.dma_semaphore, #tpu.memory_space<semaphore_mem>>) src(%dma_wait3A_91 : memref<128xi32, #tpu.memory_space<hbm>>) dst(%arg14 : memref<128xi32, #tpu.memory_space<vmem>>)
        %dma_wait3A_92 = arith.constant 0 : i32
        %dma_wait3A_93 = tpu.memref_slice %arg4[%add3A_89, %dma_wait3A_92] : memref<160000x128xf32, #tpu.memory_space<hbm>> -> memref<128x128xf32, #tpu.memory_space<hbm>>
        %dma_wait3A_94 = arith.constant 0 : i32
        %dma_wait3A_95 = tpu.memref_slice %arg4[%add3A_89, %dma_wait3A_94] : memref<160000x128xf32, #tpu.memory_space<hbm>> -> memref<128x128xf32, #tpu.memory_space<hbm>>
        tpu.wait_dma2 semaphore(%arg22 : memref<!tpu.dma_semaphore, #tpu.memory_space<semaphore_mem>>) src(%dma_wait3A_95 : memref<128x128xf32, #tpu.memory_space<hbm>>) dst(%arg15 : memref<128x128xf32, #tpu.memory_space<vmem>>)
        "tpu.region"() ({
          %run_scoped3A = tpu.sem_alloc : memref<!tpu.dma_semaphore, #tpu.memory_space<semaphore_mem>>
          %dma_start3A_101 = arith.constant 0 : i32
          %dma_start3A_102 = arith.constant 0 : i32
          %dma_start3A_103 = tpu.memref_slice %arg18[%dma_start3A_101, %dma_start3A_102] : memref<10240x128xf32, #tpu.memory_space<vmem_shared>> -> memref<10240x128xf32, #tpu.memory_space<vmem_shared>>
          tpu.enqueue_indirect_dma source(%arg15 : memref<128x128xf32, #tpu.memory_space<vmem>>) target(%dma_start3A_103 : memref<10240x128xf32, #tpu.memory_space<vmem_shared>>) offsets(%arg14 : memref<128xi32, #tpu.memory_space<vmem>>) semaphore(%run_scoped3A : memref<!tpu.dma_semaphore, #tpu.memory_space<semaphore_mem>>) {add = true}
          %dma_wait3A_104 = arith.constant 0 : i32
          %dma_wait3A_105 = arith.constant 0 : i32
          %dma_wait3A_106 = tpu.memref_slice %arg18[%dma_wait3A_104, %dma_wait3A_105] : memref<10240x128xf32, #tpu.memory_space<vmem_shared>> -> memref<10240x128xf32, #tpu.memory_space<vmem_shared>>
          tpu.wait_indirect_dma semaphore(%run_scoped3A : memref<!tpu.dma_semaphore, #tpu.memory_space<semaphore_mem>>) src(%arg15 : memref<128x128xf32, #tpu.memory_space<vmem>>) dst(%dma_wait3A_106 : memref<10240x128xf32, #tpu.memory_space<vmem_shared>>)
          tpu.yield
        }) : () -> ()
        %lt3A_96 = arith.constant 38 : i32
        %lt3A_97 = arith.cmpi slt, %scan3A_68, %lt3A_96 : i32
        %convert_element_type3A_98 = arith.extui %lt3A_97 : i1 to i32
        %cond3A_99 = arith.constant 0 : i32
        %cond3A_100 = arith.cmpi ne, %convert_element_type3A_98, %cond3A_99 : i32
        scf.if %cond3A_100 {
          %add3A_101 = arith.constant 2 : i32
          %add3A_102 = arith.addi %mul3A_70, %add3A_101 : i32
          %add3A_103 = arith.constant 1 : i32
          %add3A_104 = arith.addi %add3A_102, %add3A_103 : i32
          %mul3A_105 = arith.constant 128 : i32
          %mul3A_106 = arith.muli %add3A_104, %mul3A_105 : i32
          %add3A_107 = arith.addi %mul3A_0, %mul3A_106 : i32
          %dma_start3A_108 = tpu.memref_slice %arg6[%add3A_107] : memref<160000xi32, #tpu.memory_space<hbm>> -> memref<128xi32, #tpu.memory_space<hbm>>
          %dma_start3A_109 = tpu.memref_slice %arg6[%add3A_107] : memref<160000xi32, #tpu.memory_space<hbm>> -> memref<128xi32, #tpu.memory_space<hbm>>
          tpu.enqueue_dma source(%dma_start3A_109 : memref<128xi32, #tpu.memory_space<hbm>>) target(%arg14 : memref<128xi32, #tpu.memory_space<vmem>>) target_semaphore(%arg21 : memref<!tpu.dma_semaphore, #tpu.memory_space<semaphore_mem>>)
          %dma_start3A_110 = arith.constant 0 : i32
          %dma_start3A_111 = tpu.memref_slice %arg4[%add3A_107, %dma_start3A_110] : memref<160000x128xf32, #tpu.memory_space<hbm>> -> memref<128x128xf32, #tpu.memory_space<hbm>>
          %dma_start3A_112 = arith.constant 0 : i32
          %dma_start3A_113 = tpu.memref_slice %arg4[%add3A_107, %dma_start3A_112] : memref<160000x128xf32, #tpu.memory_space<hbm>> -> memref<128x128xf32, #tpu.memory_space<hbm>>
          tpu.enqueue_dma source(%dma_start3A_113 : memref<128x128xf32, #tpu.memory_space<hbm>>) target(%arg15 : memref<128x128xf32, #tpu.memory_space<vmem>>) target_semaphore(%arg22 : memref<!tpu.dma_semaphore, #tpu.memory_space<semaphore_mem>>)
        } else {
        }
      }
      %scan3A_65 = arith.constant 39 : i32
      %add3A_66 = arith.constant 9984 : i32
      %add3A_67 = arith.addi %mul3A_0, %add3A_66 : i32
      "tpu.region"() ({
        %run_scoped3A = tpu.sem_alloc : memref<!tpu.dma_semaphore, #tpu.memory_space<semaphore_mem>>
        %dma_start3A_68 = tpu.memref_slice %arg6[%add3A_67] : memref<160000xi32, #tpu.memory_space<hbm>> -> memref<16xi32, #tpu.memory_space<hbm>>
        %dma_start3A_69 = tpu.memref_slice %arg6[%add3A_67] : memref<160000xi32, #tpu.memory_space<hbm>> -> memref<16xi32, #tpu.memory_space<hbm>>
        tpu.enqueue_dma source(%dma_start3A_69 : memref<16xi32, #tpu.memory_space<hbm>>) target(%arg16 : memref<16xi32, #tpu.memory_space<vmem>>) target_semaphore(%run_scoped3A : memref<!tpu.dma_semaphore, #tpu.memory_space<semaphore_mem>>)
        %dma_wait3A = tpu.memref_slice %arg6[%add3A_67] : memref<160000xi32, #tpu.memory_space<hbm>> -> memref<16xi32, #tpu.memory_space<hbm>>
        %dma_wait3A_70 = tpu.memref_slice %arg6[%add3A_67] : memref<160000xi32, #tpu.memory_space<hbm>> -> memref<16xi32, #tpu.memory_space<hbm>>
        tpu.wait_dma2 semaphore(%run_scoped3A : memref<!tpu.dma_semaphore, #tpu.memory_space<semaphore_mem>>) src(%dma_wait3A_70 : memref<16xi32, #tpu.memory_space<hbm>>) dst(%arg16 : memref<16xi32, #tpu.memory_space<vmem>>)
        tpu.yield
      }) : () -> ()
      "tpu.region"() ({
        %run_scoped3A = tpu.sem_alloc : memref<!tpu.dma_semaphore, #tpu.memory_space<semaphore_mem>>
        %dma_start3A_68 = arith.constant 0 : i32
        %dma_start3A_69 = tpu.memref_slice %arg4[%add3A_67, %dma_start3A_68] : memref<160000x128xf32, #tpu.memory_space<hbm>> -> memref<16x128xf32, #tpu.memory_space<hbm>>
        %dma_start3A_70 = arith.constant 0 : i32
        %dma_start3A_71 = tpu.memref_slice %arg4[%add3A_67, %dma_start3A_70] : memref<160000x128xf32, #tpu.memory_space<hbm>> -> memref<16x128xf32, #tpu.memory_space<hbm>>
        tpu.enqueue_dma source(%dma_start3A_71 : memref<16x128xf32, #tpu.memory_space<hbm>>) target(%arg17 : memref<16x128xf32, #tpu.memory_space<vmem>>) target_semaphore(%run_scoped3A : memref<!tpu.dma_semaphore, #tpu.memory_space<semaphore_mem>>)
        %dma_wait3A = arith.constant 0 : i32
        %dma_wait3A_72 = tpu.memref_slice %arg4[%add3A_67, %dma_wait3A] : memref<160000x128xf32, #tpu.memory_space<hbm>> -> memref<16x128xf32, #tpu.memory_space<hbm>>
        %dma_wait3A_73 = arith.constant 0 : i32
        %dma_wait3A_74 = tpu.memref_slice %arg4[%add3A_67, %dma_wait3A_73] : memref<160000x128xf32, #tpu.memory_space<hbm>> -> memref<16x128xf32, #tpu.memory_space<hbm>>
        tpu.wait_dma2 semaphore(%run_scoped3A : memref<!tpu.dma_semaphore, #tpu.memory_space<semaphore_mem>>) src(%dma_wait3A_74 : memref<16x128xf32, #tpu.memory_space<hbm>>) dst(%arg17 : memref<16x128xf32, #tpu.memory_space<vmem>>)
        tpu.yield
      }) : () -> ()
      "tpu.region"() ({
        %run_scoped3A = tpu.sem_alloc : memref<!tpu.dma_semaphore, #tpu.memory_space<semaphore_mem>>
        %dma_start3A_68 = arith.constant 0 : i32
        %dma_start3A_69 = arith.constant 0 : i32
        %dma_start3A_70 = tpu.memref_slice %arg18[%dma_start3A_68, %dma_start3A_69] : memref<10240x128xf32, #tpu.memory_space<vmem_shared>> -> memref<10240x128xf32, #tpu.memory_space<vmem_shared>>
        tpu.enqueue_indirect_dma source(%arg17 : memref<16x128xf32, #tpu.memory_space<vmem>>) target(%dma_start3A_70 : memref<10240x128xf32, #tpu.memory_space<vmem_shared>>) offsets(%arg16 : memref<16xi32, #tpu.memory_space<vmem>>) semaphore(%run_scoped3A : memref<!tpu.dma_semaphore, #tpu.memory_space<semaphore_mem>>) {add = true}
        %dma_wait3A = arith.constant 0 : i32
        %dma_wait3A_71 = arith.constant 0 : i32
        %dma_wait3A_72 = tpu.memref_slice %arg18[%dma_wait3A, %dma_wait3A_71] : memref<10240x128xf32, #tpu.memory_space<vmem_shared>> -> memref<10240x128xf32, #tpu.memory_space<vmem_shared>>
        tpu.wait_indirect_dma semaphore(%run_scoped3A : memref<!tpu.dma_semaphore, #tpu.memory_space<semaphore_mem>>) src(%arg17 : memref<16x128xf32, #tpu.memory_space<vmem>>) dst(%dma_wait3A_72 : memref<10240x128xf32, #tpu.memory_space<vmem_shared>>)
        tpu.yield
      }) : () -> ()
    } else {
    }
    %eq3A_30 = arith.constant 1 : i32
    %eq3A_31 = arith.cmpi eq, %arg0, %eq3A_30 : i32
    %convert_element_type3A_32 = arith.extui %eq3A_31 : i1 to i32
    %cond3A_33 = arith.constant 0 : i32
    %cond3A_34 = arith.cmpi ne, %convert_element_type3A_32, %cond3A_33 : i32
    scf.if %cond3A_34 {
      %add3A = arith.constant 0 : i32
      %add3A_47 = arith.addi %mul3A_0, %add3A : i32
      %dma_start3A = tpu.memref_slice %arg6[%add3A_47] : memref<160000xi32, #tpu.memory_space<hbm>> -> memref<128xi32, #tpu.memory_space<hbm>>
      %dma_start3A_48 = tpu.memref_slice %arg6[%add3A_47] : memref<160000xi32, #tpu.memory_space<hbm>> -> memref<128xi32, #tpu.memory_space<hbm>>
      tpu.enqueue_dma source(%dma_start3A_48 : memref<128xi32, #tpu.memory_space<hbm>>) target(%arg12 : memref<128xi32, #tpu.memory_space<vmem>>) target_semaphore(%arg19 : memref<!tpu.dma_semaphore, #tpu.memory_space<semaphore_mem>>)
      %dma_start3A_49 = arith.constant 0 : i32
      %dma_start3A_50 = tpu.memref_slice %arg5[%add3A_47, %dma_start3A_49] : memref<160000x128xf32, #tpu.memory_space<hbm>> -> memref<128x128xf32, #tpu.memory_space<hbm>>
      %dma_start3A_51 = arith.constant 0 : i32
      %dma_start3A_52 = tpu.memref_slice %arg5[%add3A_47, %dma_start3A_51] : memref<160000x128xf32, #tpu.memory_space<hbm>> -> memref<128x128xf32, #tpu.memory_space<hbm>>
      tpu.enqueue_dma source(%dma_start3A_52 : memref<128x128xf32, #tpu.memory_space<hbm>>) target(%arg13 : memref<128x128xf32, #tpu.memory_space<vmem>>) target_semaphore(%arg20 : memref<!tpu.dma_semaphore, #tpu.memory_space<semaphore_mem>>)
      %add3A_53 = arith.constant 128 : i32
      %add3A_54 = arith.addi %mul3A_0, %add3A_53 : i32
      %dma_start3A_55 = tpu.memref_slice %arg6[%add3A_54] : memref<160000xi32, #tpu.memory_space<hbm>> -> memref<128xi32, #tpu.memory_space<hbm>>
      %dma_start3A_56 = tpu.memref_slice %arg6[%add3A_54] : memref<160000xi32, #tpu.memory_space<hbm>> -> memref<128xi32, #tpu.memory_space<hbm>>
      tpu.enqueue_dma source(%dma_start3A_56 : memref<128xi32, #tpu.memory_space<hbm>>) target(%arg14 : memref<128xi32, #tpu.memory_space<vmem>>) target_semaphore(%arg21 : memref<!tpu.dma_semaphore, #tpu.memory_space<semaphore_mem>>)
      %dma_start3A_57 = arith.constant 0 : i32
      %dma_start3A_58 = tpu.memref_slice %arg5[%add3A_54, %dma_start3A_57] : memref<160000x128xf32, #tpu.memory_space<hbm>> -> memref<128x128xf32, #tpu.memory_space<hbm>>
      %dma_start3A_59 = arith.constant 0 : i32
      %dma_start3A_60 = tpu.memref_slice %arg5[%add3A_54, %dma_start3A_59] : memref<160000x128xf32, #tpu.memory_space<hbm>> -> memref<128x128xf32, #tpu.memory_space<hbm>>
      tpu.enqueue_dma source(%dma_start3A_60 : memref<128x128xf32, #tpu.memory_space<hbm>>) target(%arg15 : memref<128x128xf32, #tpu.memory_space<vmem>>) target_semaphore(%arg22 : memref<!tpu.dma_semaphore, #tpu.memory_space<semaphore_mem>>)
      %scan3A = arith.constant 0 : i32
      %scan3A_61 = arith.constant 0 : i32
      %scan3A_62 = arith.constant 39 : i32
      %scan3A_63 = arith.addi %scan3A_61, %scan3A_62 : i32
      %scan3A_64 = arith.constant 1 : i32
      scf.for %scan3A_68 = %scan3A_61 to %scan3A_63 step %scan3A_64  : i32 {
        %mul3A_69 = arith.constant 2 : i32
        %mul3A_70 = arith.muli %mul3A_69, %scan3A_68 : i32
        %add3A_71 = arith.constant 0 : i32
        %add3A_72 = arith.addi %mul3A_70, %add3A_71 : i32
        %mul3A_73 = arith.constant 128 : i32
        %mul3A_74 = arith.muli %add3A_72, %mul3A_73 : i32
        %add3A_75 = arith.addi %mul3A_0, %mul3A_74 : i32
        %dma_wait3A = tpu.memref_slice %arg6[%add3A_75] : memref<160000xi32, #tpu.memory_space<hbm>> -> memref<128xi32, #tpu.memory_space<hbm>>
        %dma_wait3A_76 = tpu.memref_slice %arg6[%add3A_75] : memref<160000xi32, #tpu.memory_space<hbm>> -> memref<128xi32, #tpu.memory_space<hbm>>
        tpu.wait_dma2 semaphore(%arg19 : memref<!tpu.dma_semaphore, #tpu.memory_space<semaphore_mem>>) src(%dma_wait3A_76 : memref<128xi32, #tpu.memory_space<hbm>>) dst(%arg12 : memref<128xi32, #tpu.memory_space<vmem>>)
        %dma_wait3A_77 = arith.constant 0 : i32
        %dma_wait3A_78 = tpu.memref_slice %arg5[%add3A_75, %dma_wait3A_77] : memref<160000x128xf32, #tpu.memory_space<hbm>> -> memref<128x128xf32, #tpu.memory_space<hbm>>
        %dma_wait3A_79 = arith.constant 0 : i32
        %dma_wait3A_80 = tpu.memref_slice %arg5[%add3A_75, %dma_wait3A_79] : memref<160000x128xf32, #tpu.memory_space<hbm>> -> memref<128x128xf32, #tpu.memory_space<hbm>>
        tpu.wait_dma2 semaphore(%arg20 : memref<!tpu.dma_semaphore, #tpu.memory_space<semaphore_mem>>) src(%dma_wait3A_80 : memref<128x128xf32, #tpu.memory_space<hbm>>) dst(%arg13 : memref<128x128xf32, #tpu.memory_space<vmem>>)
        "tpu.region"() ({
          %run_scoped3A = tpu.sem_alloc : memref<!tpu.dma_semaphore, #tpu.memory_space<semaphore_mem>>
          %dma_start3A_101 = arith.constant 0 : i32
          %dma_start3A_102 = arith.constant 0 : i32
          %dma_start3A_103 = tpu.memref_slice %arg18[%dma_start3A_101, %dma_start3A_102] : memref<10240x128xf32, #tpu.memory_space<vmem_shared>> -> memref<10240x128xf32, #tpu.memory_space<vmem_shared>>
          tpu.enqueue_indirect_dma source(%arg13 : memref<128x128xf32, #tpu.memory_space<vmem>>) target(%dma_start3A_103 : memref<10240x128xf32, #tpu.memory_space<vmem_shared>>) offsets(%arg12 : memref<128xi32, #tpu.memory_space<vmem>>) semaphore(%run_scoped3A : memref<!tpu.dma_semaphore, #tpu.memory_space<semaphore_mem>>) {add = true}
          %dma_wait3A_104 = arith.constant 0 : i32
          %dma_wait3A_105 = arith.constant 0 : i32
          %dma_wait3A_106 = tpu.memref_slice %arg18[%dma_wait3A_104, %dma_wait3A_105] : memref<10240x128xf32, #tpu.memory_space<vmem_shared>> -> memref<10240x128xf32, #tpu.memory_space<vmem_shared>>
          tpu.wait_indirect_dma semaphore(%run_scoped3A : memref<!tpu.dma_semaphore, #tpu.memory_space<semaphore_mem>>) src(%arg13 : memref<128x128xf32, #tpu.memory_space<vmem>>) dst(%dma_wait3A_106 : memref<10240x128xf32, #tpu.memory_space<vmem_shared>>)
          tpu.yield
        }) : () -> ()
        %lt3A = arith.constant 38 : i32
        %lt3A_81 = arith.cmpi slt, %scan3A_68, %lt3A : i32
        %convert_element_type3A_82 = arith.extui %lt3A_81 : i1 to i32
        %cond3A_83 = arith.constant 0 : i32
        %cond3A_84 = arith.cmpi ne, %convert_element_type3A_82, %cond3A_83 : i32
        scf.if %cond3A_84 {
          %add3A_101 = arith.constant 2 : i32
          %add3A_102 = arith.addi %mul3A_70, %add3A_101 : i32
          %add3A_103 = arith.constant 0 : i32
          %add3A_104 = arith.addi %add3A_102, %add3A_103 : i32
          %mul3A_105 = arith.constant 128 : i32
          %mul3A_106 = arith.muli %add3A_104, %mul3A_105 : i32
          %add3A_107 = arith.addi %mul3A_0, %mul3A_106 : i32
          %dma_start3A_108 = tpu.memref_slice %arg6[%add3A_107] : memref<160000xi32, #tpu.memory_space<hbm>> -> memref<128xi32, #tpu.memory_space<hbm>>
          %dma_start3A_109 = tpu.memref_slice %arg6[%add3A_107] : memref<160000xi32, #tpu.memory_space<hbm>> -> memref<128xi32, #tpu.memory_space<hbm>>
          tpu.enqueue_dma source(%dma_start3A_109 : memref<128xi32, #tpu.memory_space<hbm>>) target(%arg12 : memref<128xi32, #tpu.memory_space<vmem>>) target_semaphore(%arg19 : memref<!tpu.dma_semaphore, #tpu.memory_space<semaphore_mem>>)
          %dma_start3A_110 = arith.constant 0 : i32
          %dma_start3A_111 = tpu.memref_slice %arg5[%add3A_107, %dma_start3A_110] : memref<160000x128xf32, #tpu.memory_space<hbm>> -> memref<128x128xf32, #tpu.memory_space<hbm>>
          %dma_start3A_112 = arith.constant 0 : i32
          %dma_start3A_113 = tpu.memref_slice %arg5[%add3A_107, %dma_start3A_112] : memref<160000x128xf32, #tpu.memory_space<hbm>> -> memref<128x128xf32, #tpu.memory_space<hbm>>
          tpu.enqueue_dma source(%dma_start3A_113 : memref<128x128xf32, #tpu.memory_space<hbm>>) target(%arg13 : memref<128x128xf32, #tpu.memory_space<vmem>>) target_semaphore(%arg20 : memref<!tpu.dma_semaphore, #tpu.memory_space<semaphore_mem>>)
        } else {
        }
        %add3A_85 = arith.constant 1 : i32
        %add3A_86 = arith.addi %mul3A_70, %add3A_85 : i32
        %mul3A_87 = arith.constant 128 : i32
        %mul3A_88 = arith.muli %add3A_86, %mul3A_87 : i32
        %add3A_89 = arith.addi %mul3A_0, %mul3A_88 : i32
        %dma_wait3A_90 = tpu.memref_slice %arg6[%add3A_89] : memref<160000xi32, #tpu.memory_space<hbm>> -> memref<128xi32, #tpu.memory_space<hbm>>
        %dma_wait3A_91 = tpu.memref_slice %arg6[%add3A_89] : memref<160000xi32, #tpu.memory_space<hbm>> -> memref<128xi32, #tpu.memory_space<hbm>>
        tpu.wait_dma2 semaphore(%arg21 : memref<!tpu.dma_semaphore, #tpu.memory_space<semaphore_mem>>) src(%dma_wait3A_91 : memref<128xi32, #tpu.memory_space<hbm>>) dst(%arg14 : memref<128xi32, #tpu.memory_space<vmem>>)
        %dma_wait3A_92 = arith.constant 0 : i32
        %dma_wait3A_93 = tpu.memref_slice %arg5[%add3A_89, %dma_wait3A_92] : memref<160000x128xf32, #tpu.memory_space<hbm>> -> memref<128x128xf32, #tpu.memory_space<hbm>>
        %dma_wait3A_94 = arith.constant 0 : i32
        %dma_wait3A_95 = tpu.memref_slice %arg5[%add3A_89, %dma_wait3A_94] : memref<160000x128xf32, #tpu.memory_space<hbm>> -> memref<128x128xf32, #tpu.memory_space<hbm>>
        tpu.wait_dma2 semaphore(%arg22 : memref<!tpu.dma_semaphore, #tpu.memory_space<semaphore_mem>>) src(%dma_wait3A_95 : memref<128x128xf32, #tpu.memory_space<hbm>>) dst(%arg15 : memref<128x128xf32, #tpu.memory_space<vmem>>)
        "tpu.region"() ({
          %run_scoped3A = tpu.sem_alloc : memref<!tpu.dma_semaphore, #tpu.memory_space<semaphore_mem>>
          %dma_start3A_101 = arith.constant 0 : i32
          %dma_start3A_102 = arith.constant 0 : i32
          %dma_start3A_103 = tpu.memref_slice %arg18[%dma_start3A_101, %dma_start3A_102] : memref<10240x128xf32, #tpu.memory_space<vmem_shared>> -> memref<10240x128xf32, #tpu.memory_space<vmem_shared>>
          tpu.enqueue_indirect_dma source(%arg15 : memref<128x128xf32, #tpu.memory_space<vmem>>) target(%dma_start3A_103 : memref<10240x128xf32, #tpu.memory_space<vmem_shared>>) offsets(%arg14 : memref<128xi32, #tpu.memory_space<vmem>>) semaphore(%run_scoped3A : memref<!tpu.dma_semaphore, #tpu.memory_space<semaphore_mem>>) {add = true}
          %dma_wait3A_104 = arith.constant 0 : i32
          %dma_wait3A_105 = arith.constant 0 : i32
          %dma_wait3A_106 = tpu.memref_slice %arg18[%dma_wait3A_104, %dma_wait3A_105] : memref<10240x128xf32, #tpu.memory_space<vmem_shared>> -> memref<10240x128xf32, #tpu.memory_space<vmem_shared>>
          tpu.wait_indirect_dma semaphore(%run_scoped3A : memref<!tpu.dma_semaphore, #tpu.memory_space<semaphore_mem>>) src(%arg15 : memref<128x128xf32, #tpu.memory_space<vmem>>) dst(%dma_wait3A_106 : memref<10240x128xf32, #tpu.memory_space<vmem_shared>>)
          tpu.yield
        }) : () -> ()
        %lt3A_96 = arith.constant 38 : i32
        %lt3A_97 = arith.cmpi slt, %scan3A_68, %lt3A_96 : i32
        %convert_element_type3A_98 = arith.extui %lt3A_97 : i1 to i32
        %cond3A_99 = arith.constant 0 : i32
        %cond3A_100 = arith.cmpi ne, %convert_element_type3A_98, %cond3A_99 : i32
        scf.if %cond3A_100 {
          %add3A_101 = arith.constant 2 : i32
          %add3A_102 = arith.addi %mul3A_70, %add3A_101 : i32
          %add3A_103 = arith.constant 1 : i32
          %add3A_104 = arith.addi %add3A_102, %add3A_103 : i32
          %mul3A_105 = arith.constant 128 : i32
          %mul3A_106 = arith.muli %add3A_104, %mul3A_105 : i32
          %add3A_107 = arith.addi %mul3A_0, %mul3A_106 : i32
          %dma_start3A_108 = tpu.memref_slice %arg6[%add3A_107] : memref<160000xi32, #tpu.memory_space<hbm>> -> memref<128xi32, #tpu.memory_space<hbm>>
          %dma_start3A_109 = tpu.memref_slice %arg6[%add3A_107] : memref<160000xi32, #tpu.memory_space<hbm>> -> memref<128xi32, #tpu.memory_space<hbm>>
          tpu.enqueue_dma source(%dma_start3A_109 : memref<128xi32, #tpu.memory_space<hbm>>) target(%arg14 : memref<128xi32, #tpu.memory_space<vmem>>) target_semaphore(%arg21 : memref<!tpu.dma_semaphore, #tpu.memory_space<semaphore_mem>>)
          %dma_start3A_110 = arith.constant 0 : i32
          %dma_start3A_111 = tpu.memref_slice %arg5[%add3A_107, %dma_start3A_110] : memref<160000x128xf32, #tpu.memory_space<hbm>> -> memref<128x128xf32, #tpu.memory_space<hbm>>
          %dma_start3A_112 = arith.constant 0 : i32
          %dma_start3A_113 = tpu.memref_slice %arg5[%add3A_107, %dma_start3A_112] : memref<160000x128xf32, #tpu.memory_space<hbm>> -> memref<128x128xf32, #tpu.memory_space<hbm>>
          tpu.enqueue_dma source(%dma_start3A_113 : memref<128x128xf32, #tpu.memory_space<hbm>>) target(%arg15 : memref<128x128xf32, #tpu.memory_space<vmem>>) target_semaphore(%arg22 : memref<!tpu.dma_semaphore, #tpu.memory_space<semaphore_mem>>)
        } else {
        }
      }
      %scan3A_65 = arith.constant 39 : i32
      %add3A_66 = arith.constant 9984 : i32
      %add3A_67 = arith.addi %mul3A_0, %add3A_66 : i32
      "tpu.region"() ({
        %run_scoped3A = tpu.sem_alloc : memref<!tpu.dma_semaphore, #tpu.memory_space<semaphore_mem>>
        %dma_start3A_68 = tpu.memref_slice %arg6[%add3A_67] : memref<160000xi32, #tpu.memory_space<hbm>> -> memref<16xi32, #tpu.memory_space<hbm>>
        %dma_start3A_69 = tpu.memref_slice %arg6[%add3A_67] : memref<160000xi32, #tpu.memory_space<hbm>> -> memref<16xi32, #tpu.memory_space<hbm>>
        tpu.enqueue_dma source(%dma_start3A_69 : memref<16xi32, #tpu.memory_space<hbm>>) target(%arg16 : memref<16xi32, #tpu.memory_space<vmem>>) target_semaphore(%run_scoped3A : memref<!tpu.dma_semaphore, #tpu.memory_space<semaphore_mem>>)
        %dma_wait3A = tpu.memref_slice %arg6[%add3A_67] : memref<160000xi32, #tpu.memory_space<hbm>> -> memref<16xi32, #tpu.memory_space<hbm>>
        %dma_wait3A_70 = tpu.memref_slice %arg6[%add3A_67] : memref<160000xi32, #tpu.memory_space<hbm>> -> memref<16xi32, #tpu.memory_space<hbm>>
        tpu.wait_dma2 semaphore(%run_scoped3A : memref<!tpu.dma_semaphore, #tpu.memory_space<semaphore_mem>>) src(%dma_wait3A_70 : memref<16xi32, #tpu.memory_space<hbm>>) dst(%arg16 : memref<16xi32, #tpu.memory_space<vmem>>)
        tpu.yield
      }) : () -> ()
      "tpu.region"() ({
        %run_scoped3A = tpu.sem_alloc : memref<!tpu.dma_semaphore, #tpu.memory_space<semaphore_mem>>
        %dma_start3A_68 = arith.constant 0 : i32
        %dma_start3A_69 = tpu.memref_slice %arg5[%add3A_67, %dma_start3A_68] : memref<160000x128xf32, #tpu.memory_space<hbm>> -> memref<16x128xf32, #tpu.memory_space<hbm>>
        %dma_start3A_70 = arith.constant 0 : i32
        %dma_start3A_71 = tpu.memref_slice %arg5[%add3A_67, %dma_start3A_70] : memref<160000x128xf32, #tpu.memory_space<hbm>> -> memref<16x128xf32, #tpu.memory_space<hbm>>
        tpu.enqueue_dma source(%dma_start3A_71 : memref<16x128xf32, #tpu.memory_space<hbm>>) target(%arg17 : memref<16x128xf32, #tpu.memory_space<vmem>>) target_semaphore(%run_scoped3A : memref<!tpu.dma_semaphore, #tpu.memory_space<semaphore_mem>>)
        %dma_wait3A = arith.constant 0 : i32
        %dma_wait3A_72 = tpu.memref_slice %arg5[%add3A_67, %dma_wait3A] : memref<160000x128xf32, #tpu.memory_space<hbm>> -> memref<16x128xf32, #tpu.memory_space<hbm>>
        %dma_wait3A_73 = arith.constant 0 : i32
        %dma_wait3A_74 = tpu.memref_slice %arg5[%add3A_67, %dma_wait3A_73] : memref<160000x128xf32, #tpu.memory_space<hbm>> -> memref<16x128xf32, #tpu.memory_space<hbm>>
        tpu.wait_dma2 semaphore(%run_scoped3A : memref<!tpu.dma_semaphore, #tpu.memory_space<semaphore_mem>>) src(%dma_wait3A_74 : memref<16x128xf32, #tpu.memory_space<hbm>>) dst(%arg17 : memref<16x128xf32, #tpu.memory_space<vmem>>)
        tpu.yield
      }) : () -> ()
      "tpu.region"() ({
        %run_scoped3A = tpu.sem_alloc : memref<!tpu.dma_semaphore, #tpu.memory_space<semaphore_mem>>
        %dma_start3A_68 = arith.constant 0 : i32
        %dma_start3A_69 = arith.constant 0 : i32
        %dma_start3A_70 = tpu.memref_slice %arg18[%dma_start3A_68, %dma_start3A_69] : memref<10240x128xf32, #tpu.memory_space<vmem_shared>> -> memref<10240x128xf32, #tpu.memory_space<vmem_shared>>
        tpu.enqueue_indirect_dma source(%arg17 : memref<16x128xf32, #tpu.memory_space<vmem>>) target(%dma_start3A_70 : memref<10240x128xf32, #tpu.memory_space<vmem_shared>>) offsets(%arg16 : memref<16xi32, #tpu.memory_space<vmem>>) semaphore(%run_scoped3A : memref<!tpu.dma_semaphore, #tpu.memory_space<semaphore_mem>>) {add = true}
        %dma_wait3A = arith.constant 0 : i32
        %dma_wait3A_71 = arith.constant 0 : i32
        %dma_wait3A_72 = tpu.memref_slice %arg18[%dma_wait3A, %dma_wait3A_71] : memref<10240x128xf32, #tpu.memory_space<vmem_shared>> -> memref<10240x128xf32, #tpu.memory_space<vmem_shared>>
        tpu.wait_indirect_dma semaphore(%run_scoped3A : memref<!tpu.dma_semaphore, #tpu.memory_space<semaphore_mem>>) src(%arg17 : memref<16x128xf32, #tpu.memory_space<vmem>>) dst(%dma_wait3A_72 : memref<10240x128xf32, #tpu.memory_space<vmem_shared>>)
        tpu.yield
      }) : () -> ()
    } else {
    }
    %barrier3A_35 = arith.constant 0 : index
    tpu.barrier barrier_id(%barrier3A_35)
    %eq3A_36 = arith.constant 0 : i32
    %eq3A_37 = arith.cmpi eq, %arg0, %eq3A_36 : i32
    %convert_element_type3A_38 = arith.extui %eq3A_37 : i1 to i32
    %cond3A_39 = arith.constant 0 : i32
    %cond3A_40 = arith.cmpi ne, %convert_element_type3A_38, %cond3A_39 : i32
    scf.if %cond3A_40 {
      %mul3A_47 = arith.constant 640 : i32
      %mul3A_48 = arith.muli %arg1, %mul3A_47 : i32
      "tpu.region"() ({
        %run_scoped3A = tpu.sem_alloc : memref<!tpu.dma_semaphore, #tpu.memory_space<semaphore_mem>>
        %dma_start3A = arith.constant 0 : i32
        %dma_start3A_49 = tpu.memref_slice %arg10[%mul3A_48, %dma_start3A] : memref<10240x128xf32, #tpu.memory_space<hbm>> -> memref<640x128xf32, #tpu.memory_space<hbm>>
        %dma_start3A_50 = arith.constant 0 : i32
        %dma_start3A_51 = tpu.memref_slice %arg18[%mul3A_48, %dma_start3A_50] : memref<10240x128xf32, #tpu.memory_space<vmem_shared>> -> memref<640x128xf32, #tpu.memory_space<vmem_shared>>
        tpu.enqueue_dma source(%dma_start3A_51 : memref<640x128xf32, #tpu.memory_space<vmem_shared>>) target(%dma_start3A_49 : memref<640x128xf32, #tpu.memory_space<hbm>>) target_semaphore(%run_scoped3A : memref<!tpu.dma_semaphore, #tpu.memory_space<semaphore_mem>>)
        %dma_wait3A = arith.constant 0 : i32
        %dma_wait3A_52 = tpu.memref_slice %arg10[%mul3A_48, %dma_wait3A] : memref<10240x128xf32, #tpu.memory_space<hbm>> -> memref<640x128xf32, #tpu.memory_space<hbm>>
        %dma_wait3A_53 = arith.constant 0 : i32
        %dma_wait3A_54 = tpu.memref_slice %arg18[%mul3A_48, %dma_wait3A_53] : memref<10240x128xf32, #tpu.memory_space<vmem_shared>> -> memref<640x128xf32, #tpu.memory_space<vmem_shared>>
        tpu.wait_dma2 semaphore(%run_scoped3A : memref<!tpu.dma_semaphore, #tpu.memory_space<semaphore_mem>>) src(%dma_wait3A_54 : memref<640x128xf32, #tpu.memory_space<vmem_shared>>) dst(%dma_wait3A_52 : memref<640x128xf32, #tpu.memory_space<hbm>>)
        tpu.yield
      }) : () -> ()
    } else {
    }
    %eq3A_41 = arith.constant 1 : i32
    %eq3A_42 = arith.cmpi eq, %arg0, %eq3A_41 : i32
    %convert_element_type3A_43 = arith.extui %eq3A_42 : i1 to i32
    %cond3A_44 = arith.constant 0 : i32
    %cond3A_45 = arith.cmpi ne, %convert_element_type3A_43, %cond3A_44 : i32
    scf.if %cond3A_45 {
      %mul3A_47 = arith.constant 640 : i32
      %mul3A_48 = arith.muli %arg1, %mul3A_47 : i32
      "tpu.region"() ({
        %run_scoped3A = tpu.sem_alloc : memref<!tpu.dma_semaphore, #tpu.memory_space<semaphore_mem>>
        %dma_start3A = arith.constant 0 : i32
        %dma_start3A_49 = tpu.memref_slice %arg11[%mul3A_48, %dma_start3A] : memref<10240x128xf32, #tpu.memory_space<hbm>> -> memref<640x128xf32, #tpu.memory_space<hbm>>
        %dma_start3A_50 = arith.constant 0 : i32
        %dma_start3A_51 = tpu.memref_slice %arg18[%mul3A_48, %dma_start3A_50] : memref<10240x128xf32, #tpu.memory_space<vmem_shared>> -> memref<640x128xf32, #tpu.memory_space<vmem_shared>>
        tpu.enqueue_dma source(%dma_start3A_51 : memref<640x128xf32, #tpu.memory_space<vmem_shared>>) target(%dma_start3A_49 : memref<640x128xf32, #tpu.memory_space<hbm>>) target_semaphore(%run_scoped3A : memref<!tpu.dma_semaphore, #tpu.memory_space<semaphore_mem>>)
        %dma_wait3A = arith.constant 0 : i32
        %dma_wait3A_52 = tpu.memref_slice %arg11[%mul3A_48, %dma_wait3A] : memref<10240x128xf32, #tpu.memory_space<hbm>> -> memref<640x128xf32, #tpu.memory_space<hbm>>
        %dma_wait3A_53 = arith.constant 0 : i32
        %dma_wait3A_54 = tpu.memref_slice %arg18[%mul3A_48, %dma_wait3A_53] : memref<10240x128xf32, #tpu.memory_space<vmem_shared>> -> memref<640x128xf32, #tpu.memory_space<vmem_shared>>
        tpu.wait_dma2 semaphore(%run_scoped3A : memref<!tpu.dma_semaphore, #tpu.memory_space<semaphore_mem>>) src(%dma_wait3A_54 : memref<640x128xf32, #tpu.memory_space<vmem_shared>>) dst(%dma_wait3A_52 : memref<640x128xf32, #tpu.memory_space<hbm>>)
        tpu.yield
      }) : () -> ()
    } else {
    }
    %barrier3A_46 = arith.constant 0 : index
    tpu.barrier barrier_id(%barrier3A_46)
    return
  }
}

module attributes {stable_mosaic.version = 14 : i64} {
  func.func @_edge_kernel(%arg0: i32, %arg1: memref<320x12xf32, #tpu.memory_space<vmem>>, %arg2: memref<1280x128xf32, #tpu.memory_space<vmem>>, %arg3: memref<12x4xf32, #tpu.memory_space<vmem>>, %arg4: memref<4x112xf32, #tpu.memory_space<vmem>>, %arg5: memref<1x112xf32, #tpu.memory_space<vmem>>, %arg6: memref<4x112xf32, #tpu.memory_space<vmem>>, %arg7: memref<3x112xf32, #tpu.memory_space<vmem>>, %arg8: memref<3x112xf32, #tpu.memory_space<vmem>>, %arg9: memref<112x512xf32, #tpu.memory_space<vmem>>, %arg10: memref<12x36xf32, #tpu.memory_space<vmem>>, %arg11: memref<12x36xf32, #tpu.memory_space<vmem>>, %arg12: memref<36x40xf32, #tpu.memory_space<vmem>>, %arg13: memref<12x40xf32, #tpu.memory_space<vmem>>, %arg14: memref<1x512xf32, #tpu.memory_space<vmem>>, %arg15: memref<12x512xf32, #tpu.memory_space<vmem>>, %arg16: memref<12x512xf32, #tpu.memory_space<vmem>>, %arg17: memref<36x512xf32, #tpu.memory_space<vmem>>, %arg18: memref<36x512xf32, #tpu.memory_space<vmem>>, %arg19: memref<40x512xf32, #tpu.memory_space<vmem>>, %arg20: memref<40x512xf32, #tpu.memory_space<vmem>>, %arg21: memref<4x512xf32, #tpu.memory_space<vmem>>, %arg22: memref<1280x128xf32, #tpu.memory_space<vmem>>, %arg23: memref<1280x128xf32, #tpu.memory_space<vmem>>, %arg24: memref<1280x128xf32, #tpu.memory_space<vmem>>, %arg25: memref<1280x128xf32, #tpu.memory_space<vmem>>) attributes {dimension_semantics = [#tpu.dimension_semantics<arbitrary>], iteration_bounds = array<i64: 125>, scalar_prefetch = 0 : i64, scratch_operands = 0 : i64, tpu.core_type = #tpu.core_type<tc>, window_params = [{transform_indices = @transform_0, window_bounds = array<i64: 320, 12>}, {transform_indices = @transform_1, window_bounds = array<i64: 1280, 128>}, {pipeline_mode = #tpu.pipeline_mode<synchronous>, transform_indices = @transform_2, window_bounds = array<i64: 12, 4>}, {pipeline_mode = #tpu.pipeline_mode<synchronous>, transform_indices = @transform_3, window_bounds = array<i64: 4, 112>}, {pipeline_mode = #tpu.pipeline_mode<synchronous>, transform_indices = @transform_4, window_bounds = array<i64: 1, 112>}, {pipeline_mode = #tpu.pipeline_mode<synchronous>, transform_indices = @transform_5, window_bounds = array<i64: 4, 112>}, {pipeline_mode = #tpu.pipeline_mode<synchronous>, transform_indices = @transform_6, window_bounds = array<i64: 3, 112>}, {pipeline_mode = #tpu.pipeline_mode<synchronous>, transform_indices = @transform_7, window_bounds = array<i64: 3, 112>}, {pipeline_mode = #tpu.pipeline_mode<synchronous>, transform_indices = @transform_8, window_bounds = array<i64: 112, 512>}, {pipeline_mode = #tpu.pipeline_mode<synchronous>, transform_indices = @transform_9, window_bounds = array<i64: 12, 36>}, {pipeline_mode = #tpu.pipeline_mode<synchronous>, transform_indices = @transform_10, window_bounds = array<i64: 12, 36>}, {pipeline_mode = #tpu.pipeline_mode<synchronous>, transform_indices = @transform_11, window_bounds = array<i64: 36, 40>}, {pipeline_mode = #tpu.pipeline_mode<synchronous>, transform_indices = @transform_12, window_bounds = array<i64: 12, 40>}, {pipeline_mode = #tpu.pipeline_mode<synchronous>, transform_indices = @transform_13, window_bounds = array<i64: 1, 512>}, {pipeline_mode = #tpu.pipeline_mode<synchronous>, transform_indices = @transform_14, window_bounds = array<i64: 12, 512>}, {pipeline_mode = #tpu.pipeline_mode<synchronous>, transform_indices = @transform_15, window_bounds = array<i64: 12, 512>}, {pipeline_mode = #tpu.pipeline_mode<synchronous>, transform_indices = @transform_16, window_bounds = array<i64: 36, 512>}, {pipeline_mode = #tpu.pipeline_mode<synchronous>, transform_indices = @transform_17, window_bounds = array<i64: 36, 512>}, {pipeline_mode = #tpu.pipeline_mode<synchronous>, transform_indices = @transform_18, window_bounds = array<i64: 40, 512>}, {pipeline_mode = #tpu.pipeline_mode<synchronous>, transform_indices = @transform_19, window_bounds = array<i64: 40, 512>}, {pipeline_mode = #tpu.pipeline_mode<synchronous>, transform_indices = @transform_20, window_bounds = array<i64: 4, 512>}, {transform_indices = @transform_21, window_bounds = array<i64: 1280, 128>}, {transform_indices = @transform_22, window_bounds = array<i64: 1280, 128>}, {transform_indices = @transform_23, window_bounds = array<i64: 1280, 128>}, {transform_indices = @transform_24, window_bounds = array<i64: 1280, 128>}]} {
    %get3A = arith.constant 0 : index
    %get3A_0 = arith.constant 0 : index
    %get3A_1 = vector.load %arg1[%get3A, %get3A_0] : memref<320x12xf32, #tpu.memory_space<vmem>>, vector<320x12xf32>
    %convert_element_type3A = arith.truncf %get3A_1 : vector<320x12xf32> to vector<320x12xbf16>
    %convert_element_type3A_2 = arith.extf %convert_element_type3A : vector<320x12xbf16> to vector<320x12xf32>
    %sub3A = arith.subf %get3A_1, %convert_element_type3A_2 : vector<320x12xf32>
    %mul3A = arith.mulf %get3A_1, %get3A_1 : vector<320x12xf32>
    %convert_element_type3A_3 = arith.truncf %mul3A : vector<320x12xf32> to vector<320x12xbf16>
    %convert_element_type3A_4 = arith.extf %convert_element_type3A_3 : vector<320x12xbf16> to vector<320x12xf32>
    %sub3A_5 = arith.subf %mul3A, %convert_element_type3A_4 : vector<320x12xf32>
    %get3A_6 = arith.constant 0 : index
    %get3A_7 = arith.constant 0 : index
    %get3A_8 = vector.load %arg3[%get3A_6, %get3A_7] : memref<12x4xf32, #tpu.memory_space<vmem>>, vector<12x4xf32>
    %dot_general3A = arith.constant dense<0.000000e+00> : vector<320x4xf32>
    %dot_general3A_9 = tpu.matmul %convert_element_type3A_4, %get3A_8, %dot_general3A {dimension_numbers = #tpu.dot_dimension_numbers<[1], [0], [0], [1], [0, 0, 1, 1], [], []>, transpose_lhs_hint = false} : vector<320x12xf32>, vector<12x4xf32>, vector<320x4xf32> -> vector<320x4xf32>
    %dot_general3A_10 = arith.constant dense<0.000000e+00> : vector<320x4xf32>
    %dot_general3A_11 = tpu.matmul %sub3A_5, %get3A_8, %dot_general3A_10 {dimension_numbers = #tpu.dot_dimension_numbers<[1], [0], [0], [1], [0, 0, 1, 1], [], []>, transpose_lhs_hint = false} : vector<320x12xf32>, vector<12x4xf32>, vector<320x4xf32> -> vector<320x4xf32>
    %add3A = arith.addf %dot_general3A_9, %dot_general3A_11 : vector<320x4xf32>
    %sqrt3A = math.sqrt %add3A : vector<320x4xf32>
    %max3A = arith.constant 9.99999971E-10 : f32
    %max3A_12 = vector.broadcast %max3A : f32 to vector<320x4xf32>
    %max3A_13 = arith.maximumf %sqrt3A, %max3A_12 : vector<320x4xf32>
    %div3A = arith.constant 1.000000e+00 : f32
    %div3A_14 = vector.broadcast %div3A : f32 to vector<320x4xf32>
    %div3A_15 = arith.divf %div3A_14, %max3A_13 : vector<320x4xf32>
    %get3A_16 = arith.constant 0 : index
    %get3A_17 = arith.constant 0 : index
    %get3A_18 = vector.load %arg4[%get3A_16, %get3A_17] : memref<4x112xf32, #tpu.memory_space<vmem>>, vector<4x112xf32>
    %convert_element_type3A_19 = arith.truncf %sqrt3A : vector<320x4xf32> to vector<320x4xbf16>
    %convert_element_type3A_20 = arith.extf %convert_element_type3A_19 : vector<320x4xbf16> to vector<320x4xf32>
    %sub3A_21 = arith.subf %sqrt3A, %convert_element_type3A_20 : vector<320x4xf32>
    %dot_general3A_22 = arith.constant dense<0.000000e+00> : vector<320x112xf32>
    %dot_general3A_23 = tpu.matmul %convert_element_type3A_20, %get3A_18, %dot_general3A_22 {dimension_numbers = #tpu.dot_dimension_numbers<[1], [0], [0], [1], [0, 0, 1, 1], [], []>, transpose_lhs_hint = false} : vector<320x4xf32>, vector<4x112xf32>, vector<320x112xf32> -> vector<320x112xf32>
    %dot_general3A_24 = arith.constant dense<0.000000e+00> : vector<320x112xf32>
    %dot_general3A_25 = tpu.matmul %sub3A_21, %get3A_18, %dot_general3A_24 {dimension_numbers = #tpu.dot_dimension_numbers<[1], [0], [0], [1], [0, 0, 1, 1], [], []>, transpose_lhs_hint = false} : vector<320x4xf32>, vector<4x112xf32>, vector<320x112xf32> -> vector<320x112xf32>
    %add3A_26 = arith.addf %dot_general3A_23, %dot_general3A_25 : vector<320x112xf32>
    %get3A_27 = arith.constant 0 : index
    %get3A_28 = arith.constant 0 : index
    %get3A_29 = vector.load %arg5[%get3A_27, %get3A_28] : memref<1x112xf32, #tpu.memory_space<vmem>>, vector<1x112xf32>
    %mul3A_30 = vector.broadcast %get3A_29 : vector<1x112xf32> to vector<320x112xf32>
    %mul3A_31 = arith.mulf %add3A_26, %mul3A_30 : vector<320x112xf32>
    %max3A_32 = arith.constant 0.00999999977 : f32
    %max3A_33 = vector.broadcast %max3A_32 : f32 to vector<320x112xf32>
    %max3A_34 = arith.maximumf %mul3A_31, %max3A_33 : vector<320x112xf32>
    %mul3A_35 = arith.constant 0.636619746 : f32
    %mul3A_36 = vector.broadcast %mul3A_35 : f32 to vector<320x112xf32>
    %mul3A_37 = arith.mulf %max3A_34, %mul3A_36 : vector<320x112xf32>
    %round3A = math.roundeven %mul3A_37 : vector<320x112xf32>
    %convert_element_type3A_38 = arith.fptosi %round3A : vector<320x112xf32> to vector<320x112xi32>
    %mul3A_39 = arith.constant 1.57080078 : f32
    %mul3A_40 = vector.broadcast %mul3A_39 : f32 to vector<320x112xf32>
    %mul3A_41 = arith.mulf %round3A, %mul3A_40 : vector<320x112xf32>
    %sub3A_42 = arith.subf %max3A_34, %mul3A_41 : vector<320x112xf32>
    %mul3A_43 = arith.constant -4.45445767E-6 : f32
    %mul3A_44 = vector.broadcast %mul3A_43 : f32 to vector<320x112xf32>
    %mul3A_45 = arith.mulf %round3A, %mul3A_44 : vector<320x112xf32>
    %sub3A_46 = arith.subf %sub3A_42, %mul3A_45 : vector<320x112xf32>
    %mul3A_47 = arith.constant 2.56328292E-12 : f32
    %mul3A_48 = vector.broadcast %mul3A_47 : f32 to vector<320x112xf32>
    %mul3A_49 = arith.mulf %round3A, %mul3A_48 : vector<320x112xf32>
    %sub3A_50 = arith.subf %sub3A_46, %mul3A_49 : vector<320x112xf32>
    %mul3A_51 = arith.mulf %sub3A_50, %sub3A_50 : vector<320x112xf32>
    %mul3A_52 = arith.constant 2.75573188E-6 : f32
    %mul3A_53 = vector.broadcast %mul3A_52 : f32 to vector<320x112xf32>
    %mul3A_54 = arith.mulf %mul3A_51, %mul3A_53 : vector<320x112xf32>
    %add3A_55 = arith.constant -1.98412701E-4 : f32
    %add3A_56 = vector.broadcast %add3A_55 : f32 to vector<320x112xf32>
    %add3A_57 = arith.addf %add3A_56, %mul3A_54 : vector<320x112xf32>
    %mul3A_58 = arith.mulf %mul3A_51, %add3A_57 : vector<320x112xf32>
    %add3A_59 = arith.constant 0.00833333377 : f32
    %add3A_60 = vector.broadcast %add3A_59 : f32 to vector<320x112xf32>
    %add3A_61 = arith.addf %add3A_60, %mul3A_58 : vector<320x112xf32>
    %mul3A_62 = arith.mulf %mul3A_51, %add3A_61 : vector<320x112xf32>
    %add3A_63 = arith.constant -0.166666672 : f32
    %add3A_64 = vector.broadcast %add3A_63 : f32 to vector<320x112xf32>
    %add3A_65 = arith.addf %add3A_64, %mul3A_62 : vector<320x112xf32>
    %mul3A_66 = arith.mulf %mul3A_51, %add3A_65 : vector<320x112xf32>
    %add3A_67 = arith.constant 1.000000e+00 : f32
    %add3A_68 = vector.broadcast %add3A_67 : f32 to vector<320x112xf32>
    %add3A_69 = arith.addf %add3A_68, %mul3A_66 : vector<320x112xf32>
    %mul3A_70 = arith.mulf %sub3A_50, %add3A_69 : vector<320x112xf32>
    %mul3A_71 = arith.constant 2.48015876E-5 : f32
    %mul3A_72 = vector.broadcast %mul3A_71 : f32 to vector<320x112xf32>
    %mul3A_73 = arith.mulf %mul3A_51, %mul3A_72 : vector<320x112xf32>
    %add3A_74 = arith.constant -0.00138888892 : f32
    %add3A_75 = vector.broadcast %add3A_74 : f32 to vector<320x112xf32>
    %add3A_76 = arith.addf %add3A_75, %mul3A_73 : vector<320x112xf32>
    %mul3A_77 = arith.mulf %mul3A_51, %add3A_76 : vector<320x112xf32>
    %add3A_78 = arith.constant 0.0416666679 : f32
    %add3A_79 = vector.broadcast %add3A_78 : f32 to vector<320x112xf32>
    %add3A_80 = arith.addf %add3A_79, %mul3A_77 : vector<320x112xf32>
    %mul3A_81 = arith.mulf %mul3A_51, %add3A_80 : vector<320x112xf32>
    %add3A_82 = arith.constant -5.000000e-01 : f32
    %add3A_83 = vector.broadcast %add3A_82 : f32 to vector<320x112xf32>
    %add3A_84 = arith.addf %add3A_83, %mul3A_81 : vector<320x112xf32>
    %mul3A_85 = arith.mulf %mul3A_51, %add3A_84 : vector<320x112xf32>
    %add3A_86 = arith.constant 1.000000e+00 : f32
    %add3A_87 = vector.broadcast %add3A_86 : f32 to vector<320x112xf32>
    %add3A_88 = arith.addf %add3A_87, %mul3A_85 : vector<320x112xf32>
    %and3A = arith.constant 1 : i32
    %and3A_89 = vector.broadcast %and3A : i32 to vector<320x112xi32>
    %and3A_90 = arith.andi %convert_element_type3A_38, %and3A_89 : vector<320x112xi32>
    %eq3A = arith.constant 1 : i32
    %eq3A_91 = vector.broadcast %eq3A : i32 to vector<320x112xi32>
    %eq3A_92 = arith.cmpi eq, %and3A_90, %eq3A_91 : vector<320x112xi32>
    %and3A_93 = arith.constant 2 : i32
    %and3A_94 = vector.broadcast %and3A_93 : i32 to vector<320x112xi32>
    %and3A_95 = arith.andi %convert_element_type3A_38, %and3A_94 : vector<320x112xi32>
    %eq3A_96 = arith.constant 2 : i32
    %eq3A_97 = vector.broadcast %eq3A_96 : i32 to vector<320x112xi32>
    %eq3A_98 = arith.cmpi eq, %and3A_95, %eq3A_97 : vector<320x112xi32>
    %jit3A = arith.constant -1.000000e+00 : f32
    %jit3A_99 = arith.constant 1.000000e+00 : f32
    %broadcast_in_dim3A = vector.broadcast %jit3A : f32 to vector<320x112xf32>
    %broadcast_in_dim3A_100 = vector.broadcast %jit3A_99 : f32 to vector<320x112xf32>
    %select_n3A = arith.select %eq3A_98, %broadcast_in_dim3A, %broadcast_in_dim3A_100 : vector<320x112xi1>, vector<320x112xf32>
    %add3A_101 = arith.constant 1 : i32
    %add3A_102 = vector.broadcast %add3A_101 : i32 to vector<320x112xi32>
    %add3A_103 = arith.addi %convert_element_type3A_38, %add3A_102 : vector<320x112xi32>
    %and3A_104 = arith.constant 2 : i32
    %and3A_105 = vector.broadcast %and3A_104 : i32 to vector<320x112xi32>
    %and3A_106 = arith.andi %add3A_103, %and3A_105 : vector<320x112xi32>
    %eq3A_107 = arith.constant 2 : i32
    %eq3A_108 = vector.broadcast %eq3A_107 : i32 to vector<320x112xi32>
    %eq3A_109 = arith.cmpi eq, %and3A_106, %eq3A_108 : vector<320x112xi32>
    %jit3A_110 = arith.constant -1.000000e+00 : f32
    %jit3A_111 = arith.constant 1.000000e+00 : f32
    %broadcast_in_dim3A_112 = vector.broadcast %jit3A_110 : f32 to vector<320x112xf32>
    %broadcast_in_dim3A_113 = vector.broadcast %jit3A_111 : f32 to vector<320x112xf32>
    %select_n3A_114 = arith.select %eq3A_109, %broadcast_in_dim3A_112, %broadcast_in_dim3A_113 : vector<320x112xi1>, vector<320x112xf32>
    %select_n3A_115 = arith.select %eq3A_92, %add3A_88, %mul3A_70 : vector<320x112xi1>, vector<320x112xf32>
    %mul3A_116 = arith.mulf %select_n3A, %select_n3A_115 : vector<320x112xf32>
    %select_n3A_117 = arith.select %eq3A_92, %mul3A_70, %add3A_88 : vector<320x112xi1>, vector<320x112xf32>
    %mul3A_118 = arith.mulf %select_n3A_114, %select_n3A_117 : vector<320x112xf32>
    %div3A_119 = arith.constant 1.000000e+00 : f32
    %div3A_120 = vector.broadcast %div3A_119 : f32 to vector<320x112xf32>
    %div3A_121 = arith.divf %div3A_120, %max3A_34 : vector<320x112xf32>
    %mul3A_122 = arith.mulf %mul3A_116, %div3A_121 : vector<320x112xf32>
    %mul3A_123 = arith.mulf %mul3A_116, %div3A_121 : vector<320x112xf32>
    %mul3A_124 = arith.mulf %mul3A_123, %div3A_121 : vector<320x112xf32>
    %mul3A_125 = arith.mulf %mul3A_118, %div3A_121 : vector<320x112xf32>
    %sub3A_126 = arith.subf %mul3A_124, %mul3A_125 : vector<320x112xf32>
    %mul3A_127 = arith.constant 3.000000e+00 : f32
    %mul3A_128 = vector.broadcast %mul3A_127 : f32 to vector<320x112xf32>
    %mul3A_129 = arith.mulf %mul3A_128, %div3A_121 : vector<320x112xf32>
    %mul3A_130 = arith.mulf %mul3A_129, %sub3A_126 : vector<320x112xf32>
    %sub3A_131 = arith.subf %mul3A_130, %mul3A_122 : vector<320x112xf32>
    %mul3A_132 = arith.constant 5.000000e+00 : f32
    %mul3A_133 = vector.broadcast %mul3A_132 : f32 to vector<320x112xf32>
    %mul3A_134 = arith.mulf %mul3A_133, %div3A_121 : vector<320x112xf32>
    %mul3A_135 = arith.mulf %mul3A_134, %sub3A_131 : vector<320x112xf32>
    %sub3A_136 = arith.subf %mul3A_135, %sub3A_126 : vector<320x112xf32>
    %get3A_137 = arith.constant 0 : index
    %get3A_138 = arith.constant 0 : index
    %get3A_139 = vector.load %arg6[%get3A_137, %get3A_138] : memref<4x112xf32, #tpu.memory_space<vmem>>, vector<4x112xf32>
    %slice3A = vector.extract_strided_slice %get3A_139 {offsets = [0, 0], sizes = [1, 112], strides = [1, 1]} : vector<4x112xf32> to vector<1x112xf32>
    %mul3A_140 = vector.broadcast %slice3A : vector<1x112xf32> to vector<320x112xf32>
    %mul3A_141 = arith.mulf %mul3A_122, %mul3A_140 : vector<320x112xf32>
    %slice3A_142 = vector.extract_strided_slice %get3A_139 {offsets = [1, 0], sizes = [1, 112], strides = [1, 1]} : vector<4x112xf32> to vector<1x112xf32>
    %mul3A_143 = vector.broadcast %slice3A_142 : vector<1x112xf32> to vector<320x112xf32>
    %mul3A_144 = arith.mulf %sub3A_126, %mul3A_143 : vector<320x112xf32>
    %add3A_145 = arith.addf %mul3A_141, %mul3A_144 : vector<320x112xf32>
    %slice3A_146 = vector.extract_strided_slice %get3A_139 {offsets = [2, 0], sizes = [1, 112], strides = [1, 1]} : vector<4x112xf32> to vector<1x112xf32>
    %mul3A_147 = vector.broadcast %slice3A_146 : vector<1x112xf32> to vector<320x112xf32>
    %mul3A_148 = arith.mulf %sub3A_131, %mul3A_147 : vector<320x112xf32>
    %add3A_149 = arith.addf %add3A_145, %mul3A_148 : vector<320x112xf32>
    %slice3A_150 = vector.extract_strided_slice %get3A_139 {offsets = [3, 0], sizes = [1, 112], strides = [1, 1]} : vector<4x112xf32> to vector<1x112xf32>
    %mul3A_151 = vector.broadcast %slice3A_150 : vector<1x112xf32> to vector<320x112xf32>
    %mul3A_152 = arith.mulf %sub3A_136, %mul3A_151 : vector<320x112xf32>
    %add3A_153 = arith.addf %add3A_149, %mul3A_152 : vector<320x112xf32>
    %convert_element_type3A_154 = arith.truncf %div3A_15 : vector<320x4xf32> to vector<320x4xbf16>
    %convert_element_type3A_155 = arith.extf %convert_element_type3A_154 : vector<320x4xbf16> to vector<320x4xf32>
    %sub3A_156 = arith.subf %div3A_15, %convert_element_type3A_155 : vector<320x4xf32>
    %dot_general3A_157 = arith.constant dense<0.000000e+00> : vector<320x112xf32>
    %dot_general3A_158 = tpu.matmul %convert_element_type3A_155, %get3A_18, %dot_general3A_157 {dimension_numbers = #tpu.dot_dimension_numbers<[1], [0], [0], [1], [0, 0, 1, 1], [], []>, transpose_lhs_hint = false} : vector<320x4xf32>, vector<4x112xf32>, vector<320x112xf32> -> vector<320x112xf32>
    %dot_general3A_159 = arith.constant dense<0.000000e+00> : vector<320x112xf32>
    %dot_general3A_160 = tpu.matmul %sub3A_156, %get3A_18, %dot_general3A_159 {dimension_numbers = #tpu.dot_dimension_numbers<[1], [0], [0], [1], [0, 0, 1, 1], [], []>, transpose_lhs_hint = false} : vector<320x4xf32>, vector<4x112xf32>, vector<320x112xf32> -> vector<320x112xf32>
    %add3A_161 = arith.addf %dot_general3A_158, %dot_general3A_160 : vector<320x112xf32>
    %get3A_162 = arith.constant 0 : index
    %get3A_163 = arith.constant 0 : index
    %get3A_164 = vector.load %arg7[%get3A_162, %get3A_163] : memref<3x112xf32, #tpu.memory_space<vmem>>, vector<3x112xf32>
    %get3A_165 = arith.constant 0 : index
    %get3A_166 = arith.constant 0 : index
    %get3A_167 = vector.load %arg8[%get3A_165, %get3A_166] : memref<3x112xf32, #tpu.memory_space<vmem>>, vector<3x112xf32>
    %slice3A_168 = vector.extract_strided_slice %get3A_164 {offsets = [0, 0], sizes = [1, 112], strides = [1, 1]} : vector<3x112xf32> to vector<1x112xf32>
    %mul3A_169 = vector.broadcast %slice3A_168 : vector<1x112xf32> to vector<320x112xf32>
    %mul3A_170 = arith.mulf %add3A_161, %mul3A_169 : vector<320x112xf32>
    %slice3A_171 = vector.extract_strided_slice %get3A_167 {offsets = [0, 0], sizes = [1, 112], strides = [1, 1]} : vector<3x112xf32> to vector<1x112xf32>
    %add3A_172 = vector.broadcast %slice3A_171 : vector<1x112xf32> to vector<320x112xf32>
    %add3A_173 = arith.addf %mul3A_170, %add3A_172 : vector<320x112xf32>
    %slice3A_174 = vector.extract_strided_slice %get3A_164 {offsets = [1, 0], sizes = [1, 112], strides = [1, 1]} : vector<3x112xf32> to vector<1x112xf32>
    %mul3A_175 = vector.broadcast %slice3A_174 : vector<1x112xf32> to vector<320x112xf32>
    %mul3A_176 = arith.mulf %add3A_161, %mul3A_175 : vector<320x112xf32>
    %slice3A_177 = vector.extract_strided_slice %get3A_167 {offsets = [1, 0], sizes = [1, 112], strides = [1, 1]} : vector<3x112xf32> to vector<1x112xf32>
    %add3A_178 = vector.broadcast %slice3A_177 : vector<1x112xf32> to vector<320x112xf32>
    %add3A_179 = arith.addf %mul3A_176, %add3A_178 : vector<320x112xf32>
    %mul3A_180 = arith.mulf %add3A_173, %add3A_179 : vector<320x112xf32>
    %slice3A_181 = vector.extract_strided_slice %get3A_164 {offsets = [2, 0], sizes = [1, 112], strides = [1, 1]} : vector<3x112xf32> to vector<1x112xf32>
    %mul3A_182 = vector.broadcast %slice3A_181 : vector<1x112xf32> to vector<320x112xf32>
    %mul3A_183 = arith.mulf %add3A_161, %mul3A_182 : vector<320x112xf32>
    %slice3A_184 = vector.extract_strided_slice %get3A_167 {offsets = [2, 0], sizes = [1, 112], strides = [1, 1]} : vector<3x112xf32> to vector<1x112xf32>
    %add3A_185 = vector.broadcast %slice3A_184 : vector<1x112xf32> to vector<320x112xf32>
    %add3A_186 = arith.addf %mul3A_183, %add3A_185 : vector<320x112xf32>
    %mul3A_187 = arith.mulf %mul3A_180, %add3A_186 : vector<320x112xf32>
    %mul3A_188 = arith.mulf %add3A_153, %mul3A_187 : vector<320x112xf32>
    %convert_element_type3A_189 = arith.truncf %mul3A_188 : vector<320x112xf32> to vector<320x112xbf16>
    %convert_element_type3A_190 = arith.extf %convert_element_type3A_189 : vector<320x112xbf16> to vector<320x112xf32>
    %sub3A_191 = arith.subf %mul3A_188, %convert_element_type3A_190 : vector<320x112xf32>
    %get3A_192 = arith.constant 0 : index
    %get3A_193 = arith.constant 0 : index
    %get3A_194 = vector.load %arg9[%get3A_192, %get3A_193] : memref<112x512xf32, #tpu.memory_space<vmem>>, vector<112x512xf32>
    %dot_general3A_195 = arith.constant dense<0.000000e+00> : vector<320x512xf32>
    %dot_general3A_196 = tpu.matmul %convert_element_type3A_190, %get3A_194, %dot_general3A_195 {dimension_numbers = #tpu.dot_dimension_numbers<[1], [0], [0], [1], [0, 0, 1, 1], [], []>, transpose_lhs_hint = false} : vector<320x112xf32>, vector<112x512xf32>, vector<320x512xf32> -> vector<320x512xf32>
    %dot_general3A_197 = arith.constant dense<0.000000e+00> : vector<320x512xf32>
    %dot_general3A_198 = tpu.matmul %sub3A_191, %get3A_194, %dot_general3A_197 {dimension_numbers = #tpu.dot_dimension_numbers<[1], [0], [0], [1], [0, 0, 1, 1], [], []>, transpose_lhs_hint = false} : vector<320x112xf32>, vector<112x512xf32>, vector<320x512xf32> -> vector<320x512xf32>
    %add3A_199 = arith.addf %dot_general3A_196, %dot_general3A_198 : vector<320x512xf32>
    %get3A_200 = arith.constant 0 : index
    %get3A_201 = arith.constant 0 : index
    %get3A_202 = vector.load %arg10[%get3A_200, %get3A_201] : memref<12x36xf32, #tpu.memory_space<vmem>>, vector<12x36xf32>
    %dot_general3A_203 = arith.constant dense<0.000000e+00> : vector<320x36xf32>
    %dot_general3A_204 = tpu.matmul %convert_element_type3A_2, %get3A_202, %dot_general3A_203 {dimension_numbers = #tpu.dot_dimension_numbers<[1], [0], [0], [1], [0, 0, 1, 1], [], []>, transpose_lhs_hint = false} : vector<320x12xf32>, vector<12x36xf32>, vector<320x36xf32> -> vector<320x36xf32>
    %dot_general3A_205 = arith.constant dense<0.000000e+00> : vector<320x36xf32>
    %dot_general3A_206 = tpu.matmul %sub3A, %get3A_202, %dot_general3A_205 {dimension_numbers = #tpu.dot_dimension_numbers<[1], [0], [0], [1], [0, 0, 1, 1], [], []>, transpose_lhs_hint = false} : vector<320x12xf32>, vector<12x36xf32>, vector<320x36xf32> -> vector<320x36xf32>
    %add3A_207 = arith.addf %dot_general3A_204, %dot_general3A_206 : vector<320x36xf32>
    %get3A_208 = arith.constant 0 : index
    %get3A_209 = arith.constant 0 : index
    %get3A_210 = vector.load %arg11[%get3A_208, %get3A_209] : memref<12x36xf32, #tpu.memory_space<vmem>>, vector<12x36xf32>
    %dot_general3A_211 = arith.constant dense<0.000000e+00> : vector<320x36xf32>
    %dot_general3A_212 = tpu.matmul %convert_element_type3A_2, %get3A_210, %dot_general3A_211 {dimension_numbers = #tpu.dot_dimension_numbers<[1], [0], [0], [1], [0, 0, 1, 1], [], []>, transpose_lhs_hint = false} : vector<320x12xf32>, vector<12x36xf32>, vector<320x36xf32> -> vector<320x36xf32>
    %dot_general3A_213 = arith.constant dense<0.000000e+00> : vector<320x36xf32>
    %dot_general3A_214 = tpu.matmul %sub3A, %get3A_210, %dot_general3A_213 {dimension_numbers = #tpu.dot_dimension_numbers<[1], [0], [0], [1], [0, 0, 1, 1], [], []>, transpose_lhs_hint = false} : vector<320x12xf32>, vector<12x36xf32>, vector<320x36xf32> -> vector<320x36xf32>
    %add3A_215 = arith.addf %dot_general3A_212, %dot_general3A_214 : vector<320x36xf32>
    %mul3A_216 = arith.mulf %add3A_207, %add3A_215 : vector<320x36xf32>
    %convert_element_type3A_217 = arith.truncf %mul3A_216 : vector<320x36xf32> to vector<320x36xbf16>
    %convert_element_type3A_218 = arith.extf %convert_element_type3A_217 : vector<320x36xbf16> to vector<320x36xf32>
    %sub3A_219 = arith.subf %mul3A_216, %convert_element_type3A_218 : vector<320x36xf32>
    %get3A_220 = arith.constant 0 : index
    %get3A_221 = arith.constant 0 : index
    %get3A_222 = vector.load %arg12[%get3A_220, %get3A_221] : memref<36x40xf32, #tpu.memory_space<vmem>>, vector<36x40xf32>
    %dot_general3A_223 = arith.constant dense<0.000000e+00> : vector<320x40xf32>
    %dot_general3A_224 = tpu.matmul %convert_element_type3A_218, %get3A_222, %dot_general3A_223 {dimension_numbers = #tpu.dot_dimension_numbers<[1], [0], [0], [1], [0, 0, 1, 1], [], []>, transpose_lhs_hint = false} : vector<320x36xf32>, vector<36x40xf32>, vector<320x40xf32> -> vector<320x40xf32>
    %dot_general3A_225 = arith.constant dense<0.000000e+00> : vector<320x40xf32>
    %dot_general3A_226 = tpu.matmul %sub3A_219, %get3A_222, %dot_general3A_225 {dimension_numbers = #tpu.dot_dimension_numbers<[1], [0], [0], [1], [0, 0, 1, 1], [], []>, transpose_lhs_hint = false} : vector<320x36xf32>, vector<36x40xf32>, vector<320x40xf32> -> vector<320x40xf32>
    %add3A_227 = arith.addf %dot_general3A_224, %dot_general3A_226 : vector<320x40xf32>
    %get3A_228 = arith.constant 0 : index
    %get3A_229 = arith.constant 0 : index
    %get3A_230 = vector.load %arg13[%get3A_228, %get3A_229] : memref<12x40xf32, #tpu.memory_space<vmem>>, vector<12x40xf32>
    %dot_general3A_231 = arith.constant dense<0.000000e+00> : vector<320x40xf32>
    %dot_general3A_232 = tpu.matmul %convert_element_type3A_2, %get3A_230, %dot_general3A_231 {dimension_numbers = #tpu.dot_dimension_numbers<[1], [0], [0], [1], [0, 0, 1, 1], [], []>, transpose_lhs_hint = false} : vector<320x12xf32>, vector<12x40xf32>, vector<320x40xf32> -> vector<320x40xf32>
    %dot_general3A_233 = arith.constant dense<0.000000e+00> : vector<320x40xf32>
    %dot_general3A_234 = tpu.matmul %sub3A, %get3A_230, %dot_general3A_233 {dimension_numbers = #tpu.dot_dimension_numbers<[1], [0], [0], [1], [0, 0, 1, 1], [], []>, transpose_lhs_hint = false} : vector<320x12xf32>, vector<12x40xf32>, vector<320x40xf32> -> vector<320x40xf32>
    %add3A_235 = arith.addf %dot_general3A_232, %dot_general3A_234 : vector<320x40xf32>
    %mul3A_236 = arith.mulf %add3A_227, %add3A_235 : vector<320x40xf32>
    %convert_element_type3A_237 = arith.truncf %mul3A_236 : vector<320x40xf32> to vector<320x40xbf16>
    %convert_element_type3A_238 = arith.extf %convert_element_type3A_237 : vector<320x40xbf16> to vector<320x40xf32>
    %sub3A_239 = arith.subf %mul3A_236, %convert_element_type3A_238 : vector<320x40xf32>
    %get3A_240 = arith.constant 0 : index
    %get3A_241 = arith.constant 0 : index
    %get3A_242 = vector.load %arg14[%get3A_240, %get3A_241] : memref<1x512xf32, #tpu.memory_space<vmem>>, vector<1x512xf32>
    %get3A_243 = arith.constant 0 : index
    %get3A_244 = arith.constant 0 : index
    %get3A_245 = vector.load %arg15[%get3A_243, %get3A_244] : memref<12x512xf32, #tpu.memory_space<vmem>>, vector<12x512xf32>
    %get3A_246 = arith.constant 0 : index
    %get3A_247 = arith.constant 0 : index
    %get3A_248 = vector.load %arg16[%get3A_246, %get3A_247] : memref<12x512xf32, #tpu.memory_space<vmem>>, vector<12x512xf32>
    %dot_general3A_249 = arith.constant dense<0.000000e+00> : vector<320x512xf32>
    %dot_general3A_250 = tpu.matmul %convert_element_type3A_2, %get3A_245, %dot_general3A_249 {dimension_numbers = #tpu.dot_dimension_numbers<[1], [0], [0], [1], [0, 0, 1, 1], [], []>, transpose_lhs_hint = false} : vector<320x12xf32>, vector<12x512xf32>, vector<320x512xf32> -> vector<320x512xf32>
    %dot_general3A_251 = arith.constant dense<0.000000e+00> : vector<320x512xf32>
    %dot_general3A_252 = tpu.matmul %sub3A, %get3A_245, %dot_general3A_251 {dimension_numbers = #tpu.dot_dimension_numbers<[1], [0], [0], [1], [0, 0, 1, 1], [], []>, transpose_lhs_hint = false} : vector<320x12xf32>, vector<12x512xf32>, vector<320x512xf32> -> vector<320x512xf32>
    %add3A_253 = arith.addf %dot_general3A_250, %dot_general3A_252 : vector<320x512xf32>
    %dot_general3A_254 = arith.constant dense<0.000000e+00> : vector<320x512xf32>
    %dot_general3A_255 = tpu.matmul %convert_element_type3A_2, %get3A_248, %dot_general3A_254 {dimension_numbers = #tpu.dot_dimension_numbers<[1], [0], [0], [1], [0, 0, 1, 1], [], []>, transpose_lhs_hint = false} : vector<320x12xf32>, vector<12x512xf32>, vector<320x512xf32> -> vector<320x512xf32>
    %add3A_256 = arith.addf %add3A_253, %dot_general3A_255 : vector<320x512xf32>
    %add3A_257 = vector.broadcast %get3A_242 : vector<1x512xf32> to vector<320x512xf32>
    %add3A_258 = arith.addf %add3A_257, %add3A_256 : vector<320x512xf32>
    %get3A_259 = arith.constant 0 : index
    %get3A_260 = arith.constant 0 : index
    %get3A_261 = vector.load %arg17[%get3A_259, %get3A_260] : memref<36x512xf32, #tpu.memory_space<vmem>>, vector<36x512xf32>
    %get3A_262 = arith.constant 0 : index
    %get3A_263 = arith.constant 0 : index
    %get3A_264 = vector.load %arg18[%get3A_262, %get3A_263] : memref<36x512xf32, #tpu.memory_space<vmem>>, vector<36x512xf32>
    %dot_general3A_265 = arith.constant dense<0.000000e+00> : vector<320x512xf32>
    %dot_general3A_266 = tpu.matmul %convert_element_type3A_218, %get3A_261, %dot_general3A_265 {dimension_numbers = #tpu.dot_dimension_numbers<[1], [0], [0], [1], [0, 0, 1, 1], [], []>, transpose_lhs_hint = false} : vector<320x36xf32>, vector<36x512xf32>, vector<320x512xf32> -> vector<320x512xf32>
    %dot_general3A_267 = arith.constant dense<0.000000e+00> : vector<320x512xf32>
    %dot_general3A_268 = tpu.matmul %sub3A_219, %get3A_261, %dot_general3A_267 {dimension_numbers = #tpu.dot_dimension_numbers<[1], [0], [0], [1], [0, 0, 1, 1], [], []>, transpose_lhs_hint = false} : vector<320x36xf32>, vector<36x512xf32>, vector<320x512xf32> -> vector<320x512xf32>
    %add3A_269 = arith.addf %dot_general3A_266, %dot_general3A_268 : vector<320x512xf32>
    %dot_general3A_270 = arith.constant dense<0.000000e+00> : vector<320x512xf32>
    %dot_general3A_271 = tpu.matmul %convert_element_type3A_218, %get3A_264, %dot_general3A_270 {dimension_numbers = #tpu.dot_dimension_numbers<[1], [0], [0], [1], [0, 0, 1, 1], [], []>, transpose_lhs_hint = false} : vector<320x36xf32>, vector<36x512xf32>, vector<320x512xf32> -> vector<320x512xf32>
    %add3A_272 = arith.addf %add3A_269, %dot_general3A_271 : vector<320x512xf32>
    %add3A_273 = arith.addf %add3A_258, %add3A_272 : vector<320x512xf32>
    %get3A_274 = arith.constant 0 : index
    %get3A_275 = arith.constant 0 : index
    %get3A_276 = vector.load %arg19[%get3A_274, %get3A_275] : memref<40x512xf32, #tpu.memory_space<vmem>>, vector<40x512xf32>
    %get3A_277 = arith.constant 0 : index
    %get3A_278 = arith.constant 0 : index
    %get3A_279 = vector.load %arg20[%get3A_277, %get3A_278] : memref<40x512xf32, #tpu.memory_space<vmem>>, vector<40x512xf32>
    %dot_general3A_280 = arith.constant dense<0.000000e+00> : vector<320x512xf32>
    %dot_general3A_281 = tpu.matmul %convert_element_type3A_238, %get3A_276, %dot_general3A_280 {dimension_numbers = #tpu.dot_dimension_numbers<[1], [0], [0], [1], [0, 0, 1, 1], [], []>, transpose_lhs_hint = false} : vector<320x40xf32>, vector<40x512xf32>, vector<320x512xf32> -> vector<320x512xf32>
    %dot_general3A_282 = arith.constant dense<0.000000e+00> : vector<320x512xf32>
    %dot_general3A_283 = tpu.matmul %sub3A_239, %get3A_276, %dot_general3A_282 {dimension_numbers = #tpu.dot_dimension_numbers<[1], [0], [0], [1], [0, 0, 1, 1], [], []>, transpose_lhs_hint = false} : vector<320x40xf32>, vector<40x512xf32>, vector<320x512xf32> -> vector<320x512xf32>
    %add3A_284 = arith.addf %dot_general3A_281, %dot_general3A_283 : vector<320x512xf32>
    %dot_general3A_285 = arith.constant dense<0.000000e+00> : vector<320x512xf32>
    %dot_general3A_286 = tpu.matmul %convert_element_type3A_238, %get3A_279, %dot_general3A_285 {dimension_numbers = #tpu.dot_dimension_numbers<[1], [0], [0], [1], [0, 0, 1, 1], [], []>, transpose_lhs_hint = false} : vector<320x40xf32>, vector<40x512xf32>, vector<320x512xf32> -> vector<320x512xf32>
    %add3A_287 = arith.addf %add3A_284, %dot_general3A_286 : vector<320x512xf32>
    %add3A_288 = arith.addf %add3A_273, %add3A_287 : vector<320x512xf32>
    %mul3A_289 = arith.mulf %add3A_199, %add3A_288 : vector<320x512xf32>
    %reshape3A = vector.shape_cast %mul3A_289 : vector<320x512xf32> to vector<1280x128xf32>
    %get3A_290 = arith.constant 0 : index
    %get3A_291 = arith.constant 0 : index
    %get3A_292 = vector.load %arg2[%get3A_290, %get3A_291] : memref<1280x128xf32, #tpu.memory_space<vmem>>, vector<1280x128xf32>
    %slice3A_293 = vector.extract_strided_slice %get3A_292 {offsets = [0, 0], sizes = [1280, 4], strides = [1, 1]} : vector<1280x128xf32> to vector<1280x4xf32>
    %convert_element_type3A_294 = arith.truncf %slice3A_293 : vector<1280x4xf32> to vector<1280x4xbf16>
    %convert_element_type3A_295 = arith.extf %convert_element_type3A_294 : vector<1280x4xbf16> to vector<1280x4xf32>
    %sub3A_296 = arith.subf %slice3A_293, %convert_element_type3A_295 : vector<1280x4xf32>
    %get3A_297 = arith.constant 0 : index
    %get3A_298 = arith.constant 0 : index
    %get3A_299 = vector.load %arg21[%get3A_297, %get3A_298] : memref<4x512xf32, #tpu.memory_space<vmem>>, vector<4x512xf32>
    %dot_general3A_300 = arith.constant dense<0.000000e+00> : vector<1280x512xf32>
    %dot_general3A_301 = tpu.matmul %convert_element_type3A_295, %get3A_299, %dot_general3A_300 {dimension_numbers = #tpu.dot_dimension_numbers<[1], [0], [0], [1], [0, 0, 1, 1], [], []>, transpose_lhs_hint = false} : vector<1280x4xf32>, vector<4x512xf32>, vector<1280x512xf32> -> vector<1280x512xf32>
    %dot_general3A_302 = arith.constant dense<0.000000e+00> : vector<1280x512xf32>
    %dot_general3A_303 = tpu.matmul %sub3A_296, %get3A_299, %dot_general3A_302 {dimension_numbers = #tpu.dot_dimension_numbers<[1], [0], [0], [1], [0, 0, 1, 1], [], []>, transpose_lhs_hint = false} : vector<1280x4xf32>, vector<4x512xf32>, vector<1280x512xf32> -> vector<1280x512xf32>
    %add3A_304 = arith.addf %dot_general3A_301, %dot_general3A_303 : vector<1280x512xf32>
    %slice3A_305 = vector.extract_strided_slice %add3A_304 {offsets = [0, 0], sizes = [1280, 128], strides = [1, 1]} : vector<1280x512xf32> to vector<1280x128xf32>
    %mul3A_306 = arith.mulf %reshape3A, %slice3A_305 : vector<1280x128xf32>
    %swap3A = arith.constant 0 : index
    %swap3A_307 = arith.constant 0 : index
    %swap3A_308 = vector.load %arg22[%swap3A, %swap3A_307] : memref<1280x128xf32, #tpu.memory_space<vmem>>, vector<1280x128xf32>
    tpu.vector_store %arg22[%swap3A, %swap3A_307], %mul3A_306 {strides = array<i32>} : memref<1280x128xf32, #tpu.memory_space<vmem>>, vector<1280x128xf32>,
    %slice3A_309 = vector.extract_strided_slice %add3A_304 {offsets = [0, 128], sizes = [1280, 128], strides = [1, 1]} : vector<1280x512xf32> to vector<1280x128xf32>
    %mul3A_310 = arith.mulf %reshape3A, %slice3A_309 : vector<1280x128xf32>
    %swap3A_311 = arith.constant 0 : index
    %swap3A_312 = arith.constant 0 : index
    %swap3A_313 = vector.load %arg23[%swap3A_311, %swap3A_312] : memref<1280x128xf32, #tpu.memory_space<vmem>>, vector<1280x128xf32>
    tpu.vector_store %arg23[%swap3A_311, %swap3A_312], %mul3A_310 {strides = array<i32>} : memref<1280x128xf32, #tpu.memory_space<vmem>>, vector<1280x128xf32>,
    %slice3A_314 = vector.extract_strided_slice %add3A_304 {offsets = [0, 256], sizes = [1280, 128], strides = [1, 1]} : vector<1280x512xf32> to vector<1280x128xf32>
    %mul3A_315 = arith.mulf %reshape3A, %slice3A_314 : vector<1280x128xf32>
    %swap3A_316 = arith.constant 0 : index
    %swap3A_317 = arith.constant 0 : index
    %swap3A_318 = vector.load %arg24[%swap3A_316, %swap3A_317] : memref<1280x128xf32, #tpu.memory_space<vmem>>, vector<1280x128xf32>
    tpu.vector_store %arg24[%swap3A_316, %swap3A_317], %mul3A_315 {strides = array<i32>} : memref<1280x128xf32, #tpu.memory_space<vmem>>, vector<1280x128xf32>,
    %slice3A_319 = vector.extract_strided_slice %add3A_304 {offsets = [0, 384], sizes = [1280, 128], strides = [1, 1]} : vector<1280x512xf32> to vector<1280x128xf32>
    %mul3A_320 = arith.mulf %reshape3A, %slice3A_319 : vector<1280x128xf32>
    %swap3A_321 = arith.constant 0 : index
    %swap3A_322 = arith.constant 0 : index
    %swap3A_323 = vector.load %arg25[%swap3A_321, %swap3A_322] : memref<1280x128xf32, #tpu.memory_space<vmem>>, vector<1280x128xf32>
    tpu.vector_store %arg25[%swap3A_321, %swap3A_322], %mul3A_320 {strides = array<i32>} : memref<1280x128xf32, #tpu.memory_space<vmem>>, vector<1280x128xf32>,
    return
  }
  func.func @transform_0(%arg0: i32) -> (i32, i32) {
    %c0_i32 = arith.constant 0 : i32
    %c0_i32_0 = arith.constant 0 : i32
    return %arg0, %c0_i32 : i32, i32
  }
  func.func @transform_1(%arg0: i32) -> (i32, i32) {
    %c0_i32 = arith.constant 0 : i32
    %c0_i32_0 = arith.constant 0 : i32
    return %arg0, %c0_i32 : i32, i32
  }
  func.func @transform_2(%arg0: i32) -> (i32, i32) {
    %c0_i32 = arith.constant 0 : i32
    %c0_i32_0 = arith.constant 0 : i32
    %c0_i32_1 = arith.constant 0 : i32
    return %c0_i32, %c0_i32_0 : i32, i32
  }
  func.func @transform_3(%arg0: i32) -> (i32, i32) {
    %c0_i32 = arith.constant 0 : i32
    %c0_i32_0 = arith.constant 0 : i32
    %c0_i32_1 = arith.constant 0 : i32
    return %c0_i32, %c0_i32_0 : i32, i32
  }
  func.func @transform_4(%arg0: i32) -> (i32, i32) {
    %c0_i32 = arith.constant 0 : i32
    %c0_i32_0 = arith.constant 0 : i32
    %c0_i32_1 = arith.constant 0 : i32
    return %c0_i32, %c0_i32_0 : i32, i32
  }
  func.func @transform_5(%arg0: i32) -> (i32, i32) {
    %c0_i32 = arith.constant 0 : i32
    %c0_i32_0 = arith.constant 0 : i32
    %c0_i32_1 = arith.constant 0 : i32
    return %c0_i32, %c0_i32_0 : i32, i32
  }
  func.func @transform_6(%arg0: i32) -> (i32, i32) {
    %c0_i32 = arith.constant 0 : i32
    %c0_i32_0 = arith.constant 0 : i32
    %c0_i32_1 = arith.constant 0 : i32
    return %c0_i32, %c0_i32_0 : i32, i32
  }
  func.func @transform_7(%arg0: i32) -> (i32, i32) {
    %c0_i32 = arith.constant 0 : i32
    %c0_i32_0 = arith.constant 0 : i32
    %c0_i32_1 = arith.constant 0 : i32
    return %c0_i32, %c0_i32_0 : i32, i32
  }
  func.func @transform_8(%arg0: i32) -> (i32, i32) {
    %c0_i32 = arith.constant 0 : i32
    %c0_i32_0 = arith.constant 0 : i32
    %c0_i32_1 = arith.constant 0 : i32
    return %c0_i32, %c0_i32_0 : i32, i32
  }
  func.func @transform_9(%arg0: i32) -> (i32, i32) {
    %c0_i32 = arith.constant 0 : i32
    %c0_i32_0 = arith.constant 0 : i32
    %c0_i32_1 = arith.constant 0 : i32
    return %c0_i32, %c0_i32_0 : i32, i32
  }
  func.func @transform_10(%arg0: i32) -> (i32, i32) {
    %c0_i32 = arith.constant 0 : i32
    %c0_i32_0 = arith.constant 0 : i32
    %c0_i32_1 = arith.constant 0 : i32
    return %c0_i32, %c0_i32_0 : i32, i32
  }
  func.func @transform_11(%arg0: i32) -> (i32, i32) {
    %c0_i32 = arith.constant 0 : i32
    %c0_i32_0 = arith.constant 0 : i32
    %c0_i32_1 = arith.constant 0 : i32
    return %c0_i32, %c0_i32_0 : i32, i32
  }
  func.func @transform_12(%arg0: i32) -> (i32, i32) {
    %c0_i32 = arith.constant 0 : i32
    %c0_i32_0 = arith.constant 0 : i32
    %c0_i32_1 = arith.constant 0 : i32
    return %c0_i32, %c0_i32_0 : i32, i32
  }
  func.func @transform_13(%arg0: i32) -> (i32, i32) {
    %c0_i32 = arith.constant 0 : i32
    %c0_i32_0 = arith.constant 0 : i32
    %c0_i32_1 = arith.constant 0 : i32
    return %c0_i32, %c0_i32_0 : i32, i32
  }
  func.func @transform_14(%arg0: i32) -> (i32, i32) {
    %c0_i32 = arith.constant 0 : i32
    %c0_i32_0 = arith.constant 0 : i32
    %c0_i32_1 = arith.constant 0 : i32
    return %c0_i32, %c0_i32_0 : i32, i32
  }
  func.func @transform_15(%arg0: i32) -> (i32, i32) {
    %c0_i32 = arith.constant 0 : i32
    %c0_i32_0 = arith.constant 0 : i32
    %c0_i32_1 = arith.constant 0 : i32
    return %c0_i32, %c0_i32_0 : i32, i32
  }
  func.func @transform_16(%arg0: i32) -> (i32, i32) {
    %c0_i32 = arith.constant 0 : i32
    %c0_i32_0 = arith.constant 0 : i32
    %c0_i32_1 = arith.constant 0 : i32
    return %c0_i32, %c0_i32_0 : i32, i32
  }
  func.func @transform_17(%arg0: i32) -> (i32, i32) {
    %c0_i32 = arith.constant 0 : i32
    %c0_i32_0 = arith.constant 0 : i32
    %c0_i32_1 = arith.constant 0 : i32
    return %c0_i32, %c0_i32_0 : i32, i32
  }
  func.func @transform_18(%arg0: i32) -> (i32, i32) {
    %c0_i32 = arith.constant 0 : i32
    %c0_i32_0 = arith.constant 0 : i32
    %c0_i32_1 = arith.constant 0 : i32
    return %c0_i32, %c0_i32_0 : i32, i32
  }
  func.func @transform_19(%arg0: i32) -> (i32, i32) {
    %c0_i32 = arith.constant 0 : i32
    %c0_i32_0 = arith.constant 0 : i32
    %c0_i32_1 = arith.constant 0 : i32
    return %c0_i32, %c0_i32_0 : i32, i32
  }
  func.func @transform_20(%arg0: i32) -> (i32, i32) {
    %c0_i32 = arith.constant 0 : i32
    %c0_i32_0 = arith.constant 0 : i32
    %c0_i32_1 = arith.constant 0 : i32
    return %c0_i32, %c0_i32_0 : i32, i32
  }
  func.func @transform_21(%arg0: i32) -> (i32, i32) {
    %c0_i32 = arith.constant 0 : i32
    %c0_i32_0 = arith.constant 0 : i32
    return %arg0, %c0_i32 : i32, i32
  }
  func.func @transform_22(%arg0: i32) -> (i32, i32) {
    %c0_i32 = arith.constant 0 : i32
    %c0_i32_0 = arith.constant 0 : i32
    return %arg0, %c0_i32 : i32, i32
  }
  func.func @transform_23(%arg0: i32) -> (i32, i32) {
    %c0_i32 = arith.constant 0 : i32
    %c0_i32_0 = arith.constant 0 : i32
    return %arg0, %c0_i32 : i32, i32
  }
  func.func @transform_24(%arg0: i32) -> (i32, i32) {
    %c0_i32 = arith.constant 0 : i32
    %c0_i32_0 = arith.constant 0 : i32
    return %arg0, %c0_i32 : i32, i32
  }
}

</mosaic_0001>

<sc_bundles>
// kernel: kernel.5.cloned.1.call-start
scs
__scs_entry_jumppad:
0x0: {  	(pc) =	sbr.rel $0x88, $3  }
0x1: {  	(tag) =	ssettag $0x0;
	lr =	simm.s32 $0x1  }
0x2: {  	[smem:$0x3F9C] =	sst lr;
	_ =	strace $0xD0000000  }
0x3: {  	_ = 	snop  }
0x4: {  	_ = 	snop  }
0x5: {  	_ = 	snop  }
0x6: {  	_ = 	snop  }
0x7: {  	_ = 	snop  }
__scs_overlays_trampoline_lowered:
0x8: {  	[smem:$0x3FAB] =	sst s0  }
0x9: {  	[smem:$0x3FAC] =	sst s1  }
0xa: {  	[smem:$0x3FAD] =	sst s2  }
0xb: {  	[smem:$0x3FAE] =	sst s3  }
0xc: {  	[smem:$0x3FAF] =	sst s4  }
0xd: {  	[smem:$0x3FB0] =	sst s5  }
0xe: {  	[smem:$0x3FB1] =	sst s6  }
0xf: {  	[smem:$0x3FB2] =	sst s7  }
0x10: {  	[smem:$0x3FB3] =	sst s8  }
0x11: {  	[smem:$0x3FB4] =	sst s9;
	s0 =	simm.s32 @!p0 $0x0  }
0x12: {  	s1 =	sld [smem:$0x3F9A];
	s0 =	simm.s32 @p0 $0x1  }
0x13: {  	[smem:$0x3FB5] =	sst s0;
	s0 =	simm.s32 @!p1 $0x0  }
0x14: {  	s2 =	sld [smem:$0x3F99];
	s0 =	simm.s32 @p1 $0x1  }
0x15: {  	[smem:$0x3FB6] =	sst s0;
	s0 =	simm.s32 @!p2 $0x0  }
0x16: {  	s3 =	sld [smem:$0x3FDB];
	s0 =	simm.s32 @p2 $0x1  }
0x17: {  	s4 =	simm.s32 $0x1BF5;
	[smem:$0x3FB8] =	sst s0  }
0x18: {  	s0 =	sld [smem:$0x3F9B];
	_ =	swait.ge [sflag:s4], $0x0  }
0x19: {  	s7 =	sld [smem:$0x3F9C]  }
0x1a: {  	s8 =	sadd.s32 $0xFFFFE003, lr  }
0x1b: {  	s9 =	sadd.s32 $0xFFFFFEF7, lr;
	s5 =	simm.s32 $0xFFFFFFFF;
	p2 =	slt.u32 s8, $0xFFFFF086  }
0x1c: {  	p1 =	slt.u32 s9, $0xF7A;
	s5 =	simm.s32 @!p2 $0x0  }
0x1d: {  	s5 =	simm.s32 @p1 $0x1;
	p0 =	seq.s32 s7, s2  }
0x1e: {  	s7 =	smul.u32 @!p0 $0xF7A, s2;
	p2 =	seq.s32 @!p0 s5, $0x0  }
0x1f: {  	s9 =	smul.u32 $0xF7A, s1;
	s8 =	simm.s32 @!p0 $0x1BF5;
	p2 =	por !p2, p0  }
0x20: {  	[sflag:s8] =	ssyncset.s32 @!p0 $0xFFFFF086;
	s6 =	sadd.s32 @!p0 s3, s7;
	s7 =	simm.s32 @!p0 $0x108  }
0x21: {  	s3 =	sadd.s32 s3, s9;
	s6 =	sadd.s32 @!p0 $0x88, s6;
	s7 =	simm.s32 @p2 $0x1082  }
0x22: {  	[simem:s7], [sflag:s8] =	dma.local @!p0 [hbm:s6], $0xF7A  }
0x23: {  	s9 =	sor.u32 $0xD0000000, s2;
	s6 =	simm.s32 $0x108;
	_ =	swait.ge @!p0 [sflag:s8], $0x0  }
0x24: {  	s3 =	sadd.s32 $0x88, s3;
	s6 =	simm.s32 @!p1 $0x1082;
	[sflag:s4] =	ssyncset.s32 $0xFFFFF086  }
0x25: {  	[simem:s6], [sflag:s4] =	dma.local [hbm:s3], $0xF7A  }
0x26: {  	[smem:$0x3F9C] =	sst s1;
	(tag) =	ssettag s2;
	_ =	strace s9  }
0x27: {  	s1 =	sld [smem:$0x3FAC]  }
0x28: {  	s2 =	sld [smem:$0x3FAD]  }
0x29: {  	s4 =	sld [smem:$0x3FAF]  }
0x2a: {  	p0 =	seq.s32 s5, $0x0;
	s5 =	sld [smem:$0x3FB0]  }
0x2b: {  	s6 =	sld [smem:$0x3FB1]  }
0x2c: {  	s7 =	sld [smem:$0x3FB2]  }
0x2d: {  	s3 =	simm.s32 $0x108;
	s8 =	sld [smem:$0x3FB3]  }
0x2e: {  	s3 =	simm.s32 @!p0 $0x1082;
	s9 =	sld [smem:$0x3FB4]  }
0x2f: {  	lr =	sadd.s32 s0, s3;
	s0 =	sld [smem:$0x3FAB]  }
0x30: {  	s3 =	sld [smem:$0x3FAE]  }
0x31: {  	[smem:$0x3FB7] =	sst s10  }
0x32: {  	s10 =	sld [smem:$0x3FB5];
	_ =	sdelay $0x3  }
0x33: {  	p0 =	seq.s32 s10, $0x1;
	s10 =	sld [smem:$0x3FB7];
	_ =	sdelay $0x3  }
0x34: {  	[smem:$0x3FB7] =	sst s10  }
0x35: {  	s10 =	sld [smem:$0x3FB6];
	_ =	sdelay $0x3  }
0x36: {  	p1 =	seq.s32 s10, $0x1;
	s10 =	sld [smem:$0x3FB7];
	_ =	sdelay $0x3  }
0x37: {  	[smem:$0x3FB7] =	sst s10  }
0x38: {  	s10 =	sld [smem:$0x3FB8]  }
0x39: {  	_ = 	snop;
	(pc) =	sbr.ind lr, $3  }
0x3a: {  	_ = 	snop  }
0x3b: {  	_ = 	snop  }
0x3c: {  	p2 =	seq.s32 s10, $0x1;
	s10 =	sld [smem:$0x3FB7]  }
0x3d: {  	_ =	shalt  }
0x3e: {  	_ =	shalt  }
0x3f: {  	_ =	shalt  }
0x40: {  	_ =	shalt  }
0x41: {  	_ =	shalt  }
0x42: {  	_ =	shalt  }
0x43: {  	_ =	shalt  }
0x44: {  	_ =	shalt  }
0x45: {  	_ =	shalt  }
0x46: {  	_ =	shalt  }
0x47: {  	_ =	shalt  }
0x48: {  	_ =	shalt  }
0x49: {  	_ =	shalt  }
0x4a: {  	_ =	shalt  }
0x4b: {  	_ =	shalt  }
0x4c: {  	_ =	shalt  }
0x4d: {  	_ =	shalt  }
0x4e: {  	_ =	shalt  }
0x4f: {  	_ =	shalt  }
0x50: {  	_ =	shalt  }
0x51: {  	_ =	shalt  }
0x52: {  	_ =	shalt  }
0x53: {  	_ =	shalt  }
0x54: {  	_ =	shalt  }
0x55: {  	_ =	shalt  }
0x56: {  	_ =	shalt  }
0x57: {  	_ =	shalt  }
0x58: {  	_ =	shalt  }
0x59: {  	_ =	shalt  }
0x5a: {  	_ =	shalt  }
0x5b: {  	_ =	shalt  }
0x5c: {  	_ =	shalt  }
0x5d: {  	_ =	shalt  }
0x5e: {  	_ =	shalt  }
0x5f: {  	_ =	shalt  }
0x60: {  	_ =	shalt  }
0x61: {  	_ =	shalt  }
0x62: {  	_ =	shalt  }
0x63: {  	_ =	shalt  }
0x64: {  	_ =	shalt  }
0x65: {  	_ =	shalt  }
0x66: {  	_ =	shalt  }
0x67: {  	_ =	shalt  }
0x68: {  	_ =	shalt  }
0x69: {  	_ =	shalt  }
0x6a: {  	_ =	shalt  }
0x6b: {  	_ =	shalt  }
0x6c: {  	_ =	shalt  }
0x6d: {  	_ =	shalt  }
0x6e: {  	_ =	shalt  }
0x6f: {  	_ =	shalt  }
0x70: {  	_ =	shalt  }
0x71: {  	_ =	shalt  }
0x72: {  	_ =	shalt  }
0x73: {  	_ =	shalt  }
0x74: {  	_ =	shalt  }
0x75: {  	_ =	shalt  }
0x76: {  	_ =	shalt  }
0x77: {  	_ =	shalt  }
0x78: {  	_ =	shalt  }
0x79: {  	_ =	shalt  }
0x7a: {  	_ =	shalt  }
0x7b: {  	_ =	shalt  }
0x7c: {  	_ =	shalt  }
0x7d: {  	_ =	shalt  }
0x7e: {  	_ =	shalt  }
0x7f: {  	_ =	shalt  }
0x80: {  	_ =	shalt  }
0x81: {  	_ =	shalt  }
0x82: {  	_ =	shalt  }
0x83: {  	_ =	shalt  }
0x84: {  	_ =	shalt  }
0x85: {  	_ =	shalt  }
0x86: {  	_ =	shalt  }
0x87: {  	_ =	shalt  }
.Lfunc_end0:
.L_simem_size_0:
called_computation_lowered:
.L_overlay_start_0:
0x88: {  	s2 =	sld [smem:$0x3FD9]  }
0x89: {  	s3 =	sld [smem:$0x3FFE];
	_ =	sdelay $0x1  }
0x8a: {  	s1 =	srdreg.scid  }
0x8b: {  	s0 =	sand.u32 $0x1, s1  }
0x8c: {  	s14 =	sshll.u32 s0, $0xA;
	s2 =	sadd.s32 s3, s2  }
0x8d: {  	s2 =	sadd.s32 s2, s14  }
0x8e: {  	[smem:$0x3FC3] =	sst s2  }
0x8f: {  	_ = 	snop  }
0x90: {  	s2 =	sld [smem:$0x3FD0];
	_ =	sdelay $0x2  }
0x91: {  	s4 =	simm.s32 $0xA;
	s5 =	simm.s32 $0x10;
	s15 =	sld [smem:$0x3FC7]  }
0x92: {  	[smem:s5], [sflag:s4] =	dma.local [hbm:s2], $0x1  }
0x93: {  	_ =	swait.eq [sflag:s4], $0x1  }
0x94: {  	[sflag:s4] =	ssyncset.done $0x0  }
0x95: {  	[sflag:s4] =	ssyncadd.s32 $0xFFFFFFFF  }
0x96: {  	s16 =	sld [smem:$0x12];
	(tm) =	ssettm $0x1  }
0x97: {  	s17 =	sld [smem:$0x3FFB];
	_ =	sdelay $0x3  }
0x98: {  	_ =	strace s17  }
0x99: {  	s4 =	sld [smem:$0x3FFC];
	_ =	sdelay $0x3  }
0x9a: {  	_ =	strace s4  }
0x9b: {  	s4 =	sld [smem:$0x3FFD];
	_ =	sdelay $0x3  }
0x9c: {  	_ =	strace s4  }
0x9d: {  	_ =	strace $0x8FFFFFFF  }
0x9e: {  	s18 =	sld [smem:$0x3FDB];
	_ =	sdelay $0x1  }
0x9f: {  	s19 =	simm.s32 $_scs_section_size  }
0xa0: {  	s6 =	simm.s32 $_size__tile_overlayer_lowered;
	s7 =	simm.s32 $_tile_overlayer_lowered  }
0xa1: {  	s22 =	simm.s32 $0x1BFF;
	s21 =	sshll.u32 s7, $0x1;
	s4 =	sadd.s32 s19, s18  }
0xa2: {  	s8 =	simm.s32 $0x0;
	s20 =	sshll.u32 s6, $0x1;
	s6 =	sadd.s32 s21, s4  }
0xa3: {  	[timem:s8], [sflag:s22] =	dma.local [hbm:s6], s20  }
0xa4: {  	_ =	swait.ge [sflag:s22], s20  }
0xa5: {  	s5 =	ssub.s32 $0x0, s20;
	[sflag:s22] =	ssyncset.done $0x0  }
0xa6: {  	[sflag:s22] =	ssyncadd.s32 s5;
	_ =	sdelay $0x1  }
0xa7: {  	s23 =	simm.s32 $0x1B8B  }
0xa8: {  	_ =	swait.ge [sflag:s23], $0x1  }
0xa9: {  	[sflag:s23] =	ssyncset.done $0x0  }
0xaa: {  	s25 =	simm.s32 $0x1B8E;
	s24 =	sld [smem:$0x3FFE];
	[sflag:s23] =	ssyncadd.s32 $0xFFFFFFFF  }
0xab: {  	s26 =	simm.s32 $execute0_lowered;
	[smem:$0x3FD2] =	sst s25  }
0xac: {  	s6 =	sshll.u32 s26, $0x1;
	_ =	strace $0x80000046;
	[dreg:$0x1] =	wrdreg $0xFFFFFFFF  }
0xad: {  	s28 =	simm.s32 $_size_execute0_lowered;
	s4 =	sadd.s32 s4, s6;
	[dreg:$0x0] =	wrdreg $0x0  }
0xae: {  	s6 =	sshll.u32 s28, $0x1;
	[dreg:$0x2] =	wrdreg s4  }
0xaf: {  	[dreg:$0x3] =	wrdreg s6  }
0xb0: {  	[dreg:$0x4] =	wrdreg $0xC0  }
0xb1: {  	_ =	task [dreg:s8], $0x5FFFF  }
0xb2: {  	[dreg:$0x1] =	wrdreg $0xFFFFFFFF  }
0xb3: {  	[dreg:$0x0] =	wrdreg $0x60  }
0xb4: {  	[dreg:$0x2] =	wrdreg s16  }
0xb5: {  	[dreg:$0x3] =	wrdreg s15  }
0xb6: {  	[dreg:$0x4] =	wrdreg s24  }
0xb7: {  	[dreg:$0x5] =	wrdreg $0x9  }
0xb8: {  	_ =	task.clear_ibuf [dreg:s8], $0x6FFFF;
	_ =	strace $0x90000046  }
0xb9: {  	s29 =	simm.s32 $0x9;
	_ =	strace $0x80000048  }
0xba: {  	_ =	swait.ge [sflag:s29], $0x1  }
0xbb: {  	[sflag:s29] =	ssyncadd.s32 $0xFFFFFFFF  }
0xbc: {  	_ =	strace $0x90000048  }
0xbd: {  	_ =	sfence  }
0xbe: {  	s30 =	sld [smem:$0x0];
	_ =	sdelay $0x2  }
0xbf: {  	s31 =	sshll.u32 s1, $0xD;
	s1 =	sshrl.u32 s1, $0x2  }
0xc0: {  	s3 =	sand.u32 $0x4000, s31;
	s1 =	sadd.s32 s1, s30  }
0xc1: {  	s0 =	sor.u32 s3, s0;
	s1 =	sshll.u32 s1, $0x11  }
0xc2: {  	s0 =	sor.u32 s1, s0  }
0xc3: {  	s0 =	sadd.s32 $0x8F2B, s0  }
0xc4: {  	[sflag:s0] =	ssyncadd.remote.s32 $0x1  }
0xc5: {  	_ =	sfence.sel $0xFFFF  }
0xc6: {  	[dreg:$0x0] =	wrdreg $0xFFFFFFFF;
	(pc) =	sbr.abs _section_cstart, $3  }
0xc7: {  	[dreg:$0x1] =	wrdreg $0xFFFFFFFF  }
0xc8: {  	_ =	task.clear_ibuf [dreg:s8], $0x2FFFF;
	_ =	strace $0x9FFFFFFF  }
0xc9: {  	(tm) =	ssettm $0x7FFFFFFF  }
tec
execute0_lowered:
.L_overlay_start_1:
0x0: {  	(tag) =	ssettag $0x1  }
0x1: {  	s1 =	rddreg [dreg:$0x0]  }
0x2: {  	s8 =	rddreg [dreg:$0x1];
	s2 =	srdreg.scid  }
0x3: {  	s0 =	stileid.u32;
	s4 =	rddreg [dreg:$0x2];
	s3 =	simm.s32 $0x0  }
0x4: {  	s14 =	simm.s32 $0x4100;
	s15 =	simm.s32 $0x0;
	s6 =	sand.u32 $0x1, s2  }
0x5: {  	s5 =	sshll.u32 s0, $0x1;
	s2 =	rddreg [dreg:$0x3];
	s10 =	smul.u32 $0x2710, s0  }
0x6: {  	[smem:$0x7FF] =	sst s3;
	s7 =	sadd.s32 $0xA800, s4;
	s12 =	smul.u32 $0x27100, s0  }
0x7: {  	s5 =	sor.u32 s6, s5;
	s29 =	ssub.s32 $0x2, s6;
	s11 =	smul.u32 $0x1388, s6  }
0x8: {  	_ =	strace $0x80000047;
	s5 =	smul.u32 $0x1388, s5;
	s9 =	sshrl.u32 s29, $0x1  }
0x9: {  	s13 =	smul.u32 $0x13880, s6;
	s9 =	ssub.s32 s29, s9;
	s10 =	sadd.s32 s11, s10  }
0xa: {  	s11 =	simm.s32 $0x1;
	s5 =	sadd.s32 $0x1380, s5;
	s6 =	smax.u32 s9, $0x1  }
0xb: {  	s31 =	sshrl.u32 s10, $0x3;
	s9 =	simm.s32 $0x2;
	s30 =	sshrl.u32 s5, $0x3  }
0xc: {  	s10 =	simm.s32 $0x80;
	s5 =	sshll.u32 s5, $0x4;
	s4 =	sadd.s32 s8, s30  }
0xd: {  	s5 =	sadd.s32 s7, s5;
	s7 =	sadd.s32 s12, s7;
	s8 =	sadd.s32 s31, s8  }
0xe: {  	s12 =	simm.s32 $0x4080;
	s7 =	sadd.s32 s13, s7;
	s13 =	simm.s32 $0x8  }
.LBB2_1:
0xf: {  	s16 =	sadd.s32 $0x0, s8  }
0x10: {  	[tilespmem:s3], [sflag:$0x2] =	stream.linear.gather [hbm4b:s16+s3], $0x80, $0x38;
	[tilespmem:$0x4500] =	vst v63  }
0x11: {  	_ =	swait.ge [sflag:s9], $0x80  }
0x12: {  	[sflag:s9] =	ssyncset.done $0x0  }
0x13: {  	[sflag:s9] =	ssyncadd.s32 $0xFFFFFF80  }
0x14: {  	[tilespmem:s10], [sflag:$0x1] =	stream.indirect.gather [hbm4b:s1+s10], $0x80, s3, s10, $0xb8;
	[tilespmem:$0x4500] =	vst v63  }
0x15: {  	_ =	swait.ge [sflag:s11], $0x4000  }
0x16: {  	[sflag:s11] =	ssyncset.done $0x0  }
0x17: {  	[sflag:s11] =	ssyncadd.s32 $0xFFFFC000  }
0x18: {  	[hbm4b:s7+s3] =	stream.linear.scatter [tilespmem:s10], [sflag:$0x2], $0x4000, $0x38;
	[tilespmem:$0x4500] =	vst v63  }
0x19: {  	s17 =	simm.s32 $0x10;
	_ =	swait.ge [sflag:s9], $0x4000  }
0x1a: {  	s18 =	simm.s32 $0x20;
	s16 =	sadd.s32 $0x800, s7;
	[sflag:s9] =	ssyncset.done $0x0  }
.LBB2_2:
0x1b: {  	s19 =	sadd.s32 s17, s8  }
0x1c: {  	[sflag:s9] =	ssyncadd.s32 $0xFFFFC000;
	s17 =	smov.u32 s18;
	s20 =	sadd.s32 $0x10, s18  }
0x1d: {  	[tilespmem:s3], [sflag:$0x2] =	stream.linear.gather [hbm4b:s19+s3], $0x80, $0x38;
	[tilespmem:$0x4500] =	vst v63  }
0x1e: {  	p0 =	sne.s32 s18, $0x260;
	_ =	swait.ge [sflag:s9], $0x80  }
0x1f: {  	[sflag:s9] =	ssyncset.done $0x0  }
0x20: {  	[sflag:s9] =	ssyncadd.s32 $0xFFFFFF80  }
0x21: {  	[tilespmem:s10], [sflag:$0x1] =	stream.indirect.gather [hbm4b:s1+s10], $0x80, s3, s10, $0xb8;
	[tilespmem:$0x4500] =	vst v63  }
0x22: {  	_ =	swait.ge [sflag:s11], $0x4000  }
.Ltmp0:
0x23: {  	[sflag:s11] =	ssyncset.done $0x0;
	(pc) =	sbr.rel @p0 .LBB2_2-.Ltmp0, $4  }
0x24: {  	[sflag:s11] =	ssyncadd.s32 $0xFFFFC000  }
0x25: {  	[hbm4b:s16+s3] =	stream.linear.scatter [tilespmem:s10], [sflag:$0x2], $0x4000, $0x38;
	[tilespmem:$0x4500] =	vst v63  }
0x26: {  	_ =	swait.ge [sflag:s9], $0x4000  }
0x27: {  	s18 =	smov.u32 s20;
	s16 =	sadd.s32 $0x800, s16;
	[sflag:s9] =	ssyncset.done $0x0  }
0x28: {  	s17 =	sadd.s32 s17, s8;
	[sflag:s9] =	ssyncadd.s32 $0xFFFFC000  }
0x29: {  	[tilespmem:s3], [sflag:$0x2] =	stream.linear.gather [hbm4b:s17+s3], $0x80, $0x38;
	[tilespmem:$0x4500] =	vst v63  }
0x2a: {  	_ =	swait.ge [sflag:s9], $0x80  }
0x2b: {  	[sflag:s9] =	ssyncset.done $0x0  }
0x2c: {  	[sflag:s9] =	ssyncadd.s32 $0xFFFFFF80  }
0x2d: {  	[tilespmem:s10], [sflag:$0x1] =	stream.indirect.gather [hbm4b:s1+s10], $0x80, s3, s10, $0xb8;
	[tilespmem:$0x4500] =	vst v63  }
0x2e: {  	_ =	swait.ge [sflag:s11], $0x4000  }
0x2f: {  	[sflag:s11] =	ssyncset.done $0x0  }
0x30: {  	[sflag:s11] =	ssyncadd.s32 $0xFFFFC000  }
0x31: {  	[hbm4b:s16+s3] =	stream.linear.scatter [tilespmem:s10], [sflag:$0x2], $0x4000, $0x38;
	[tilespmem:$0x4500] =	vst v63  }
0x32: {  	_ =	swait.ge [sflag:s9], $0x4000  }
0x33: {  	[sflag:s9] =	ssyncset.done $0x0  }
0x34: {  	[sflag:s9] =	ssyncadd.s32 $0xFFFFC000  }
0x35: {  	[tilespmem:s12], [sflag:$0x2] =	stream.linear.gather [hbm4b:s4+s3], $0x8, $0x38;
	[tilespmem:$0x4500] =	vst v63  }
0x36: {  	_ =	swait.ge [sflag:s9], $0x8  }
0x37: {  	[sflag:s9] =	ssyncset.done $0x0  }
0x38: {  	[sflag:s9] =	ssyncadd.s32 $0xFFFFFFF8  }
0x39: {  	[tilespmem:s14], [sflag:$0x1] =	stream.indirect.gather [hbm4b:s1+s13], $0x80, s12, s13, $0xb8;
	[tilespmem:$0x4500] =	vst v63  }
0x3a: {  	s15 =	sadd.s32 $0x1, s15;
	_ =	swait.ge [sflag:s11], $0x400  }
0x3b: {  	p0 =	sne.s32 s15, s6;
	[sflag:s11] =	ssyncset.done $0x0  }
.Ltmp1:
0x3c: {  	[sflag:s11] =	ssyncadd.s32 $0xFFFFFC00;
	(pc) =	sbr.rel @p0 .LBB2_1-.Ltmp1, $4  }
0x3d: {  	[hbm4b:s5+s3] =	stream.linear.scatter [tilespmem:s14], [sflag:$0x2], $0x400, $0x38;
	[tilespmem:$0x4500] =	vst v63  }
0x3e: {  	_ =	swait.ge [sflag:s9], $0x400  }
0x3f: {  	[sflag:s9] =	ssyncset.done $0x0  }
0x40: {  	[sflag:s9] =	ssyncadd.s32 $0xFFFFFC00  }
0x41: {  	_ =	sfence.sel $0x180000  }
0x42: {  	[bflag:$0x0] =	sbarrier.arrive $0xFFFF  }
0x43: {  	p0 =	sne.s32 s0, $0x0;
	_ =	strace $0x90000047  }
0x44: {  	s0 =	sadd.s32 @!p0 $0x100000, s2;
	[bflag:$0x2] =	sbarrier.arrive $0xFFFF  }
0x45: {  	[sflag:s0] =	ssyncadd.tile.s32 @!p0 $0x1;
	_ =	shalt  }
.Lfunc_end2:
_tile_overlayer_lowered:
.L_overlay_start_2:
0x46: {  	(tag) =	ssettag $0x2  }
0x47: {  	s0 =	rddreg [dreg:$0x0];
	s2 =	stileid.u32  }
0x48: {  	s1 =	rddreg [dreg:$0x1];
	p0 =	sne.s32 s2, $0x0  }
0x49: {  	s3 =	rddreg [dreg:$0x2];
	[bflag:$0x3] =	sbarrier.arrive $0xFFFF;
	s2 =	simm.s32 @!p0 $0x1C02  }
0x4a: {  	[timem:s3], [sflag:s2] =	dma.local @!p0 [hbm:s0], s1  }
0x4b: {  	s0 =	simm.s32 @!p0 $0x2  }
0x4c: {  	_ =	swait.ge @!p0 [sflag:s0], s1  }
0x4d: {  	s1 =	ssub.s32 @!p0 $0x0, s1;
	[sflag:s0] =	ssyncset.done @!p0 $0x0  }
0x4e: {  	[sflag:s0] =	ssyncadd.s32 @!p0 s1  }
0x4f: {  	[bflag:$0x3] =	sbarrier.arrive $0xFFFF  }
0x50: {  	_ =	shalt  }

// kernel: kernel.8.cloned.1.call-start
scs
__scs_entry_jumppad:
0x0: {  	(pc) =	sbr.rel $0x88, $3  }
0x1: {  	(tag) =	ssettag $0x0;
	lr =	simm.s32 $0x1  }
0x2: {  	[smem:$0x3F9C] =	sst lr;
	_ =	strace $0xD0000000  }
0x3: {  	_ = 	snop  }
0x4: {  	_ = 	snop  }
0x5: {  	_ = 	snop  }
0x6: {  	_ = 	snop  }
0x7: {  	_ = 	snop  }
__scs_overlays_trampoline_lowered:
0x8: {  	[smem:$0x3FAB] =	sst s0  }
0x9: {  	[smem:$0x3FAC] =	sst s1  }
0xa: {  	[smem:$0x3FAD] =	sst s2  }
0xb: {  	[smem:$0x3FAE] =	sst s3  }
0xc: {  	[smem:$0x3FAF] =	sst s4  }
0xd: {  	[smem:$0x3FB0] =	sst s5  }
0xe: {  	[smem:$0x3FB1] =	sst s6  }
0xf: {  	[smem:$0x3FB2] =	sst s7  }
0x10: {  	[smem:$0x3FB3] =	sst s8  }
0x11: {  	[smem:$0x3FB4] =	sst s9;
	s0 =	simm.s32 @!p0 $0x0  }
0x12: {  	s1 =	sld [smem:$0x3F9A];
	s0 =	simm.s32 @p0 $0x1  }
0x13: {  	[smem:$0x3FB5] =	sst s0;
	s0 =	simm.s32 @!p1 $0x0  }
0x14: {  	s2 =	sld [smem:$0x3F99];
	s0 =	simm.s32 @p1 $0x1  }
0x15: {  	[smem:$0x3FB6] =	sst s0;
	s0 =	simm.s32 @!p2 $0x0  }
0x16: {  	s3 =	sld [smem:$0x3FDB];
	s0 =	simm.s32 @p2 $0x1  }
0x17: {  	s4 =	simm.s32 $0x1BF5;
	[smem:$0x3FB8] =	sst s0  }
0x18: {  	s0 =	sld [smem:$0x3F9B];
	_ =	swait.ge [sflag:s4], $0x0  }
0x19: {  	s7 =	sld [smem:$0x3F9C]  }
0x1a: {  	s8 =	sadd.s32 $0xFFFFE003, lr  }
0x1b: {  	s9 =	sadd.s32 $0xFFFFFEF7, lr;
	s5 =	simm.s32 $0xFFFFFFFF;
	p2 =	slt.u32 s8, $0xFFFFF086  }
0x1c: {  	p1 =	slt.u32 s9, $0xF7A;
	s5 =	simm.s32 @!p2 $0x0  }
0x1d: {  	s5 =	simm.s32 @p1 $0x1;
	p0 =	seq.s32 s7, s2  }
0x1e: {  	s7 =	smul.u32 @!p0 $0xF7A, s2;
	p2 =	seq.s32 @!p0 s5, $0x0  }
0x1f: {  	s9 =	smul.u32 $0xF7A, s1;
	s8 =	simm.s32 @!p0 $0x1BF5;
	p2 =	por !p2, p0  }
0x20: {  	[sflag:s8] =	ssyncset.s32 @!p0 $0xFFFFF086;
	s6 =	sadd.s32 @!p0 s3, s7;
	s7 =	simm.s32 @!p0 $0x108  }
0x21: {  	s3 =	sadd.s32 s3, s9;
	s6 =	sadd.s32 @!p0 $0x88, s6;
	s7 =	simm.s32 @p2 $0x1082  }
0x22: {  	[simem:s7], [sflag:s8] =	dma.local @!p0 [hbm:s6], $0xF7A  }
0x23: {  	s9 =	sor.u32 $0xD0000000, s2;
	s6 =	simm.s32 $0x108;
	_ =	swait.ge @!p0 [sflag:s8], $0x0  }
0x24: {  	s3 =	sadd.s32 $0x88, s3;
	s6 =	simm.s32 @!p1 $0x1082;
	[sflag:s4] =	ssyncset.s32 $0xFFFFF086  }
0x25: {  	[simem:s6], [sflag:s4] =	dma.local [hbm:s3], $0xF7A  }
0x26: {  	[smem:$0x3F9C] =	sst s1;
	(tag) =	ssettag s2;
	_ =	strace s9  }
0x27: {  	s1 =	sld [smem:$0x3FAC]  }
0x28: {  	s2 =	sld [smem:$0x3FAD]  }
0x29: {  	s4 =	sld [smem:$0x3FAF]  }
0x2a: {  	p0 =	seq.s32 s5, $0x0;
	s5 =	sld [smem:$0x3FB0]  }
0x2b: {  	s6 =	sld [smem:$0x3FB1]  }
0x2c: {  	s7 =	sld [smem:$0x3FB2]  }
0x2d: {  	s3 =	simm.s32 $0x108;
	s8 =	sld [smem:$0x3FB3]  }
0x2e: {  	s3 =	simm.s32 @!p0 $0x1082;
	s9 =	sld [smem:$0x3FB4]  }
0x2f: {  	lr =	sadd.s32 s0, s3;
	s0 =	sld [smem:$0x3FAB]  }
0x30: {  	s3 =	sld [smem:$0x3FAE]  }
0x31: {  	[smem:$0x3FB7] =	sst s10  }
0x32: {  	s10 =	sld [smem:$0x3FB5];
	_ =	sdelay $0x3  }
0x33: {  	p0 =	seq.s32 s10, $0x1;
	s10 =	sld [smem:$0x3FB7];
	_ =	sdelay $0x3  }
0x34: {  	[smem:$0x3FB7] =	sst s10  }
0x35: {  	s10 =	sld [smem:$0x3FB6];
	_ =	sdelay $0x3  }
0x36: {  	p1 =	seq.s32 s10, $0x1;
	s10 =	sld [smem:$0x3FB7];
	_ =	sdelay $0x3  }
0x37: {  	[smem:$0x3FB7] =	sst s10  }
0x38: {  	s10 =	sld [smem:$0x3FB8]  }
0x39: {  	_ = 	snop;
	(pc) =	sbr.ind lr, $3  }
0x3a: {  	_ = 	snop  }
0x3b: {  	_ = 	snop  }
0x3c: {  	p2 =	seq.s32 s10, $0x1;
	s10 =	sld [smem:$0x3FB7]  }
0x3d: {  	_ =	shalt  }
0x3e: {  	_ =	shalt  }
0x3f: {  	_ =	shalt  }
0x40: {  	_ =	shalt  }
0x41: {  	_ =	shalt  }
0x42: {  	_ =	shalt  }
0x43: {  	_ =	shalt  }
0x44: {  	_ =	shalt  }
0x45: {  	_ =	shalt  }
0x46: {  	_ =	shalt  }
0x47: {  	_ =	shalt  }
0x48: {  	_ =	shalt  }
0x49: {  	_ =	shalt  }
0x4a: {  	_ =	shalt  }
0x4b: {  	_ =	shalt  }
0x4c: {  	_ =	shalt  }
0x4d: {  	_ =	shalt  }
0x4e: {  	_ =	shalt  }
0x4f: {  	_ =	shalt  }
0x50: {  	_ =	shalt  }
0x51: {  	_ =	shalt  }
0x52: {  	_ =	shalt  }
0x53: {  	_ =	shalt  }
0x54: {  	_ =	shalt  }
0x55: {  	_ =	shalt  }
0x56: {  	_ =	shalt  }
0x57: {  	_ =	shalt  }
0x58: {  	_ =	shalt  }
0x59: {  	_ =	shalt  }
0x5a: {  	_ =	shalt  }
0x5b: {  	_ =	shalt  }
0x5c: {  	_ =	shalt  }
0x5d: {  	_ =	shalt  }
0x5e: {  	_ =	shalt  }
0x5f: {  	_ =	shalt  }
0x60: {  	_ =	shalt  }
0x61: {  	_ =	shalt  }
0x62: {  	_ =	shalt  }
0x63: {  	_ =	shalt  }
0x64: {  	_ =	shalt  }
0x65: {  	_ =	shalt  }
0x66: {  	_ =	shalt  }
0x67: {  	_ =	shalt  }
0x68: {  	_ =	shalt  }
0x69: {  	_ =	shalt  }
0x6a: {  	_ =	shalt  }
0x6b: {  	_ =	shalt  }
0x6c: {  	_ =	shalt  }
0x6d: {  	_ =	shalt  }
0x6e: {  	_ =	shalt  }
0x6f: {  	_ =	shalt  }
0x70: {  	_ =	shalt  }
0x71: {  	_ =	shalt  }
0x72: {  	_ =	shalt  }
0x73: {  	_ =	shalt  }
0x74: {  	_ =	shalt  }
0x75: {  	_ =	shalt  }
0x76: {  	_ =	shalt  }
0x77: {  	_ =	shalt  }
0x78: {  	_ =	shalt  }
0x79: {  	_ =	shalt  }
0x7a: {  	_ =	shalt  }
0x7b: {  	_ =	shalt  }
0x7c: {  	_ =	shalt  }
0x7d: {  	_ =	shalt  }
0x7e: {  	_ =	shalt  }
0x7f: {  	_ =	shalt  }
0x80: {  	_ =	shalt  }
0x81: {  	_ =	shalt  }
0x82: {  	_ =	shalt  }
0x83: {  	_ =	shalt  }
0x84: {  	_ =	shalt  }
0x85: {  	_ =	shalt  }
0x86: {  	_ =	shalt  }
0x87: {  	_ =	shalt  }
.Lfunc_end0:
.L_simem_size_0:
called_computation.1_lowered:
.L_overlay_start_0:
0x88: {  	s2 =	sld [smem:$0x3FD9]  }
0x89: {  	s3 =	sld [smem:$0x3FFE];
	_ =	sdelay $0x1  }
0x8a: {  	s1 =	srdreg.scid  }
0x8b: {  	s0 =	sand.u32 $0x1, s1  }
0x8c: {  	s14 =	sshll.u32 s0, $0xA;
	s2 =	sadd.s32 s3, s2  }
0x8d: {  	s2 =	sadd.s32 s2, s14  }
0x8e: {  	[smem:$0x3FC3] =	sst s2  }
0x8f: {  	_ = 	snop  }
0x90: {  	s2 =	sld [smem:$0x3FD0];
	_ =	sdelay $0x2  }
0x91: {  	s4 =	simm.s32 $0xA;
	s5 =	simm.s32 $0x10;
	s15 =	sld [smem:$0x3FC8]  }
0x92: {  	[smem:s5], [sflag:s4] =	dma.local [hbm:s2], $0x1  }
0x93: {  	_ =	swait.eq [sflag:s4], $0x1  }
0x94: {  	s16 =	sld [smem:$0x10];
	[sflag:s4] =	ssyncset.done $0x0  }
0x95: {  	s17 =	sld [smem:$0x12];
	[sflag:s4] =	ssyncadd.s32 $0xFFFFFFFF  }
0x96: {  	s18 =	sld [smem:$0x13];
	(tm) =	ssettm $0x1  }
0x97: {  	s6 =	sld [smem:$0x3FFB];
	_ =	sdelay $0x3  }
0x98: {  	_ =	strace s6  }
0x99: {  	s6 =	sld [smem:$0x3FFC];
	_ =	sdelay $0x3  }
0x9a: {  	_ =	strace s6  }
0x9b: {  	s6 =	sld [smem:$0x3FFD];
	_ =	sdelay $0x3  }
0x9c: {  	_ =	strace s6  }
0x9d: {  	_ =	strace $0x8FFFFFFF  }
0x9e: {  	s19 =	sld [smem:$0x3FDB];
	_ =	sdelay $0x1  }
0x9f: {  	s7 =	simm.s32 $_scs_section_size  }
0xa0: {  	s8 =	simm.s32 $_size__tile_overlayer_lowered;
	s9 =	simm.s32 $_tile_overlayer_lowered  }
0xa1: {  	s22 =	simm.s32 $0x1BFF;
	s21 =	sshll.u32 s9, $0x1;
	s6 =	sadd.s32 s7, s19  }
0xa2: {  	s10 =	simm.s32 $0x0;
	s20 =	sshll.u32 s8, $0x1;
	s8 =	sadd.s32 s21, s6  }
0xa3: {  	[timem:s10], [sflag:s22] =	dma.local [hbm:s8], s20  }
0xa4: {  	_ =	swait.ge [sflag:s22], s20  }
0xa5: {  	s7 =	ssub.s32 $0x0, s20;
	[sflag:s22] =	ssyncset.done $0x0  }
0xa6: {  	[sflag:s22] =	ssyncadd.s32 s7;
	_ =	sdelay $0x1  }
0xa7: {  	s23 =	simm.s32 $0x1B8B  }
0xa8: {  	_ =	swait.ge [sflag:s23], $0x1  }
0xa9: {  	[sflag:s23] =	ssyncset.done $0x0  }
0xaa: {  	s25 =	simm.s32 $0x1B8E;
	s24 =	sld [smem:$0x3FFE];
	[sflag:s23] =	ssyncadd.s32 $0xFFFFFFFF  }
0xab: {  	s26 =	simm.s32 $execute0_lowered;
	[smem:$0x3FD2] =	sst s25  }
0xac: {  	s8 =	sshll.u32 s26, $0x1;
	_ =	strace $0x80000049;
	[dreg:$0x1] =	wrdreg $0xFFFFFFFF  }
0xad: {  	s28 =	simm.s32 $_size_execute0_lowered;
	s6 =	sadd.s32 s6, s8;
	[dreg:$0x0] =	wrdreg $0x0  }
0xae: {  	s8 =	sshll.u32 s28, $0x1;
	[dreg:$0x2] =	wrdreg s6  }
0xaf: {  	[dreg:$0x3] =	wrdreg s8  }
0xb0: {  	[dreg:$0x4] =	wrdreg $0xC0  }
0xb1: {  	_ =	task [dreg:s10], $0x5FFFF  }
0xb2: {  	[dreg:$0x1] =	wrdreg $0xFFFFFFFF  }
0xb3: {  	[dreg:$0x0] =	wrdreg $0x60  }
0xb4: {  	[dreg:$0x2] =	wrdreg s24  }
0xb5: {  	[dreg:$0x3] =	wrdreg s15  }
0xb6: {  	[dreg:$0x4] =	wrdreg s16  }
0xb7: {  	[dreg:$0x5] =	wrdreg s17  }
0xb8: {  	[dreg:$0x6] =	wrdreg s18  }
0xb9: {  	[dreg:$0x7] =	wrdreg $0x89800  }
0xba: {  	[dreg:$0x8] =	wrdreg $0x9  }
0xbb: {  	_ =	task.clear_ibuf [dreg:s10], $0x9FFFF;
	_ =	strace $0x90000049  }
0xbc: {  	s29 =	simm.s32 $0x9;
	_ =	strace $0x8000004B  }
0xbd: {  	_ =	swait.ge [sflag:s29], $0x1  }
0xbe: {  	[sflag:s29] =	ssyncadd.s32 $0xFFFFFFFF  }
0xbf: {  	_ =	strace $0x9000004B  }
0xc0: {  	_ =	sfence  }
0xc1: {  	s30 =	sld [smem:$0x0];
	_ =	sdelay $0x2  }
0xc2: {  	s31 =	sshll.u32 s1, $0xD;
	s1 =	sshrl.u32 s1, $0x2  }
0xc3: {  	s3 =	sand.u32 $0x4000, s31;
	s1 =	sadd.s32 s1, s30  }
0xc4: {  	s0 =	sor.u32 s3, s0;
	s1 =	sshll.u32 s1, $0x11  }
0xc5: {  	s0 =	sor.u32 s1, s0  }
0xc6: {  	s0 =	sadd.s32 $0x8F2B, s0  }
0xc7: {  	[sflag:s0] =	ssyncadd.remote.s32 $0x1  }
0xc8: {  	_ =	sfence.sel $0xFFFF  }
0xc9: {  	[dreg:$0x0] =	wrdreg $0xFFFFFFFF;
	(pc) =	sbr.abs _section_cstart, $3  }
0xca: {  	[dreg:$0x1] =	wrdreg $0xFFFFFFFF  }
0xcb: {  	_ =	task.clear_ibuf [dreg:s10], $0x2FFFF;
	_ =	strace $0x9FFFFFFF  }
0xcc: {  	(tm) =	ssettm $0x7FFFFFFF  }
0xcd: {  	_ =	shalt  }
tec
execute0_lowered:
.L_overlay_start_1:
0x0: {  	(tag) =	ssettag $0x1  }
0x1: {  	s0 =	rddreg [dreg:$0x0]  }
0x2: {  	s1 =	rddreg [dreg:$0x1]  }
0x3: {  	s4 =	rddreg [dreg:$0x5];
	s5 =	simm.s32 $0x0  }
0x4: {  	s2 =	srdreg.scid;
	[smem:$0x7FF] =	sst s5;
	s11 =	sadd.s32 $0x27B800, s0  }
0x5: {  	s10 =	stileid.u32;
	s12 =	sadd.s32 $0x4EC800, s0;
	s13 =	sadd.s32 $0x75D800, s0  }
0x6: {  	s3 =	smul.u32 $0x50000, s10;
	s23 =	sadd.s32 $0x9CE800, s0;
	s6 =	sadd.s32 $0xA800, s0  }
0x7: {  	s0 =	sadd.s32 $0x32800, s0;
	_ =	strace $0x8000004A;
	[dreg:$0xb] =	wrdreg s6  }
0x8: {  	s31 =	simm.s32 $0x5;
	s8 =	smul.u32 $0x2710, s10;
	[dreg:$0xc] =	wrdreg s0  }
0x9: {  	s2 =	sand.u32 $0x1, s2;
	s22 =	smul.u32 $0x27100, s10;
	[dreg:$0x8] =	wrdreg s12  }
0xa: {  	s20 =	sshll.u32 s10, $0x6;
	s9 =	smul.u32 $0x4E2, s10;
	[dreg:$0x7] =	wrdreg s11  }
0xb: {  	s30 =	smul.u32 $0x2800, s10;
	s19 =	ssub.s32 $0x2, s2;
	[dreg:$0xa] =	wrdreg s23  }
0xc: {  	s14 =	sor.u32 $0x1C05, s20;
	p0 =	sne.s32 s2, $0x0;
	[dreg:$0x9] =	wrdreg s13  }
0xd: {  	s6 =	simm.s32 $0x4080;
	s2 =	simm.s32 $0x4100;
	s7 =	sshrl.u32 s19, $0x1  }
0xe: {  	s3 =	sshrl.u32 s3, $0x2;
	s21 =	sshrl.u32 s8, $0x3;
	s24 =	sadd.s32 $0x80, s8  }
0xf: {  	s16 =	sadd.s32 s12, s22;
	s8 =	sadd.s32 $0x2700, s8;
	s20 =	sadd.s32 s11, s22  }
0x10: {  	s0 =	ssub.s32 s19, s7;
	s3 =	sadd.s32 s3, s4;
	s15 =	sadd.s32 s1, s21  }
0x11: {  	s25 =	sshrl.u32 s24, $0x3;
	s26 =	sshrl.u32 s8, $0x3;
	s19 =	sshll.u32 s8, $0x4  }
0x12: {  	s21 =	sadd.s32 s23, s22;
	s22 =	sadd.s32 s13, s22;
	s7 =	simm.s32 $0x0  }
0x13: {  	[dreg:$0xd] =	wrdreg s3;
	s17 =	sadd.s32 s1, s25;
	s3 =	sshll.u32 s24, $0x4  }
0x14: {  	s18 =	sadd.s32 s1, s26;
	s1 =	sadd.s32 s9, s1;
	s28 =	smax.u32 s0, $0x1  }
0x15: {  	s0 =	simm.s32 $0x80;
	s12 =	sadd.s32 s12, s3;
	s24 =	sadd.s32 s11, s3  }
.Ltmp0:
0x16: {  	s25 =	sadd.s32 s23, s3;
	[dreg:$0xe] =	wrdreg s12;
	(pc) =	sbr.rel .LBB2_1-.Ltmp0, $4  }
0x17: {  	s26 =	sadd.s32 s13, s3;
	s29 =	sadd.s32 $0x30, s1;
	[dreg:$0xf] =	wrdreg s24  }
0x18: {  	s3 =	simm.s32 $0x1;
	s11 =	simm.s32 $0x2;
	[dreg:$0x10] =	wrdreg s25  }
0x19: {  	s23 =	simm.s32 $0x4;
	[dreg:$0x11] =	wrdreg s26;
	s12 =	simm.s32 $0x3  }
0x1a: {  	s24 =	simm.s32 $0x8100;
	s25 =	simm.s32 $0x8180;
	s26 =	simm.s32 $0x10  }
.LBB2_14:
0x1b: {  	[tilespmem:s2], [sflag:$0x4] =	stream.linear.gather [hbm4b:s1+s5], $0x4000, $0x38;
	[tilespmem:$0x1C980] =	vst v63  }
0x1c: {  	s10 =	rddreg [dreg:$0xa]  }
0x1d: {  	s9 =	rddreg [dreg:$0xc]  }
.LBB2_15:
0x1e: {  	_ =	swait.ge [sflag:s3], $0x80  }
0x1f: {  	[sflag:s3] =	ssyncset.done $0x0  }
0x20: {  	[sflag:s3] =	ssyncadd.s32 $0xFFFFFF80  }
0x21: {  	_ =	swait.ge [sflag:s11], $0x4000  }
0x22: {  	[sflag:s11] =	ssyncset.done $0x0  }
0x23: {  	[sflag:s11] =	ssyncadd.s32 $0xFFFFC000  }
0x24: {  	[spmem:s4] =	stream.indirect.scatter.add.f32 [tilespmem:s0], [sflag:$0x5], $0x80, s5, s0, $0xb8;
	[tilespmem:$0x1C980] =	vst v63  }
0x25: {  	_ =	swait.ge [sflag:s31], $0x4000  }
0x26: {  	[sflag:s31] =	ssyncset.done $0x0  }
0x27: {  	[sflag:s31] =	ssyncadd.s32 $0xFFFFC000  }
0x28: {  	_ =	swait.ge [sflag:s12], $0x80  }
0x29: {  	[sflag:s12] =	ssyncset.done $0x0  }
0x2a: {  	[sflag:s12] =	ssyncadd.s32 $0xFFFFFF80  }
0x2b: {  	_ =	swait.ge [sflag:s23], $0x4000  }
0x2c: {  	[sflag:s23] =	ssyncset.done $0x0  }
0x2d: {  	[sflag:s23] =	ssyncadd.s32 $0xFFFFC000  }
0x2e: {  	[spmem:s4] =	stream.indirect.scatter.add.f32 [tilespmem:s2], [sflag:$0x5], $0x80, s6, s0, $0xb8;
	[tilespmem:$0x1C980] =	vst v63  }
0x2f: {  	_ =	swait.ge [sflag:s31], $0x4000  }
0x30: {  	[sflag:s31] =	ssyncset.done $0x0  }
0x31: {  	[sflag:s31] =	ssyncadd.s32 $0xFFFFC000  }
0x32: {  	[tilespmem:s24], [sflag:$0x5] =	stream.linear.gather [hbm4b:s18+s5], $0x10, $0x38;
	[tilespmem:$0x1C980] =	vst v63  }
0x33: {  	_ =	swait.ge [sflag:s31], $0x10  }
0x34: {  	[sflag:s31] =	ssyncset.done $0x0  }
0x35: {  	s1 =	sadd.s32 s10, s19;
	[sflag:s31] =	ssyncadd.s32 $0xFFFFFFF0  }
0x36: {  	[tilespmem:s25], [sflag:$0x5] =	stream.linear.gather [hbm4b:s1+s5], $0x800, $0x38;
	[tilespmem:$0x1C980] =	vst v63  }
0x37: {  	_ =	swait.ge [sflag:s31], $0x800  }
0x38: {  	[sflag:s31] =	ssyncset.done $0x0  }
0x39: {  	[sflag:s31] =	ssyncadd.s32 $0xFFFFF800  }
0x3a: {  	[spmem:s4] =	stream.indirect.scatter.add.f32 [tilespmem:s25], [sflag:$0x5], $0x80, s24, s26, $0xb8;
	[tilespmem:$0x1C980] =	vst v63  }
0x3b: {  	_ =	swait.ge [sflag:s31], $0x800  }
0x3c: {  	[sflag:s31] =	ssyncset.done $0x0  }
0x3d: {  	s7 =	sadd.s32 $0x1, s7;
	[sflag:s31] =	ssyncadd.s32 $0xFFFFF800  }
0x3e: {  	s13 =	sadd.s32 s9, s30;
	p1 =	sne.s32 s7, s28;
	[bflag:$0x0] =	sbarrier.arrive $0xFFFF  }
0x3f: {  	[hbm:s13], [sflag:s14] =	dma.local [spmem:s8], $0x2800  }
.Ltmp1:
0x40: {  	_ =	swait.ge [sflag:s31], $0x2800;
	(pc) =	sbr.rel @!p1 .LBB2_16-.Ltmp1, $3  }
0x41: {  	[sflag:s31] =	ssyncset.done $0x0  }
0x42: {  	[sflag:s31] =	ssyncadd.s32 $0xFFFFD800  }
0x43: {  	[bflag:$0x0] =	sbarrier.arrive $0xFFFF;
	_ =	sdelay $0x1  }
.LBB2_1:
0x44: {  	s1 =	rddreg [dreg:$0xd]  }
0x45: {  	s13 =	rddreg [dreg:$0x2];
	s8 =	sshrl.u32 s1, $0x3  }
0x46: {  	[spmem:s8], [sflag:s14] =	dma.local [hbm:s13], $0x2800  }
.Ltmp2:
0x47: {  	_ =	swait.ge [sflag:s31], $0x2800;
	(pc) =	sbr.rel @p0 .LBB2_5-.Ltmp2, $4  }
0x48: {  	[sflag:s31] =	ssyncset.done $0x0  }
0x49: {  	[sflag:s31] =	ssyncadd.s32 $0xFFFFD800  }
0x4a: {  	s1 =	simm.s32 $0x0;
	[bflag:$0x0] =	sbarrier.arrive $0xFFFF  }
0x4b: {  	[tilespmem:s5], [sflag:$0x1] =	stream.linear.gather [hbm4b:s15+s5], $0x80, $0x38;
	[tilespmem:$0x1C980] =	vst v63  }
0x4c: {  	[tilespmem:s0], [sflag:$0x2] =	stream.linear.gather [hbm4b:s20+s1], $0x4000, $0x38;
	[tilespmem:$0x1C980] =	vst v63  }
0x4d: {  	_ = 	snop  }
0x4e: {  	[tilespmem:s6], [sflag:$0x3] =	stream.linear.gather [hbm4b:s17+s1], $0x80, $0x38;
	[tilespmem:$0x1C980] =	vst v63  }
0x4f: {  	s9 =	rddreg [dreg:$0xf]  }
0x50: {  	[tilespmem:s2], [sflag:$0x4] =	stream.linear.gather [hbm4b:s9+s1], $0x4000, $0x38;
	[tilespmem:$0x1C980] =	vst v63  }
0x51: {  	_ =	swait.ge [sflag:s3], $0x80  }
0x52: {  	[sflag:s3] =	ssyncset.done $0x0  }
0x53: {  	[sflag:s3] =	ssyncadd.s32 $0xFFFFFF80  }
0x54: {  	_ =	swait.ge [sflag:s11], $0x4000  }
0x55: {  	[sflag:s11] =	ssyncset.done $0x0  }
0x56: {  	[sflag:s11] =	ssyncadd.s32 $0xFFFFC000  }
0x57: {  	[spmem:s4] =	stream.indirect.scatter.add.f32 [tilespmem:s0], [sflag:$0x5], $0x80, s5, s0, $0xb8;
	[tilespmem:$0x1C980] =	vst v63  }
0x58: {  	_ =	swait.ge [sflag:s31], $0x4000  }
0x59: {  	[sflag:s31] =	ssyncset.done $0x0  }
0x5a: {  	s10 =	sadd.s32 $0x0, s20;
	s9 =	sadd.s32 $0xFFFFFFF0, s29;
	[sflag:s31] =	ssyncadd.s32 $0xFFFFC000  }
0x5b: {  	[tilespmem:s5], [sflag:$0x1] =	stream.linear.gather [hbm4b:s9+s5], $0x80, $0x38;
	[tilespmem:$0x1C980] =	vst v63  }
0x5c: {  	s13 =	sadd.s32 $0x1000, s10  }
0x5d: {  	[tilespmem:s0], [sflag:$0x2] =	stream.linear.gather [hbm4b:s13+s5], $0x4000, $0x38;
	[tilespmem:$0x1C980] =	vst v63  }
0x5e: {  	_ =	swait.ge [sflag:s12], $0x80  }
0x5f: {  	[sflag:s12] =	ssyncset.done $0x0  }
0x60: {  	[sflag:s12] =	ssyncadd.s32 $0xFFFFFF80  }
0x61: {  	_ =	swait.ge [sflag:s23], $0x4000  }
0x62: {  	[sflag:s23] =	ssyncset.done $0x0  }
0x63: {  	[sflag:s23] =	ssyncadd.s32 $0xFFFFC000  }
0x64: {  	[spmem:s4] =	stream.indirect.scatter.add.f32 [tilespmem:s2], [sflag:$0x5], $0x80, s6, s0, $0xb8;
	[tilespmem:$0x1C980] =	vst v63  }
0x65: {  	_ =	swait.ge [sflag:s31], $0x4000  }
0x66: {  	s1 =	sadd.s32 $0x1800, s10;
	[sflag:s31] =	ssyncset.done $0x0  }
0x67: {  	s10 =	sadd.s32 $0x20, s29;
	s9 =	simm.s32 $0x1000;
	[sflag:s31] =	ssyncadd.s32 $0xFFFFC000  }
0x68: {  	[tilespmem:s6], [sflag:$0x3] =	stream.linear.gather [hbm4b:s29+s5], $0x80, $0x38;
	[tilespmem:$0x1C980] =	vst v63  }
.LBB2_3:
0x69: {  	[tilespmem:s2], [sflag:$0x4] =	stream.linear.gather [hbm4b:s1+s5], $0x4000, $0x38;
	[tilespmem:$0x1C980] =	vst v63  }
0x6a: {  	s1 =	smov.u32 s9  }
0x6b: {  	p1 =	seq.s32 s9, $0x25000;
	s9 =	sadd.s32 $0x1000, s9;
	_ =	swait.ge [sflag:s3], $0x80  }
0x6c: {  	[sflag:s3] =	ssyncset.done $0x0  }
0x6d: {  	[sflag:s3] =	ssyncadd.s32 $0xFFFFFF80  }
0x6e: {  	_ =	swait.ge [sflag:s11], $0x4000  }
0x6f: {  	[sflag:s11] =	ssyncset.done $0x0  }
0x70: {  	[sflag:s11] =	ssyncadd.s32 $0xFFFFC000  }
0x71: {  	[spmem:s4] =	stream.indirect.scatter.add.f32 [tilespmem:s0], [sflag:$0x5], $0x80, s5, s0, $0xb8;
	[tilespmem:$0x1C980] =	vst v63  }
0x72: {  	_ =	swait.ge [sflag:s31], $0x4000  }
0x73: {  	[sflag:s31] =	ssyncset.done $0x0  }
0x74: {  	s13 =	sadd.s32 $0xFFFFFFF0, s10;
	s1 =	sadd.s32 s1, s20;
	[sflag:s31] =	ssyncadd.s32 $0xFFFFC000  }
0x75: {  	[tilespmem:s5], [sflag:$0x1] =	stream.linear.gather [hbm4b:s13+s5], $0x80, $0x38;
	[tilespmem:$0x1C980] =	vst v63  }
0x76: {  	s13 =	sadd.s32 $0x1000, s1  }
0x77: {  	[tilespmem:s0], [sflag:$0x2] =	stream.linear.gather [hbm4b:s13+s5], $0x4000, $0x38;
	[tilespmem:$0x1C980] =	vst v63  }
0x78: {  	_ =	swait.ge [sflag:s12], $0x80  }
0x79: {  	[sflag:s12] =	ssyncset.done $0x0  }
0x7a: {  	[sflag:s12] =	ssyncadd.s32 $0xFFFFFF80  }
0x7b: {  	_ =	swait.ge [sflag:s23], $0x4000  }
0x7c: {  	[sflag:s23] =	ssyncset.done $0x0  }
0x7d: {  	[sflag:s23] =	ssyncadd.s32 $0xFFFFC000  }
0x7e: {  	[spmem:s4] =	stream.indirect.scatter.add.f32 [tilespmem:s2], [sflag:$0x5], $0x80, s6, s0, $0xb8;
	[tilespmem:$0x1C980] =	vst v63  }
.Ltmp3:
0x7f: {  	_ =	swait.ge [sflag:s31], $0x4000;
	(pc) =	sbr.rel @!p1 .LBB2_3-.Ltmp3, $4  }
0x80: {  	[sflag:s31] =	ssyncset.done $0x0  }
0x81: {  	[sflag:s31] =	ssyncadd.s32 $0xFFFFC000  }
0x82: {  	[tilespmem:s6], [sflag:$0x3] =	stream.linear.gather [hbm4b:s10+s5], $0x80, $0x38;
	[tilespmem:$0x1C980] =	vst v63  }
0x83: {  	s1 =	sadd.s32 $0x1800, s1;
	s10 =	sadd.s32 $0x20, s10  }
.Ltmp4:
0x84: {  	(pc) =	sbr.rel .LBB2_8-.Ltmp4, $4  }
0x85: {  	_ = 	snop  }
0x86: {  	[tilespmem:s2], [sflag:$0x4] =	stream.linear.gather [hbm4b:s1+s5], $0x4000, $0x38;
	[tilespmem:$0x1C980] =	vst v63  }
0x87: {  	s10 =	rddreg [dreg:$0x7]  }
0x88: {  	s9 =	rddreg [dreg:$0x3]  }
.LBB2_5:
0x89: {  	[tilespmem:s0], [sflag:$0x2] =	stream.linear.gather [hbm4b:s16+s1], $0x4000, $0x38;
	[tilespmem:$0x1C980] =	vst v63  }
0x8a: {  	_ = 	snop  }
0x8b: {  	[tilespmem:s6], [sflag:$0x3] =	stream.linear.gather [hbm4b:s17+s1], $0x80, $0x38;
	[tilespmem:$0x1C980] =	vst v63  }
0x8c: {  	s9 =	rddreg [dreg:$0xe]  }
0x8d: {  	[tilespmem:s2], [sflag:$0x4] =	stream.linear.gather [hbm4b:s9+s1], $0x4000, $0x38;
	[tilespmem:$0x1C980] =	vst v63  }
0x8e: {  	_ =	swait.ge [sflag:s3], $0x80  }
0x8f: {  	[sflag:s3] =	ssyncset.done $0x0  }
0x90: {  	[sflag:s3] =	ssyncadd.s32 $0xFFFFFF80  }
0x91: {  	_ =	swait.ge [sflag:s11], $0x4000  }
0x92: {  	[sflag:s11] =	ssyncset.done $0x0  }
0x93: {  	[sflag:s11] =	ssyncadd.s32 $0xFFFFC000  }
0x94: {  	[spmem:s4] =	stream.indirect.scatter.add.f32 [tilespmem:s0], [sflag:$0x5], $0x80, s5, s0, $0xb8;
	[tilespmem:$0x1C980] =	vst v63  }
0x95: {  	_ =	swait.ge [sflag:s31], $0x4000  }
0x96: {  	[sflag:s31] =	ssyncset.done $0x0  }
0x97: {  	s10 =	sadd.s32 $0x0, s16;
	s9 =	sadd.s32 $0xFFFFFFF0, s29;
	[sflag:s31] =	ssyncadd.s32 $0xFFFFC000  }
0x98: {  	[tilespmem:s5], [sflag:$0x1] =	stream.linear.gather [hbm4b:s9+s5], $0x80, $0x38;
	[tilespmem:$0x1C980] =	vst v63  }
0x99: {  	s13 =	sadd.s32 $0x1000, s10  }
0x9a: {  	[tilespmem:s0], [sflag:$0x2] =	stream.linear.gather [hbm4b:s13+s5], $0x4000, $0x38;
	[tilespmem:$0x1C980] =	vst v63  }
0x9b: {  	_ =	swait.ge [sflag:s12], $0x80  }
0x9c: {  	[sflag:s12] =	ssyncset.done $0x0  }
0x9d: {  	[sflag:s12] =	ssyncadd.s32 $0xFFFFFF80  }
0x9e: {  	_ =	swait.ge [sflag:s23], $0x4000  }
0x9f: {  	[sflag:s23] =	ssyncset.done $0x0  }
0xa0: {  	[sflag:s23] =	ssyncadd.s32 $0xFFFFC000  }
0xa1: {  	[spmem:s4] =	stream.indirect.scatter.add.f32 [tilespmem:s2], [sflag:$0x5], $0x80, s6, s0, $0xb8;
	[tilespmem:$0x1C980] =	vst v63  }
0xa2: {  	_ =	swait.ge [sflag:s31], $0x4000  }
0xa3: {  	s1 =	sadd.s32 $0x1800, s10;
	[sflag:s31] =	ssyncset.done $0x0  }
0xa4: {  	s10 =	sadd.s32 $0x20, s29;
	s9 =	simm.s32 $0x1000;
	[sflag:s31] =	ssyncadd.s32 $0xFFFFC000  }
0xa5: {  	[tilespmem:s6], [sflag:$0x3] =	stream.linear.gather [hbm4b:s29+s5], $0x80, $0x38;
	[tilespmem:$0x1C980] =	vst v63  }
.LBB2_6:
0xa6: {  	[tilespmem:s2], [sflag:$0x4] =	stream.linear.gather [hbm4b:s1+s5], $0x4000, $0x38;
	[tilespmem:$0x1C980] =	vst v63  }
0xa7: {  	s1 =	smov.u32 s9  }
0xa8: {  	p1 =	sne.s32 s9, $0x25000;
	s9 =	sadd.s32 $0x1000, s9;
	_ =	swait.ge [sflag:s3], $0x80  }
0xa9: {  	[sflag:s3] =	ssyncset.done $0x0  }
0xaa: {  	[sflag:s3] =	ssyncadd.s32 $0xFFFFFF80  }
0xab: {  	_ =	swait.ge [sflag:s11], $0x4000  }
0xac: {  	[sflag:s11] =	ssyncset.done $0x0  }
0xad: {  	[sflag:s11] =	ssyncadd.s32 $0xFFFFC000  }
0xae: {  	[spmem:s4] =	stream.indirect.scatter.add.f32 [tilespmem:s0], [sflag:$0x5], $0x80, s5, s0, $0xb8;
	[tilespmem:$0x1C980] =	vst v63  }
0xaf: {  	_ =	swait.ge [sflag:s31], $0x4000  }
0xb0: {  	[sflag:s31] =	ssyncset.done $0x0  }
0xb1: {  	s13 =	sadd.s32 $0xFFFFFFF0, s10;
	s1 =	sadd.s32 s1, s16;
	[sflag:s31] =	ssyncadd.s32 $0xFFFFC000  }
0xb2: {  	[tilespmem:s5], [sflag:$0x1] =	stream.linear.gather [hbm4b:s13+s5], $0x80, $0x38;
	[tilespmem:$0x1C980] =	vst v63  }
0xb3: {  	s13 =	sadd.s32 $0x1000, s1  }
0xb4: {  	[tilespmem:s0], [sflag:$0x2] =	stream.linear.gather [hbm4b:s13+s5], $0x4000, $0x38;
	[tilespmem:$0x1C980] =	vst v63  }
0xb5: {  	_ =	swait.ge [sflag:s12], $0x80  }
0xb6: {  	[sflag:s12] =	ssyncset.done $0x0  }
0xb7: {  	[sflag:s12] =	ssyncadd.s32 $0xFFFFFF80  }
0xb8: {  	_ =	swait.ge [sflag:s23], $0x4000  }
0xb9: {  	[sflag:s23] =	ssyncset.done $0x0  }
0xba: {  	[sflag:s23] =	ssyncadd.s32 $0xFFFFC000  }
0xbb: {  	[spmem:s4] =	stream.indirect.scatter.add.f32 [tilespmem:s2], [sflag:$0x5], $0x80, s6, s0, $0xb8;
	[tilespmem:$0x1C980] =	vst v63  }
.Ltmp5:
0xbc: {  	_ =	swait.ge [sflag:s31], $0x4000;
	(pc) =	sbr.rel @p1 .LBB2_6-.Ltmp5, $4  }
0xbd: {  	[sflag:s31] =	ssyncset.done $0x0  }
0xbe: {  	[sflag:s31] =	ssyncadd.s32 $0xFFFFC000  }
0xbf: {  	[tilespmem:s6], [sflag:$0x3] =	stream.linear.gather [hbm4b:s10+s5], $0x80, $0x38;
	[tilespmem:$0x1C980] =	vst v63  }
0xc0: {  	s1 =	sadd.s32 $0x1800, s1;
	s10 =	sadd.s32 $0x20, s10  }
0xc1: {  	[tilespmem:s2], [sflag:$0x4] =	stream.linear.gather [hbm4b:s1+s5], $0x4000, $0x38;
	[tilespmem:$0x1C980] =	vst v63  }
0xc2: {  	s10 =	rddreg [dreg:$0x8]  }
0xc3: {  	s9 =	rddreg [dreg:$0x4]  }
.LBB2_8:
0xc4: {  	_ =	swait.ge [sflag:s3], $0x80  }
0xc5: {  	[sflag:s3] =	ssyncset.done $0x0  }
0xc6: {  	[sflag:s3] =	ssyncadd.s32 $0xFFFFFF80  }
0xc7: {  	_ =	swait.ge [sflag:s11], $0x4000  }
0xc8: {  	[sflag:s11] =	ssyncset.done $0x0  }
0xc9: {  	[sflag:s11] =	ssyncadd.s32 $0xFFFFC000  }
0xca: {  	[spmem:s4] =	stream.indirect.scatter.add.f32 [tilespmem:s0], [sflag:$0x5], $0x80, s5, s0, $0xb8;
	[tilespmem:$0x1C980] =	vst v63  }
0xcb: {  	_ =	swait.ge [sflag:s31], $0x4000  }
0xcc: {  	[sflag:s31] =	ssyncset.done $0x0  }
0xcd: {  	[sflag:s31] =	ssyncadd.s32 $0xFFFFC000  }
0xce: {  	_ =	swait.ge [sflag:s12], $0x80  }
0xcf: {  	[sflag:s12] =	ssyncset.done $0x0  }
0xd0: {  	[sflag:s12] =	ssyncadd.s32 $0xFFFFFF80  }
0xd1: {  	_ =	swait.ge [sflag:s23], $0x4000  }
0xd2: {  	[sflag:s23] =	ssyncset.done $0x0  }
0xd3: {  	[sflag:s23] =	ssyncadd.s32 $0xFFFFC000  }
0xd4: {  	[spmem:s4] =	stream.indirect.scatter.add.f32 [tilespmem:s2], [sflag:$0x5], $0x80, s6, s0, $0xb8;
	[tilespmem:$0x1C980] =	vst v63  }
0xd5: {  	_ =	swait.ge [sflag:s31], $0x4000  }
0xd6: {  	[sflag:s31] =	ssyncset.done $0x0  }
0xd7: {  	[sflag:s31] =	ssyncadd.s32 $0xFFFFC000  }
0xd8: {  	[tilespmem:s24], [sflag:$0x5] =	stream.linear.gather [hbm4b:s18+s5], $0x10, $0x38;
	[tilespmem:$0x1C980] =	vst v63  }
0xd9: {  	_ =	swait.ge [sflag:s31], $0x10  }
0xda: {  	[sflag:s31] =	ssyncset.done $0x0  }
0xdb: {  	s1 =	sadd.s32 s10, s19;
	[sflag:s31] =	ssyncadd.s32 $0xFFFFFFF0  }
0xdc: {  	[tilespmem:s25], [sflag:$0x5] =	stream.linear.gather [hbm4b:s1+s5], $0x800, $0x38;
	[tilespmem:$0x1C980] =	vst v63  }
0xdd: {  	_ =	swait.ge [sflag:s31], $0x800  }
0xde: {  	[sflag:s31] =	ssyncset.done $0x0  }
0xdf: {  	[sflag:s31] =	ssyncadd.s32 $0xFFFFF800  }
0xe0: {  	[spmem:s4] =	stream.indirect.scatter.add.f32 [tilespmem:s25], [sflag:$0x5], $0x80, s24, s26, $0xb8;
	[tilespmem:$0x1C980] =	vst v63  }
0xe1: {  	_ =	swait.ge [sflag:s31], $0x800  }
0xe2: {  	[sflag:s31] =	ssyncset.done $0x0  }
0xe3: {  	[sflag:s31] =	ssyncadd.s32 $0xFFFFF800  }
0xe4: {  	s10 =	sadd.s32 s9, s30;
	[bflag:$0x0] =	sbarrier.arrive $0xFFFF  }
0xe5: {  	[hbm:s10], [sflag:s14] =	dma.local [spmem:s8], $0x2800  }
0xe6: {  	_ =	swait.ge [sflag:s31], $0x2800  }
0xe7: {  	[sflag:s31] =	ssyncset.done $0x0  }
0xe8: {  	[sflag:s31] =	ssyncadd.s32 $0xFFFFD800  }
0xe9: {  	[bflag:$0x0] =	sbarrier.arrive $0xFFFF  }
0xea: {  	s13 =	rddreg [dreg:$0x2]  }
0xeb: {  	[spmem:s8], [sflag:s14] =	dma.local [hbm:s13], $0x2800  }
.Ltmp6:
0xec: {  	_ =	swait.ge [sflag:s31], $0x2800;
	(pc) =	sbr.rel @p0 .LBB2_12-.Ltmp6, $4  }
0xed: {  	[sflag:s31] =	ssyncset.done $0x0  }
0xee: {  	[sflag:s31] =	ssyncadd.s32 $0xFFFFD800  }
0xef: {  	s1 =	simm.s32 $0x0;
	[bflag:$0x0] =	sbarrier.arrive $0xFFFF  }
0xf0: {  	[tilespmem:s5], [sflag:$0x1] =	stream.linear.gather [hbm4b:s15+s5], $0x80, $0x38;
	[tilespmem:$0x1C980] =	vst v63  }
0xf1: {  	[tilespmem:s0], [sflag:$0x2] =	stream.linear.gather [hbm4b:s22+s1], $0x4000, $0x38;
	[tilespmem:$0x1C980] =	vst v63  }
0xf2: {  	_ = 	snop  }
0xf3: {  	[tilespmem:s6], [sflag:$0x3] =	stream.linear.gather [hbm4b:s17+s1], $0x80, $0x38;
	[tilespmem:$0x1C980] =	vst v63  }
0xf4: {  	s9 =	rddreg [dreg:$0x11]  }
0xf5: {  	[tilespmem:s2], [sflag:$0x4] =	stream.linear.gather [hbm4b:s9+s1], $0x4000, $0x38;
	[tilespmem:$0x1C980] =	vst v63  }
0xf6: {  	_ =	swait.ge [sflag:s3], $0x80  }
0xf7: {  	[sflag:s3] =	ssyncset.done $0x0  }
0xf8: {  	[sflag:s3] =	ssyncadd.s32 $0xFFFFFF80  }
0xf9: {  	_ =	swait.ge [sflag:s11], $0x4000  }
0xfa: {  	[sflag:s11] =	ssyncset.done $0x0  }
0xfb: {  	[sflag:s11] =	ssyncadd.s32 $0xFFFFC000  }
0xfc: {  	[spmem:s4] =	stream.indirect.scatter.add.f32 [tilespmem:s0], [sflag:$0x5], $0x80, s5, s0, $0xb8;
	[tilespmem:$0x1C980] =	vst v63  }
0xfd: {  	_ =	swait.ge [sflag:s31], $0x4000  }
0xfe: {  	[sflag:s31] =	ssyncset.done $0x0  }
0xff: {  	s10 =	sadd.s32 $0x0, s22;
	s9 =	sadd.s32 $0xFFFFFFF0, s29;
	[sflag:s31] =	ssyncadd.s32 $0xFFFFC000  }
0x100: {  	[tilespmem:s5], [sflag:$0x1] =	stream.linear.gather [hbm4b:s9+s5], $0x80, $0x38;
	[tilespmem:$0x1C980] =	vst v63  }
0x101: {  	s13 =	sadd.s32 $0x1000, s10  }
0x102: {  	[tilespmem:s0], [sflag:$0x2] =	stream.linear.gather [hbm4b:s13+s5], $0x4000, $0x38;
	[tilespmem:$0x1C980] =	vst v63  }
0x103: {  	_ =	swait.ge [sflag:s12], $0x80  }
0x104: {  	[sflag:s12] =	ssyncset.done $0x0  }
0x105: {  	[sflag:s12] =	ssyncadd.s32 $0xFFFFFF80  }
0x106: {  	_ =	swait.ge [sflag:s23], $0x4000  }
0x107: {  	[sflag:s23] =	ssyncset.done $0x0  }
0x108: {  	[sflag:s23] =	ssyncadd.s32 $0xFFFFC000  }
0x109: {  	[spmem:s4] =	stream.indirect.scatter.add.f32 [tilespmem:s2], [sflag:$0x5], $0x80, s6, s0, $0xb8;
	[tilespmem:$0x1C980] =	vst v63  }
0x10a: {  	_ =	swait.ge [sflag:s31], $0x4000  }
0x10b: {  	s1 =	sadd.s32 $0x1800, s10;
	[sflag:s31] =	ssyncset.done $0x0  }
0x10c: {  	s10 =	sadd.s32 $0x20, s29;
	s9 =	simm.s32 $0x1000;
	[sflag:s31] =	ssyncadd.s32 $0xFFFFC000  }
0x10d: {  	[tilespmem:s6], [sflag:$0x3] =	stream.linear.gather [hbm4b:s29+s5], $0x80, $0x38;
	[tilespmem:$0x1C980] =	vst v63  }
.LBB2_10:
0x10e: {  	[tilespmem:s2], [sflag:$0x4] =	stream.linear.gather [hbm4b:s1+s5], $0x4000, $0x38;
	[tilespmem:$0x1C980] =	vst v63  }
0x10f: {  	s1 =	smov.u32 s9  }
0x110: {  	p1 =	seq.s32 s9, $0x25000;
	s9 =	sadd.s32 $0x1000, s9;
	_ =	swait.ge [sflag:s3], $0x80  }
0x111: {  	[sflag:s3] =	ssyncset.done $0x0  }
0x112: {  	[sflag:s3] =	ssyncadd.s32 $0xFFFFFF80  }
0x113: {  	_ =	swait.ge [sflag:s11], $0x4000  }
0x114: {  	[sflag:s11] =	ssyncset.done $0x0  }
0x115: {  	[sflag:s11] =	ssyncadd.s32 $0xFFFFC000  }
0x116: {  	[spmem:s4] =	stream.indirect.scatter.add.f32 [tilespmem:s0], [sflag:$0x5], $0x80, s5, s0, $0xb8;
	[tilespmem:$0x1C980] =	vst v63  }
0x117: {  	_ =	swait.ge [sflag:s31], $0x4000  }
0x118: {  	[sflag:s31] =	ssyncset.done $0x0  }
0x119: {  	s13 =	sadd.s32 $0xFFFFFFF0, s10;
	s1 =	sadd.s32 s1, s22;
	[sflag:s31] =	ssyncadd.s32 $0xFFFFC000  }
0x11a: {  	[tilespmem:s5], [sflag:$0x1] =	stream.linear.gather [hbm4b:s13+s5], $0x80, $0x38;
	[tilespmem:$0x1C980] =	vst v63  }
0x11b: {  	s13 =	sadd.s32 $0x1000, s1  }
0x11c: {  	[tilespmem:s0], [sflag:$0x2] =	stream.linear.gather [hbm4b:s13+s5], $0x4000, $0x38;
	[tilespmem:$0x1C980] =	vst v63  }
0x11d: {  	_ =	swait.ge [sflag:s12], $0x80  }
0x11e: {  	[sflag:s12] =	ssyncset.done $0x0  }
0x11f: {  	[sflag:s12] =	ssyncadd.s32 $0xFFFFFF80  }
0x120: {  	_ =	swait.ge [sflag:s23], $0x4000  }
0x121: {  	[sflag:s23] =	ssyncset.done $0x0  }
0x122: {  	[sflag:s23] =	ssyncadd.s32 $0xFFFFC000  }
0x123: {  	[spmem:s4] =	stream.indirect.scatter.add.f32 [tilespmem:s2], [sflag:$0x5], $0x80, s6, s0, $0xb8;
	[tilespmem:$0x1C980] =	vst v63  }
.Ltmp7:
0x124: {  	_ =	swait.ge [sflag:s31], $0x4000;
	(pc) =	sbr.rel @!p1 .LBB2_10-.Ltmp7, $4  }
0x125: {  	[sflag:s31] =	ssyncset.done $0x0  }
0x126: {  	[sflag:s31] =	ssyncadd.s32 $0xFFFFC000  }
0x127: {  	[tilespmem:s6], [sflag:$0x3] =	stream.linear.gather [hbm4b:s10+s5], $0x80, $0x38;
	[tilespmem:$0x1C980] =	vst v63  }
0x128: {  	s1 =	sadd.s32 $0x1800, s1;
	s10 =	sadd.s32 $0x20, s10  }
.Ltmp8:
0x129: {  	(pc) =	sbr.rel .LBB2_15-.Ltmp8, $4  }
0x12a: {  	_ = 	snop  }
0x12b: {  	[tilespmem:s2], [sflag:$0x4] =	stream.linear.gather [hbm4b:s1+s5], $0x4000, $0x38;
	[tilespmem:$0x1C980] =	vst v63  }
0x12c: {  	s10 =	rddreg [dreg:$0x9]  }
0x12d: {  	s9 =	rddreg [dreg:$0xb]  }
.LBB2_12:
0x12e: {  	[tilespmem:s0], [sflag:$0x2] =	stream.linear.gather [hbm4b:s21+s1], $0x4000, $0x38;
	[tilespmem:$0x1C980] =	vst v63  }
0x12f: {  	_ = 	snop  }
0x130: {  	[tilespmem:s6], [sflag:$0x3] =	stream.linear.gather [hbm4b:s17+s1], $0x80, $0x38;
	[tilespmem:$0x1C980] =	vst v63  }
0x131: {  	s9 =	rddreg [dreg:$0x10]  }
0x132: {  	[tilespmem:s2], [sflag:$0x4] =	stream.linear.gather [hbm4b:s9+s1], $0x4000, $0x38;
	[tilespmem:$0x1C980] =	vst v63  }
0x133: {  	_ =	swait.ge [sflag:s3], $0x80  }
0x134: {  	[sflag:s3] =	ssyncset.done $0x0  }
0x135: {  	[sflag:s3] =	ssyncadd.s32 $0xFFFFFF80  }
0x136: {  	_ =	swait.ge [sflag:s11], $0x4000  }
0x137: {  	[sflag:s11] =	ssyncset.done $0x0  }
0x138: {  	[sflag:s11] =	ssyncadd.s32 $0xFFFFC000  }
0x139: {  	[spmem:s4] =	stream.indirect.scatter.add.f32 [tilespmem:s0], [sflag:$0x5], $0x80, s5, s0, $0xb8;
	[tilespmem:$0x1C980] =	vst v63  }
0x13a: {  	_ =	swait.ge [sflag:s31], $0x4000  }
0x13b: {  	[sflag:s31] =	ssyncset.done $0x0  }
0x13c: {  	s10 =	sadd.s32 $0x0, s21;
	s9 =	sadd.s32 $0xFFFFFFF0, s29;
	[sflag:s31] =	ssyncadd.s32 $0xFFFFC000  }
0x13d: {  	[tilespmem:s5], [sflag:$0x1] =	stream.linear.gather [hbm4b:s9+s5], $0x80, $0x38;
	[tilespmem:$0x1C980] =	vst v63  }
0x13e: {  	s13 =	sadd.s32 $0x1000, s10  }
0x13f: {  	[tilespmem:s0], [sflag:$0x2] =	stream.linear.gather [hbm4b:s13+s5], $0x4000, $0x38;
	[tilespmem:$0x1C980] =	vst v63  }
0x140: {  	_ =	swait.ge [sflag:s12], $0x80  }
0x141: {  	[sflag:s12] =	ssyncset.done $0x0  }
0x142: {  	[sflag:s12] =	ssyncadd.s32 $0xFFFFFF80  }
0x143: {  	_ =	swait.ge [sflag:s23], $0x4000  }
0x144: {  	[sflag:s23] =	ssyncset.done $0x0  }
0x145: {  	[sflag:s23] =	ssyncadd.s32 $0xFFFFC000  }
0x146: {  	[spmem:s4] =	stream.indirect.scatter.add.f32 [tilespmem:s2], [sflag:$0x5], $0x80, s6, s0, $0xb8;
	[tilespmem:$0x1C980] =	vst v63  }
0x147: {  	_ =	swait.ge [sflag:s31], $0x4000  }
0x148: {  	s1 =	sadd.s32 $0x1800, s10;
	[sflag:s31] =	ssyncset.done $0x0  }
0x149: {  	s10 =	sadd.s32 $0x20, s29;
	s9 =	simm.s32 $0x1000;
	[sflag:s31] =	ssyncadd.s32 $0xFFFFC000  }
0x14a: {  	[tilespmem:s6], [sflag:$0x3] =	stream.linear.gather [hbm4b:s29+s5], $0x80, $0x38;
	[tilespmem:$0x1C980] =	vst v63  }
.LBB2_13:
0x14b: {  	[tilespmem:s2], [sflag:$0x4] =	stream.linear.gather [hbm4b:s1+s5], $0x4000, $0x38;
	[tilespmem:$0x1C980] =	vst v63  }
0x14c: {  	s1 =	smov.u32 s9  }
0x14d: {  	p1 =	sne.s32 s9, $0x25000;
	s9 =	sadd.s32 $0x1000, s9;
	_ =	swait.ge [sflag:s3], $0x80  }
0x14e: {  	[sflag:s3] =	ssyncset.done $0x0  }
0x14f: {  	[sflag:s3] =	ssyncadd.s32 $0xFFFFFF80  }
0x150: {  	_ =	swait.ge [sflag:s11], $0x4000  }
0x151: {  	[sflag:s11] =	ssyncset.done $0x0  }
0x152: {  	[sflag:s11] =	ssyncadd.s32 $0xFFFFC000  }
0x153: {  	[spmem:s4] =	stream.indirect.scatter.add.f32 [tilespmem:s0], [sflag:$0x5], $0x80, s5, s0, $0xb8;
	[tilespmem:$0x1C980] =	vst v63  }
0x154: {  	_ =	swait.ge [sflag:s31], $0x4000  }
0x155: {  	[sflag:s31] =	ssyncset.done $0x0  }
0x156: {  	s13 =	sadd.s32 $0xFFFFFFF0, s10;
	s1 =	sadd.s32 s1, s21;
	[sflag:s31] =	ssyncadd.s32 $0xFFFFC000  }
0x157: {  	[tilespmem:s5], [sflag:$0x1] =	stream.linear.gather [hbm4b:s13+s5], $0x80, $0x38;
	[tilespmem:$0x1C980] =	vst v63  }
0x158: {  	s13 =	sadd.s32 $0x1000, s1  }
0x159: {  	[tilespmem:s0], [sflag:$0x2] =	stream.linear.gather [hbm4b:s13+s5], $0x4000, $0x38;
	[tilespmem:$0x1C980] =	vst v63  }
0x15a: {  	_ =	swait.ge [sflag:s12], $0x80  }
0x15b: {  	[sflag:s12] =	ssyncset.done $0x0  }
0x15c: {  	[sflag:s12] =	ssyncadd.s32 $0xFFFFFF80  }
0x15d: {  	_ =	swait.ge [sflag:s23], $0x4000  }
0x15e: {  	[sflag:s23] =	ssyncset.done $0x0  }
0x15f: {  	[sflag:s23] =	ssyncadd.s32 $0xFFFFC000  }
0x160: {  	[spmem:s4] =	stream.indirect.scatter.add.f32 [tilespmem:s2], [sflag:$0x5], $0x80, s6, s0, $0xb8;
	[tilespmem:$0x1C980] =	vst v63  }
.Ltmp9:
0x161: {  	_ =	swait.ge [sflag:s31], $0x4000;
	(pc) =	sbr.rel @p1 .LBB2_13-.Ltmp9, $4  }
0x162: {  	[sflag:s31] =	ssyncset.done $0x0  }
0x163: {  	[sflag:s31] =	ssyncadd.s32 $0xFFFFC000  }
0x164: {  	[tilespmem:s6], [sflag:$0x3] =	stream.linear.gather [hbm4b:s10+s5], $0x80, $0x38;
	[tilespmem:$0x1C980] =	vst v63  }
0x165: {  	s1 =	sadd.s32 $0x1800, s1;
	s10 =	sadd.s32 $0x20, s10  }
.Ltmp10:
0x166: {  	_ = 	snop;
	(pc) =	sbr.rel .LBB2_14-.Ltmp10, $1  }
0x167: {  	_ =	sdelay $0x3  }
.LBB2_16:
0x168: {  	_ =	sfence.sel $0x180000  }
0x169: {  	[bflag:$0x0] =	sbarrier.arrive $0xFFFF  }
0x16a: {  	_ =	strace $0x9000004A  }
0x16b: {  	s0 =	stileid.u32;
	[bflag:$0x2] =	sbarrier.arrive $0xFFFF  }
0x16c: {  	p0 =	sne.s32 s0, $0x0;
	s0 =	rddreg [dreg:$0x6]  }
0x16d: {  	s0 =	sadd.s32 @!p0 $0x100000, s0  }
0x16e: {  	[sflag:s0] =	ssyncadd.tile.s32 @!p0 $0x1;
	_ =	shalt  }
.Lfunc_end2:
_tile_overlayer_lowered:
.L_overlay_start_2:
0x16f: {  	(tag) =	ssettag $0x2  }
0x170: {  	s0 =	rddreg [dreg:$0x0];
	s2 =	stileid.u32  }
0x171: {  	s1 =	rddreg [dreg:$0x1];
	p0 =	sne.s32 s2, $0x0  }
0x172: {  	s3 =	rddreg [dreg:$0x2];
	[bflag:$0x3] =	sbarrier.arrive $0xFFFF;
	s2 =	simm.s32 @!p0 $0x1C05  }
0x173: {  	[timem:s3], [sflag:s2] =	dma.local @!p0 [hbm:s0], s1  }
0x174: {  	s0 =	simm.s32 @!p0 $0x5  }
0x175: {  	_ =	swait.ge @!p0 [sflag:s0], s1  }
0x176: {  	s1 =	ssub.s32 @!p0 $0x0, s1;
	[sflag:s0] =	ssyncset.done @!p0 $0x0  }
0x177: {  	[sflag:s0] =	ssyncadd.s32 @!p0 s1  }
0x178: {  	[bflag:$0x3] =	sbarrier.arrive $0xFFFF  }
0x179: {  	_ =	shalt  }

</sc_bundles>
